<compile_context>
chip_gen: v7x
topology: tpu7x:2x2x1
jax: 0.10.2.dev20260603
libtpu: 0.0.44.dev20260713+nightly
codegen_flags: <defaults>
</compile_context>

<pallas_src>
import jax
import jax.numpy as jnp
from jax import lax
from jax.experimental import pallas as pl
from jax.experimental.pallas import tpu as pltpu
from jax.experimental.pallas import tpu_sc as plsc

N_NODES = 10000
N_EDGES = 320000
D = 128

NC = 2
NS = 16
NW = NC * NS
EPW = N_EDGES // NW
K = 125
CHUNKS = EPW // K
RB = 80
RCHUNKS = N_NODES // RB

_mesh = plsc.VectorSubcoreMesh(core_axis_name="c", subcore_axis_name="s")


def _make_agg(with_gather: bool):
    NB = 2
    scratch = (
        [pltpu.VMEM((2, K), jnp.int32) for _ in range(NB)]
        + [pltpu.VMEM((K, D), jnp.float32) for _ in range(NB)]
        + [
            pltpu.VMEM((RB, D), jnp.float32),
            pltpu.VMEM_SHARED((N_NODES, D), jnp.float32),
        ]
        + [pltpu.SemaphoreType.DMA for _ in range(2 * NB)]
    )

    def body(h_hbm, ei_hbm, zd_hbm, *rest):
        p_hbm = rest[0]
        idx = rest[1:1 + NB]
        rows = rest[1 + NB:1 + 2 * NB]
        zbuf, acc = rest[1 + 2 * NB:3 + 2 * NB]
        sems = rest[3 + 2 * NB:]
        sab = sems[:NB]
        scs = sems[NB:2 * NB]
        c = lax.axis_index("c")
        s = lax.axis_index("s")
        wid = c * NS + s

        pltpu.sync_copy(zd_hbm, zbuf)
        if not with_gather:
            for r in rows:
                pltpu.sync_copy(h_hbm.at[pl.ds(0, K)], r)

        @pl.loop(s, RCHUNKS, step=NS)
        def _(j):
            rb = pl.multiple_of(j * RB, 8)
            pltpu.sync_copy(zbuf, acc.at[pl.ds(rb, RB)])

        plsc.subcore_barrier()

        cbase = wid * CHUNKS
        OUTER = CHUNKS // NB

        @pl.loop(0, OUTER)
        def _(g):
            jb = cbase + NB * g

            @pl.when(g > 0)
            def _():
                pltpu.make_async_copy(rows[0], acc.at[idx[0].at[1]],
                                      scs[0]).wait()

            aA = pltpu.async_copy(ei_hbm.at[jb], idx[0], sab[0])

            @pl.when(g > 0)
            def _():
                pltpu.make_async_copy(rows[1], acc.at[idx[1].at[1]],
                                      scs[1]).wait()

            aB = pltpu.async_copy(ei_hbm.at[jb + 1], idx[1], sab[1])
            if with_gather:
                aA.wait()
                gA = pltpu.async_copy(h_hbm.at[idx[0].at[0]], rows[0],
                                      sab[0])
                aB.wait()
                gB = pltpu.async_copy(h_hbm.at[idx[1].at[0]], rows[1],
                                      sab[1])
                gA.wait()
                pltpu.async_copy(rows[0], acc.at[idx[0].at[1]], scs[0],
                                 add=True)
                gB.wait()
                pltpu.async_copy(rows[1], acc.at[idx[1].at[1]], scs[1],
                                 add=True)
            else:
                aA.wait()
                pltpu.async_copy(rows[0], acc.at[idx[0].at[1]], scs[0],
                                 add=True)
                aB.wait()
                pltpu.async_copy(rows[1], acc.at[idx[1].at[1]], scs[1],
                                 add=True)

        for b in range(NB):
            pltpu.make_async_copy(rows[b], acc.at[idx[b].at[1]],
                                  scs[b]).wait()

        plsc.subcore_barrier()

        obase = c * N_NODES

        @pl.loop(s, RCHUNKS, step=NS)
        def _(j):
            rb = pl.multiple_of(j * RB, 8)
            ob = pl.multiple_of(obase + j * RB, 8)
            pltpu.sync_copy(acc.at[pl.ds(rb, RB)], zbuf)
            pltpu.sync_copy(zbuf, p_hbm.at[pl.ds(ob, RB)])

    return pl.kernel(
        body,
        out_type=jax.ShapeDtypeStruct((NC * N_NODES, D), jnp.float32),
        mesh=_mesh, scratch_types=scratch)


_agg = _make_agg(True)
_counts = _make_agg(False)


def _tc_layer1(p_ref, pc_ref, h_ref, wl_ref, wr_ref, b_ref,
               out_ref, recip_ref):
    cnt = pc_ref[0, :, 0:1] + pc_ref[1, :, 0:1]
    recip = 1.0 / jnp.maximum(cnt, 1.0)
    recip_b = jnp.broadcast_to(recip, (N_NODES, D))
    recip_ref[...] = recip_b
    mean = (p_ref[0] + p_ref[1]) * recip_b
    acc = jnp.dot(mean, wl_ref[...], preferred_element_type=jnp.float32)
    acc += jnp.dot(h_ref[...], wr_ref[...], preferred_element_type=jnp.float32)
    out_ref[...] = jnp.maximum(acc + b_ref[...], 0.0)


def _tc_layer(p_ref, recip_ref, h_ref, wl_ref, wr_ref, b_ref, out_ref):
    mean = (p_ref[0] + p_ref[1]) * recip_ref[...]
    acc = jnp.dot(mean, wl_ref[...], preferred_element_type=jnp.float32)
    acc += jnp.dot(h_ref[...], wr_ref[...], preferred_element_type=jnp.float32)
    out_ref[...] = jnp.maximum(acc + b_ref[...], 0.0)


def _tc_layer3(p_ref, recip_ref, h_ref, wl_ref, wr_ref, b_ref,
               wg_ref, bg_ref, out_ref):
    mean = (p_ref[0] + p_ref[1]) * recip_ref[...]
    acc = jnp.dot(mean, wl_ref[...], preferred_element_type=jnp.float32)
    acc += jnp.dot(h_ref[...], wr_ref[...], preferred_element_type=jnp.float32)
    h3 = jnp.maximum(acc + b_ref[...], 0.0)
    g = jnp.mean(h3, axis=0, keepdims=True)
    z = jnp.dot(g, wg_ref[...], preferred_element_type=jnp.float32) + bg_ref[...]
    out_ref[...] = 1.0 / (1.0 + jnp.exp(-z))


def kernel(x, edge_index, W1_l, W1_r, b1, W2_l, W2_r, b2, W3_l, W3_r, b3,
           Wg, bg):
    ei = jnp.stack([edge_index[0].astype(jnp.int32).reshape(-1, K),
                    edge_index[1].astype(jnp.int32).reshape(-1, K)], axis=1)
    zd = jnp.zeros((RB, D), jnp.float32)
    ones = jnp.ones((K, D), jnp.float32)
    b1r = b1.reshape(1, D)
    b2r = b2.reshape(1, D)
    b3r = b3.reshape(1, D)
    bgr = bg.reshape(1, -1)

    pc = _counts(ones, ei, zd).reshape(NC, N_NODES, D)
    p1 = _agg(x, ei, zd).reshape(NC, N_NODES, D)
    h1, recip = pl.pallas_call(
        _tc_layer1,
        out_shape=(jax.ShapeDtypeStruct((N_NODES, D), jnp.float32),
                   jax.ShapeDtypeStruct((N_NODES, D), jnp.float32)),
    )(p1, pc, x, W1_l, W1_r, b1r)

    p2 = _agg(h1, ei, zd).reshape(NC, N_NODES, D)
    h2 = pl.pallas_call(
        _tc_layer,
        out_shape=jax.ShapeDtypeStruct((N_NODES, D), jnp.float32),
    )(p2, recip, h1, W2_l, W2_r, b2r)

    p3 = _agg(h2, ei, zd).reshape(NC, N_NODES, D)
    out = pl.pallas_call(
        _tc_layer3,
        out_shape=jax.ShapeDtypeStruct((1, Wg.shape[1]), jnp.float32),
    )(p3, recip, h2, W3_l, W3_r, b3r, Wg, bgr)
    return out

# --- scband reference (transcript-rebuilt; emitter-appended) ---
"""Pipeline reference for scband-enc-72739566125089 (READ-ONLY COPY).

The authoritative reference and input builder live on the scoring server;
editing this copy changes nothing except your own understanding.
"""

import jax, jax.numpy as jnp
import numpy as np

N_NODES = 10000
N_EDGES = 320000
D_IN = 128
D_HID = 128
D_LAT = 32


def _glorot(key, shape):
    fan_in, fan_out = shape[0], shape[1]
    lim = np.sqrt(6.0 / (fan_in + fan_out))
    return jax.random.uniform(key, shape, jnp.float32, -lim, lim)


def setup_inputs(seed: int = 0) -> dict:
    key = jax.random.key(seed)
    ks = jax.random.split(key, 16)
    x = jax.random.normal(ks[0], (N_NODES, D_IN), jnp.float32)
    edge_index = jax.random.randint(ks[1], (2, N_EDGES), 0, N_NODES, jnp.int64)
    inp = {
        'x': x,
        'edge_index': edge_index,
        'W1_l': _glorot(ks[2], (D_IN, D_HID)),
        'W1_r': _glorot(ks[3], (D_IN, D_HID)),
        'b1': jnp.zeros((D_HID,), jnp.float32),
        'W2_l': _glorot(ks[4], (D_HID, D_HID)),
        'W2_r': _glorot(ks[5], (D_HID, D_HID)),
        'b2': jnp.zeros((D_HID,), jnp.float32),
        'W3_l': _glorot(ks[6], (D_HID, D_HID)),
        'W3_r': _glorot(ks[7], (D_HID, D_HID)),
        'b3': jnp.zeros((D_HID,), jnp.float32),
        'Wg': _glorot(ks[8], (D_HID, D_LAT)),
        'bg': jnp.zeros((D_LAT,), jnp.float32),
    }
    return inp


def _sage_conv(x, Wl, Wr, b, src, dst, n_nodes):
    # PyG SAGEConv with mean aggregation:
    #   out = lin_l(mean_{j in N(i)} x_j) + lin_r(x_i)
    msg = x[src]                                   # gather source node features [E, d]
    agg = jax.ops.segment_sum(msg, dst, num_segments=n_nodes)
    cnt = jax.ops.segment_sum(jnp.ones((src.shape[0],), x.dtype), dst, num_segments=n_nodes)
    mean = agg / jnp.clip(cnt, 1.0)[:, None]
    return mean @ Wl + x @ Wr + b


def reference(x, edge_index, W1_l, W1_r, b1, W2_l, W2_r, b2, W3_l, W3_r, b3, Wg, bg):
    src = edge_index[0]
    dst = edge_index[1]
    n = x.shape[0]
    h = _sage_conv(x, W1_l, W1_r, b1, src, dst, n)
    h = jax.nn.relu(h)
    h = _sage_conv(h, W2_l, W2_r, b2, src, dst, n)
    h = jax.nn.relu(h)
    h = _sage_conv(h, W3_l, W3_r, b3, src, dst, n)
    h = jax.nn.relu(h)
    g = jnp.mean(h, axis=0, keepdims=True)         # global_mean_pool with batch=None -> [1, d]
    out = jax.nn.sigmoid(g @ Wg + bg)              # [1, dim_latent]
    return out

if __name__ == "__main__":
    import jax
    _d = setup_inputs()
    print(jax.jit(kernel)(*tuple(_d.values())))

</pallas_src>

<mosaic_0001>
#map = affine_map<(d0, d1) -> (0, 0)>
#map1 = affine_map<(d0, d1) -> (0, 0, 0)>
module attributes {stable_mosaic.version = 14 : i64} {
  func.func @body(%arg0: i32, %arg1: i32, %arg2: memref<10000x128xf32, #tpu.memory_space<hbm>>, %arg3: memref<2560x2x125xi32, #tpu.memory_space<hbm>>, %arg4: memref<80x128xf32, #tpu.memory_space<hbm>>, %arg5: memref<20000x128xf32, #tpu.memory_space<hbm>>, %arg6: memref<2x125xi32, #tpu.memory_space<vmem>>, %arg7: memref<2x125xi32, #tpu.memory_space<vmem>>, %arg8: memref<125x128xf32, #tpu.memory_space<vmem>>, %arg9: memref<125x128xf32, #tpu.memory_space<vmem>>, %arg10: memref<80x128xf32, #tpu.memory_space<vmem>>, %arg11: memref<10000x128xf32, #tpu.memory_space<vmem_shared>>, %arg12: memref<!tpu.dma_semaphore, #tpu.memory_space<semaphore_mem>>, %arg13: memref<!tpu.dma_semaphore, #tpu.memory_space<semaphore_mem>>, %arg14: memref<!tpu.dma_semaphore, #tpu.memory_space<semaphore_mem>>, %arg15: memref<!tpu.dma_semaphore, #tpu.memory_space<semaphore_mem>>) attributes {dimension_semantics = [#tpu.dimension_semantics<core_parallel>, #tpu.dimension_semantics<subcore_parallel>], iteration_bounds = array<i64: 2, 16>, scalar_prefetch = 0 : i64, scratch_operands = 10 : i64, tpu.core_type = #tpu.core_type<sc_vector_subcore>, window_params = [{transform_indices = #map}, {transform_indices = #map1}, {transform_indices = #map}, {transform_indices = #map}]} {
    %mul3A = arith.constant 16 : i32
    %mul3A_0 = arith.muli %arg0, %mul3A : i32
    %add3A = arith.addi %mul3A_0, %arg1 : i32
    "tpu.region"() ({
      %run_scoped3A = tpu.sem_alloc : memref<!tpu.dma_semaphore, #tpu.memory_space<semaphore_mem>>
      tpu.enqueue_dma source(%arg4 : memref<80x128xf32, #tpu.memory_space<hbm>>) target(%arg10 : memref<80x128xf32, #tpu.memory_space<vmem>>) target_semaphore(%run_scoped3A : memref<!tpu.dma_semaphore, #tpu.memory_space<semaphore_mem>>)
      tpu.wait_dma2 semaphore(%run_scoped3A : memref<!tpu.dma_semaphore, #tpu.memory_space<semaphore_mem>>) src(%arg4 : memref<80x128xf32, #tpu.memory_space<hbm>>) dst(%arg10 : memref<80x128xf32, #tpu.memory_space<vmem>>)
      tpu.yield
    }) : () -> ()
    %sub3A = arith.constant 125 : i32
    %sub3A_1 = arith.subi %sub3A, %arg1 : i32
    %sub3A_2 = arith.constant 16 : i32
    %sub3A_3 = arith.constant 1 : i32
    %sub3A_4 = arith.subi %sub3A_2, %sub3A_3 : i32
    %add3A_5 = arith.addi %sub3A_1, %sub3A_4 : i32
    %div3A = arith.constant 16 : i32
    %div3A_6 = arith.divsi %add3A_5, %div3A : i32
    %while3A = arith.constant 16 : i32
    %while3A_7 = arith.constant 0 : i32
    %while3A_8 = arith.subi %div3A_6, %while3A_7 : i32
    %while3A_9 = arith.addi %while3A_7, %while3A_8 : i32
    %while3A_10 = arith.constant 1 : i32
    %while3A_11 = arith.divsi %while3A_8, %while3A_10 : i32
    %while3A_12 = arith.muli %while3A_11, %while3A_10 : i32
    %while3A_13 = arith.addi %while3A_7, %while3A_12 : i32
    %while3A_14 = arith.constant 1 : i32
    scf.for %while3A_56 = %while3A_7 to %while3A_13 step %while3A_14  : i32 {
      %mul3A_57 = arith.muli %while3A_56, %while3A : i32
      %add3A_58 = arith.addi %arg1, %mul3A_57 : i32
      %mul3A_59 = arith.constant 80 : i32
      %mul3A_60 = arith.muli %add3A_58, %mul3A_59 : i32
      %multiple_of3A = tpu.assume_multiple %mul3A_60, 8 : i32
      "tpu.region"() ({
        %run_scoped3A = tpu.sem_alloc : memref<!tpu.dma_semaphore, #tpu.memory_space<semaphore_mem>>
        %dma_start3A = arith.constant 0 : i32
        %dma_start3A_61 = tpu.memref_slice %arg11[%multiple_of3A, %dma_start3A] : memref<10000x128xf32, #tpu.memory_space<vmem_shared>> -> memref<80x128xf32, #tpu.memory_space<vmem_shared>>
        %dma_start3A_62 = arith.constant 0 : i32
        %dma_start3A_63 = tpu.memref_slice %arg11[%multiple_of3A, %dma_start3A_62] : memref<10000x128xf32, #tpu.memory_space<vmem_shared>> -> memref<80x128xf32, #tpu.memory_space<vmem_shared>>
        tpu.enqueue_dma source(%arg10 : memref<80x128xf32, #tpu.memory_space<vmem>>) target(%dma_start3A_63 : memref<80x128xf32, #tpu.memory_space<vmem_shared>>) target_semaphore(%run_scoped3A : memref<!tpu.dma_semaphore, #tpu.memory_space<semaphore_mem>>)
        %dma_wait3A_64 = arith.constant 0 : i32
        %dma_wait3A_65 = tpu.memref_slice %arg11[%multiple_of3A, %dma_wait3A_64] : memref<10000x128xf32, #tpu.memory_space<vmem_shared>> -> memref<80x128xf32, #tpu.memory_space<vmem_shared>>
        %dma_wait3A_66 = arith.constant 0 : i32
        %dma_wait3A_67 = tpu.memref_slice %arg11[%multiple_of3A, %dma_wait3A_66] : memref<10000x128xf32, #tpu.memory_space<vmem_shared>> -> memref<80x128xf32, #tpu.memory_space<vmem_shared>>
        tpu.wait_dma2 semaphore(%run_scoped3A : memref<!tpu.dma_semaphore, #tpu.memory_space<semaphore_mem>>) src(%arg10 : memref<80x128xf32, #tpu.memory_space<vmem>>) dst(%dma_wait3A_67 : memref<80x128xf32, #tpu.memory_space<vmem_shared>>)
        tpu.yield
      }) : () -> ()
    }
    %while3A_15 = arith.constant 1 : i32
    scf.for %while3A_56 = %while3A_13 to %while3A_9 step %while3A_15  : i32 {
      %mul3A_57 = arith.muli %while3A_56, %while3A : i32
      %add3A_58 = arith.addi %arg1, %mul3A_57 : i32
      %mul3A_59 = arith.constant 80 : i32
      %mul3A_60 = arith.muli %add3A_58, %mul3A_59 : i32
      %multiple_of3A = tpu.assume_multiple %mul3A_60, 8 : i32
      "tpu.region"() ({
        %run_scoped3A = tpu.sem_alloc : memref<!tpu.dma_semaphore, #tpu.memory_space<semaphore_mem>>
        %dma_start3A = arith.constant 0 : i32
        %dma_start3A_61 = tpu.memref_slice %arg11[%multiple_of3A, %dma_start3A] : memref<10000x128xf32, #tpu.memory_space<vmem_shared>> -> memref<80x128xf32, #tpu.memory_space<vmem_shared>>
        %dma_start3A_62 = arith.constant 0 : i32
        %dma_start3A_63 = tpu.memref_slice %arg11[%multiple_of3A, %dma_start3A_62] : memref<10000x128xf32, #tpu.memory_space<vmem_shared>> -> memref<80x128xf32, #tpu.memory_space<vmem_shared>>
        tpu.enqueue_dma source(%arg10 : memref<80x128xf32, #tpu.memory_space<vmem>>) target(%dma_start3A_63 : memref<80x128xf32, #tpu.memory_space<vmem_shared>>) target_semaphore(%run_scoped3A : memref<!tpu.dma_semaphore, #tpu.memory_space<semaphore_mem>>)
        %dma_wait3A_64 = arith.constant 0 : i32
        %dma_wait3A_65 = tpu.memref_slice %arg11[%multiple_of3A, %dma_wait3A_64] : memref<10000x128xf32, #tpu.memory_space<vmem_shared>> -> memref<80x128xf32, #tpu.memory_space<vmem_shared>>
        %dma_wait3A_66 = arith.constant 0 : i32
        %dma_wait3A_67 = tpu.memref_slice %arg11[%multiple_of3A, %dma_wait3A_66] : memref<10000x128xf32, #tpu.memory_space<vmem_shared>> -> memref<80x128xf32, #tpu.memory_space<vmem_shared>>
        tpu.wait_dma2 semaphore(%run_scoped3A : memref<!tpu.dma_semaphore, #tpu.memory_space<semaphore_mem>>) src(%arg10 : memref<80x128xf32, #tpu.memory_space<vmem>>) dst(%dma_wait3A_67 : memref<80x128xf32, #tpu.memory_space<vmem_shared>>)
        tpu.yield
      }) : () -> ()
    }
    %barrier3A = arith.constant 0 : index
    tpu.barrier barrier_id(%barrier3A)
    %mul3A_16 = arith.constant 80 : i32
    %mul3A_17 = arith.muli %add3A, %mul3A_16 : i32
    %scan3A = arith.constant 0 : i32
    %scan3A_18 = arith.constant 40 : i32
    %scan3A_19 = arith.addi %scan3A, %scan3A_18 : i32
    %scan3A_20 = arith.constant 1 : i32
    scf.for %scan3A_56 = %scan3A to %scan3A_19 step %scan3A_20  : i32 {
      %mul3A_57 = arith.constant 1 : i32
      %mul3A_58 = arith.muli %scan3A_56, %mul3A_57 : i32
      %add3A_59 = arith.constant 0 : i32
      %add3A_60 = arith.addi %add3A_59, %mul3A_58 : i32
      %mul3A_61 = arith.constant 2 : i32
      %mul3A_62 = arith.muli %mul3A_61, %add3A_60 : i32
      %add3A_63 = arith.addi %mul3A_17, %mul3A_62 : i32
      %gt3A = arith.constant 0 : i32
      %gt3A_64 = arith.cmpi sgt, %add3A_60, %gt3A : i32
      %convert_element_type3A = arith.extui %gt3A_64 : i1 to i32
      %cond3A = arith.constant 0 : i32
      %cond3A_65 = arith.cmpi ne, %convert_element_type3A, %cond3A : i32
      scf.if %cond3A_65 {
        %dma_wait3A_146 = arith.constant 1 : i32
        %dma_wait3A_147 = arith.constant 0 : i32
        %dma_wait3A_148 = tpu.memref_slice %arg6[%dma_wait3A_146, %dma_wait3A_147] : memref<2x125xi32, #tpu.memory_space<vmem>> -> memref<1x125xi32, #tpu.memory_space<vmem>>
        %dma_wait3A_149 = tpu.memref_squeeze %dma_wait3A_148 : memref<1x125xi32, #tpu.memory_space<vmem>> -> memref<125xi32, #tpu.memory_space<vmem>>
        %dma_wait3A_150 = arith.constant 0 : i32
        %dma_wait3A_151 = arith.constant 0 : i32
        %dma_wait3A_152 = tpu.memref_slice %arg11[%dma_wait3A_150, %dma_wait3A_151] : memref<10000x128xf32, #tpu.memory_space<vmem_shared>> -> memref<10000x128xf32, #tpu.memory_space<vmem_shared>>
        tpu.wait_indirect_dma semaphore(%arg14 : memref<!tpu.dma_semaphore, #tpu.memory_space<semaphore_mem>>) src(%arg8 : memref<125x128xf32, #tpu.memory_space<vmem>>) dst(%dma_wait3A_152 : memref<10000x128xf32, #tpu.memory_space<vmem_shared>>)
      } else {
      }
      %dma_start3A = arith.constant 0 : i32
      %dma_start3A_66 = arith.constant 0 : i32
      %dma_start3A_67 = tpu.memref_slice %arg3[%add3A_63, %dma_start3A, %dma_start3A_66] : memref<2560x2x125xi32, #tpu.memory_space<hbm>> -> memref<1x2x125xi32, #tpu.memory_space<hbm>>
      %dma_start3A_68 = tpu.memref_squeeze %dma_start3A_67 : memref<1x2x125xi32, #tpu.memory_space<hbm>> -> memref<2x125xi32, #tpu.memory_space<hbm>>
      %dma_start3A_69 = arith.constant 0 : i32
      %dma_start3A_70 = arith.constant 0 : i32
      %dma_start3A_71 = tpu.memref_slice %arg3[%add3A_63, %dma_start3A_69, %dma_start3A_70] : memref<2560x2x125xi32, #tpu.memory_space<hbm>> -> memref<1x2x125xi32, #tpu.memory_space<hbm>>
      %dma_start3A_72 = tpu.memref_squeeze %dma_start3A_71 : memref<1x2x125xi32, #tpu.memory_space<hbm>> -> memref<2x125xi32, #tpu.memory_space<hbm>>
      tpu.enqueue_dma source(%dma_start3A_72 : memref<2x125xi32, #tpu.memory_space<hbm>>) target(%arg6 : memref<2x125xi32, #tpu.memory_space<vmem>>) target_semaphore(%arg12 : memref<!tpu.dma_semaphore, #tpu.memory_space<semaphore_mem>>)
      %gt3A_73 = arith.constant 0 : i32
      %gt3A_74 = arith.cmpi sgt, %add3A_60, %gt3A_73 : i32
      %convert_element_type3A_75 = arith.extui %gt3A_74 : i1 to i32
      %cond3A_76 = arith.constant 0 : i32
      %cond3A_77 = arith.cmpi ne, %convert_element_type3A_75, %cond3A_76 : i32
      scf.if %cond3A_77 {
        %dma_wait3A_146 = arith.constant 1 : i32
        %dma_wait3A_147 = arith.constant 0 : i32
        %dma_wait3A_148 = tpu.memref_slice %arg7[%dma_wait3A_146, %dma_wait3A_147] : memref<2x125xi32, #tpu.memory_space<vmem>> -> memref<1x125xi32, #tpu.memory_space<vmem>>
        %dma_wait3A_149 = tpu.memref_squeeze %dma_wait3A_148 : memref<1x125xi32, #tpu.memory_space<vmem>> -> memref<125xi32, #tpu.memory_space<vmem>>
        %dma_wait3A_150 = arith.constant 0 : i32
        %dma_wait3A_151 = arith.constant 0 : i32
        %dma_wait3A_152 = tpu.memref_slice %arg11[%dma_wait3A_150, %dma_wait3A_151] : memref<10000x128xf32, #tpu.memory_space<vmem_shared>> -> memref<10000x128xf32, #tpu.memory_space<vmem_shared>>
        tpu.wait_indirect_dma semaphore(%arg15 : memref<!tpu.dma_semaphore, #tpu.memory_space<semaphore_mem>>) src(%arg9 : memref<125x128xf32, #tpu.memory_space<vmem>>) dst(%dma_wait3A_152 : memref<10000x128xf32, #tpu.memory_space<vmem_shared>>)
      } else {
      }
      %add3A_78 = arith.constant 1 : i32
      %add3A_79 = arith.addi %add3A_63, %add3A_78 : i32
      %dma_start3A_80 = arith.constant 0 : i32
      %dma_start3A_81 = arith.constant 0 : i32
      %dma_start3A_82 = tpu.memref_slice %arg3[%add3A_79, %dma_start3A_80, %dma_start3A_81] : memref<2560x2x125xi32, #tpu.memory_space<hbm>> -> memref<1x2x125xi32, #tpu.memory_space<hbm>>
      %dma_start3A_83 = tpu.memref_squeeze %dma_start3A_82 : memref<1x2x125xi32, #tpu.memory_space<hbm>> -> memref<2x125xi32, #tpu.memory_space<hbm>>
      %dma_start3A_84 = arith.constant 0 : i32
      %dma_start3A_85 = arith.constant 0 : i32
      %dma_start3A_86 = tpu.memref_slice %arg3[%add3A_79, %dma_start3A_84, %dma_start3A_85] : memref<2560x2x125xi32, #tpu.memory_space<hbm>> -> memref<1x2x125xi32, #tpu.memory_space<hbm>>
      %dma_start3A_87 = tpu.memref_squeeze %dma_start3A_86 : memref<1x2x125xi32, #tpu.memory_space<hbm>> -> memref<2x125xi32, #tpu.memory_space<hbm>>
      tpu.enqueue_dma source(%dma_start3A_87 : memref<2x125xi32, #tpu.memory_space<hbm>>) target(%arg7 : memref<2x125xi32, #tpu.memory_space<vmem>>) target_semaphore(%arg13 : memref<!tpu.dma_semaphore, #tpu.memory_space<semaphore_mem>>)
      %dma_wait3A_88 = arith.constant 0 : i32
      %dma_wait3A_89 = arith.constant 0 : i32
      %dma_wait3A_90 = tpu.memref_slice %arg3[%add3A_63, %dma_wait3A_88, %dma_wait3A_89] : memref<2560x2x125xi32, #tpu.memory_space<hbm>> -> memref<1x2x125xi32, #tpu.memory_space<hbm>>
      %dma_wait3A_91 = tpu.memref_squeeze %dma_wait3A_90 : memref<1x2x125xi32, #tpu.memory_space<hbm>> -> memref<2x125xi32, #tpu.memory_space<hbm>>
      %dma_wait3A_92 = arith.constant 0 : i32
      %dma_wait3A_93 = arith.constant 0 : i32
      %dma_wait3A_94 = tpu.memref_slice %arg3[%add3A_63, %dma_wait3A_92, %dma_wait3A_93] : memref<2560x2x125xi32, #tpu.memory_space<hbm>> -> memref<1x2x125xi32, #tpu.memory_space<hbm>>
      %dma_wait3A_95 = tpu.memref_squeeze %dma_wait3A_94 : memref<1x2x125xi32, #tpu.memory_space<hbm>> -> memref<2x125xi32, #tpu.memory_space<hbm>>
      tpu.wait_dma2 semaphore(%arg12 : memref<!tpu.dma_semaphore, #tpu.memory_space<semaphore_mem>>) src(%dma_wait3A_95 : memref<2x125xi32, #tpu.memory_space<hbm>>) dst(%arg6 : memref<2x125xi32, #tpu.memory_space<vmem>>)
      %dma_start3A_96 = arith.constant 0 : i32
      %dma_start3A_97 = arith.constant 0 : i32
      %dma_start3A_98 = tpu.memref_slice %arg6[%dma_start3A_96, %dma_start3A_97] : memref<2x125xi32, #tpu.memory_space<vmem>> -> memref<1x125xi32, #tpu.memory_space<vmem>>
      %dma_start3A_99 = tpu.memref_squeeze %dma_start3A_98 : memref<1x125xi32, #tpu.memory_space<vmem>> -> memref<125xi32, #tpu.memory_space<vmem>>
      %dma_start3A_100 = arith.constant 0 : i32
      %dma_start3A_101 = arith.constant 0 : i32
      %dma_start3A_102 = tpu.memref_slice %arg2[%dma_start3A_100, %dma_start3A_101] : memref<10000x128xf32, #tpu.memory_space<hbm>> -> memref<10000x128xf32, #tpu.memory_space<hbm>>
      tpu.enqueue_indirect_dma source(%dma_start3A_102 : memref<10000x128xf32, #tpu.memory_space<hbm>>) target(%arg8 : memref<125x128xf32, #tpu.memory_space<vmem>>) offsets(%dma_start3A_99 : memref<125xi32, #tpu.memory_space<vmem>>) semaphore(%arg12 : memref<!tpu.dma_semaphore, #tpu.memory_space<semaphore_mem>>)
      %dma_wait3A_103 = arith.constant 0 : i32
      %dma_wait3A_104 = arith.constant 0 : i32
      %dma_wait3A_105 = tpu.memref_slice %arg3[%add3A_79, %dma_wait3A_103, %dma_wait3A_104] : memref<2560x2x125xi32, #tpu.memory_space<hbm>> -> memref<1x2x125xi32, #tpu.memory_space<hbm>>
      %dma_wait3A_106 = tpu.memref_squeeze %dma_wait3A_105 : memref<1x2x125xi32, #tpu.memory_space<hbm>> -> memref<2x125xi32, #tpu.memory_space<hbm>>
      %dma_wait3A_107 = arith.constant 0 : i32
      %dma_wait3A_108 = arith.constant 0 : i32
      %dma_wait3A_109 = tpu.memref_slice %arg3[%add3A_79, %dma_wait3A_107, %dma_wait3A_108] : memref<2560x2x125xi32, #tpu.memory_space<hbm>> -> memref<1x2x125xi32, #tpu.memory_space<hbm>>
      %dma_wait3A_110 = tpu.memref_squeeze %dma_wait3A_109 : memref<1x2x125xi32, #tpu.memory_space<hbm>> -> memref<2x125xi32, #tpu.memory_space<hbm>>
      tpu.wait_dma2 semaphore(%arg13 : memref<!tpu.dma_semaphore, #tpu.memory_space<semaphore_mem>>) src(%dma_wait3A_110 : memref<2x125xi32, #tpu.memory_space<hbm>>) dst(%arg7 : memref<2x125xi32, #tpu.memory_space<vmem>>)
      %dma_start3A_111 = arith.constant 0 : i32
      %dma_start3A_112 = arith.constant 0 : i32
      %dma_start3A_113 = tpu.memref_slice %arg7[%dma_start3A_111, %dma_start3A_112] : memref<2x125xi32, #tpu.memory_space<vmem>> -> memref<1x125xi32, #tpu.memory_space<vmem>>
      %dma_start3A_114 = tpu.memref_squeeze %dma_start3A_113 : memref<1x125xi32, #tpu.memory_space<vmem>> -> memref<125xi32, #tpu.memory_space<vmem>>
      %dma_start3A_115 = arith.constant 0 : i32
      %dma_start3A_116 = arith.constant 0 : i32
      %dma_start3A_117 = tpu.memref_slice %arg2[%dma_start3A_115, %dma_start3A_116] : memref<10000x128xf32, #tpu.memory_space<hbm>> -> memref<10000x128xf32, #tpu.memory_space<hbm>>
      tpu.enqueue_indirect_dma source(%dma_start3A_117 : memref<10000x128xf32, #tpu.memory_space<hbm>>) target(%arg9 : memref<125x128xf32, #tpu.memory_space<vmem>>) offsets(%dma_start3A_114 : memref<125xi32, #tpu.memory_space<vmem>>) semaphore(%arg13 : memref<!tpu.dma_semaphore, #tpu.memory_space<semaphore_mem>>)
      %dma_wait3A_118 = arith.constant 0 : i32
      %dma_wait3A_119 = arith.constant 0 : i32
      %dma_wait3A_120 = tpu.memref_slice %arg6[%dma_wait3A_118, %dma_wait3A_119] : memref<2x125xi32, #tpu.memory_space<vmem>> -> memref<1x125xi32, #tpu.memory_space<vmem>>
      %dma_wait3A_121 = tpu.memref_squeeze %dma_wait3A_120 : memref<1x125xi32, #tpu.memory_space<vmem>> -> memref<125xi32, #tpu.memory_space<vmem>>
      %dma_wait3A_122 = arith.constant 0 : i32
      %dma_wait3A_123 = arith.constant 0 : i32
      %dma_wait3A_124 = tpu.memref_slice %arg2[%dma_wait3A_122, %dma_wait3A_123] : memref<10000x128xf32, #tpu.memory_space<hbm>> -> memref<10000x128xf32, #tpu.memory_space<hbm>>
      tpu.wait_indirect_dma semaphore(%arg12 : memref<!tpu.dma_semaphore, #tpu.memory_space<semaphore_mem>>) src(%dma_wait3A_124 : memref<10000x128xf32, #tpu.memory_space<hbm>>) dst(%arg8 : memref<125x128xf32, #tpu.memory_space<vmem>>)
      %dma_start3A_125 = arith.constant 1 : i32
      %dma_start3A_126 = arith.constant 0 : i32
      %dma_start3A_127 = tpu.memref_slice %arg6[%dma_start3A_125, %dma_start3A_126] : memref<2x125xi32, #tpu.memory_space<vmem>> -> memref<1x125xi32, #tpu.memory_space<vmem>>
      %dma_start3A_128 = tpu.memref_squeeze %dma_start3A_127 : memref<1x125xi32, #tpu.memory_space<vmem>> -> memref<125xi32, #tpu.memory_space<vmem>>
      %dma_start3A_129 = arith.constant 0 : i32
      %dma_start3A_130 = arith.constant 0 : i32
      %dma_start3A_131 = tpu.memref_slice %arg11[%dma_start3A_129, %dma_start3A_130] : memref<10000x128xf32, #tpu.memory_space<vmem_shared>> -> memref<10000x128xf32, #tpu.memory_space<vmem_shared>>
      tpu.enqueue_indirect_dma source(%arg8 : memref<125x128xf32, #tpu.memory_space<vmem>>) target(%dma_start3A_131 : memref<10000x128xf32, #tpu.memory_space<vmem_shared>>) offsets(%dma_start3A_128 : memref<125xi32, #tpu.memory_space<vmem>>) semaphore(%arg14 : memref<!tpu.dma_semaphore, #tpu.memory_space<semaphore_mem>>) {add = true}
      %dma_wait3A_132 = arith.constant 0 : i32
      %dma_wait3A_133 = arith.constant 0 : i32
      %dma_wait3A_134 = tpu.memref_slice %arg7[%dma_wait3A_132, %dma_wait3A_133] : memref<2x125xi32, #tpu.memory_space<vmem>> -> memref<1x125xi32, #tpu.memory_space<vmem>>
      %dma_wait3A_135 = tpu.memref_squeeze %dma_wait3A_134 : memref<1x125xi32, #tpu.memory_space<vmem>> -> memref<125xi32, #tpu.memory_space<vmem>>
      %dma_wait3A_136 = arith.constant 0 : i32
      %dma_wait3A_137 = arith.constant 0 : i32
      %dma_wait3A_138 = tpu.memref_slice %arg2[%dma_wait3A_136, %dma_wait3A_137] : memref<10000x128xf32, #tpu.memory_space<hbm>> -> memref<10000x128xf32, #tpu.memory_space<hbm>>
      tpu.wait_indirect_dma semaphore(%arg13 : memref<!tpu.dma_semaphore, #tpu.memory_space<semaphore_mem>>) src(%dma_wait3A_138 : memref<10000x128xf32, #tpu.memory_space<hbm>>) dst(%arg9 : memref<125x128xf32, #tpu.memory_space<vmem>>)
      %dma_start3A_139 = arith.constant 1 : i32
      %dma_start3A_140 = arith.constant 0 : i32
      %dma_start3A_141 = tpu.memref_slice %arg7[%dma_start3A_139, %dma_start3A_140] : memref<2x125xi32, #tpu.memory_space<vmem>> -> memref<1x125xi32, #tpu.memory_space<vmem>>
      %dma_start3A_142 = tpu.memref_squeeze %dma_start3A_141 : memref<1x125xi32, #tpu.memory_space<vmem>> -> memref<125xi32, #tpu.memory_space<vmem>>
      %dma_start3A_143 = arith.constant 0 : i32
      %dma_start3A_144 = arith.constant 0 : i32
      %dma_start3A_145 = tpu.memref_slice %arg11[%dma_start3A_143, %dma_start3A_144] : memref<10000x128xf32, #tpu.memory_space<vmem_shared>> -> memref<10000x128xf32, #tpu.memory_space<vmem_shared>>
      tpu.enqueue_indirect_dma source(%arg9 : memref<125x128xf32, #tpu.memory_space<vmem>>) target(%dma_start3A_145 : memref<10000x128xf32, #tpu.memory_space<vmem_shared>>) offsets(%dma_start3A_142 : memref<125xi32, #tpu.memory_space<vmem>>) semaphore(%arg15 : memref<!tpu.dma_semaphore, #tpu.memory_space<semaphore_mem>>) {add = true}
    }
    %scan3A_21 = arith.constant 40 : i32
    %dma_wait3A = arith.constant 1 : i32
    %dma_wait3A_22 = arith.constant 0 : i32
    %dma_wait3A_23 = tpu.memref_slice %arg6[%dma_wait3A, %dma_wait3A_22] : memref<2x125xi32, #tpu.memory_space<vmem>> -> memref<1x125xi32, #tpu.memory_space<vmem>>
    %dma_wait3A_24 = tpu.memref_squeeze %dma_wait3A_23 : memref<1x125xi32, #tpu.memory_space<vmem>> -> memref<125xi32, #tpu.memory_space<vmem>>
    %dma_wait3A_25 = arith.constant 0 : i32
    %dma_wait3A_26 = arith.constant 0 : i32
    %dma_wait3A_27 = tpu.memref_slice %arg11[%dma_wait3A_25, %dma_wait3A_26] : memref<10000x128xf32, #tpu.memory_space<vmem_shared>> -> memref<10000x128xf32, #tpu.memory_space<vmem_shared>>
    tpu.wait_indirect_dma semaphore(%arg14 : memref<!tpu.dma_semaphore, #tpu.memory_space<semaphore_mem>>) src(%arg8 : memref<125x128xf32, #tpu.memory_space<vmem>>) dst(%dma_wait3A_27 : memref<10000x128xf32, #tpu.memory_space<vmem_shared>>)
    %dma_wait3A_28 = arith.constant 1 : i32
    %dma_wait3A_29 = arith.constant 0 : i32
    %dma_wait3A_30 = tpu.memref_slice %arg7[%dma_wait3A_28, %dma_wait3A_29] : memref<2x125xi32, #tpu.memory_space<vmem>> -> memref<1x125xi32, #tpu.memory_space<vmem>>
    %dma_wait3A_31 = tpu.memref_squeeze %dma_wait3A_30 : memref<1x125xi32, #tpu.memory_space<vmem>> -> memref<125xi32, #tpu.memory_space<vmem>>
    %dma_wait3A_32 = arith.constant 0 : i32
    %dma_wait3A_33 = arith.constant 0 : i32
    %dma_wait3A_34 = tpu.memref_slice %arg11[%dma_wait3A_32, %dma_wait3A_33] : memref<10000x128xf32, #tpu.memory_space<vmem_shared>> -> memref<10000x128xf32, #tpu.memory_space<vmem_shared>>
    tpu.wait_indirect_dma semaphore(%arg15 : memref<!tpu.dma_semaphore, #tpu.memory_space<semaphore_mem>>) src(%arg9 : memref<125x128xf32, #tpu.memory_space<vmem>>) dst(%dma_wait3A_34 : memref<10000x128xf32, #tpu.memory_space<vmem_shared>>)
    %barrier3A_35 = arith.constant 0 : index
    tpu.barrier barrier_id(%barrier3A_35)
    %mul3A_36 = arith.constant 10000 : i32
    %mul3A_37 = arith.muli %arg0, %mul3A_36 : i32
    %sub3A_38 = arith.constant 125 : i32
    %sub3A_39 = arith.subi %sub3A_38, %arg1 : i32
    %sub3A_40 = arith.constant 16 : i32
    %sub3A_41 = arith.constant 1 : i32
    %sub3A_42 = arith.subi %sub3A_40, %sub3A_41 : i32
    %add3A_43 = arith.addi %sub3A_39, %sub3A_42 : i32
    %div3A_44 = arith.constant 16 : i32
    %div3A_45 = arith.divsi %add3A_43, %div3A_44 : i32
    %while3A_46 = arith.constant 16 : i32
    %while3A_47 = arith.constant 0 : i32
    %while3A_48 = arith.subi %div3A_45, %while3A_47 : i32
    %while3A_49 = arith.addi %while3A_47, %while3A_48 : i32
    %while3A_50 = arith.constant 1 : i32
    %while3A_51 = arith.divsi %while3A_48, %while3A_50 : i32
    %while3A_52 = arith.muli %while3A_51, %while3A_50 : i32
    %while3A_53 = arith.addi %while3A_47, %while3A_52 : i32
    %while3A_54 = arith.constant 1 : i32
    scf.for %while3A_56 = %while3A_47 to %while3A_53 step %while3A_54  : i32 {
      %mul3A_57 = arith.muli %while3A_56, %while3A_46 : i32
      %add3A_58 = arith.addi %arg1, %mul3A_57 : i32
      %mul3A_59 = arith.constant 80 : i32
      %mul3A_60 = arith.muli %add3A_58, %mul3A_59 : i32
      %multiple_of3A = tpu.assume_multiple %mul3A_60, 8 : i32
      %mul3A_61 = arith.constant 80 : i32
      %mul3A_62 = arith.muli %add3A_58, %mul3A_61 : i32
      %add3A_63 = arith.addi %mul3A_37, %mul3A_62 : i32
      %multiple_of3A_64 = tpu.assume_multiple %add3A_63, 8 : i32
      "tpu.region"() ({
        %run_scoped3A = tpu.sem_alloc : memref<!tpu.dma_semaphore, #tpu.memory_space<semaphore_mem>>
        %dma_start3A = arith.constant 0 : i32
        %dma_start3A_65 = tpu.memref_slice %arg11[%multiple_of3A, %dma_start3A] : memref<10000x128xf32, #tpu.memory_space<vmem_shared>> -> memref<80x128xf32, #tpu.memory_space<vmem_shared>>
        %dma_start3A_66 = arith.constant 0 : i32
        %dma_start3A_67 = tpu.memref_slice %arg11[%multiple_of3A, %dma_start3A_66] : memref<10000x128xf32, #tpu.memory_space<vmem_shared>> -> memref<80x128xf32, #tpu.memory_space<vmem_shared>>
        tpu.enqueue_dma source(%dma_start3A_67 : memref<80x128xf32, #tpu.memory_space<vmem_shared>>) target(%arg10 : memref<80x128xf32, #tpu.memory_space<vmem>>) target_semaphore(%run_scoped3A : memref<!tpu.dma_semaphore, #tpu.memory_space<semaphore_mem>>)
        %dma_wait3A_68 = arith.constant 0 : i32
        %dma_wait3A_69 = tpu.memref_slice %arg11[%multiple_of3A, %dma_wait3A_68] : memref<10000x128xf32, #tpu.memory_space<vmem_shared>> -> memref<80x128xf32, #tpu.memory_space<vmem_shared>>
        %dma_wait3A_70 = arith.constant 0 : i32
        %dma_wait3A_71 = tpu.memref_slice %arg11[%multiple_of3A, %dma_wait3A_70] : memref<10000x128xf32, #tpu.memory_space<vmem_shared>> -> memref<80x128xf32, #tpu.memory_space<vmem_shared>>
        tpu.wait_dma2 semaphore(%run_scoped3A : memref<!tpu.dma_semaphore, #tpu.memory_space<semaphore_mem>>) src(%dma_wait3A_71 : memref<80x128xf32, #tpu.memory_space<vmem_shared>>) dst(%arg10 : memref<80x128xf32, #tpu.memory_space<vmem>>)
        tpu.yield
      }) : () -> ()
      "tpu.region"() ({
        %run_scoped3A = tpu.sem_alloc : memref<!tpu.dma_semaphore, #tpu.memory_space<semaphore_mem>>
        %dma_start3A = arith.constant 0 : i32
        %dma_start3A_65 = tpu.memref_slice %arg5[%multiple_of3A_64, %dma_start3A] : memref<20000x128xf32, #tpu.memory_space<hbm>> -> memref<80x128xf32, #tpu.memory_space<hbm>>
        %dma_start3A_66 = arith.constant 0 : i32
        %dma_start3A_67 = tpu.memref_slice %arg5[%multiple_of3A_64, %dma_start3A_66] : memref<20000x128xf32, #tpu.memory_space<hbm>> -> memref<80x128xf32, #tpu.memory_space<hbm>>
        tpu.enqueue_dma source(%arg10 : memref<80x128xf32, #tpu.memory_space<vmem>>) target(%dma_start3A_67 : memref<80x128xf32, #tpu.memory_space<hbm>>) target_semaphore(%run_scoped3A : memref<!tpu.dma_semaphore, #tpu.memory_space<semaphore_mem>>)
        %dma_wait3A_68 = arith.constant 0 : i32
        %dma_wait3A_69 = tpu.memref_slice %arg5[%multiple_of3A_64, %dma_wait3A_68] : memref<20000x128xf32, #tpu.memory_space<hbm>> -> memref<80x128xf32, #tpu.memory_space<hbm>>
        %dma_wait3A_70 = arith.constant 0 : i32
        %dma_wait3A_71 = tpu.memref_slice %arg5[%multiple_of3A_64, %dma_wait3A_70] : memref<20000x128xf32, #tpu.memory_space<hbm>> -> memref<80x128xf32, #tpu.memory_space<hbm>>
        tpu.wait_dma2 semaphore(%run_scoped3A : memref<!tpu.dma_semaphore, #tpu.memory_space<semaphore_mem>>) src(%arg10 : memref<80x128xf32, #tpu.memory_space<vmem>>) dst(%dma_wait3A_71 : memref<80x128xf32, #tpu.memory_space<hbm>>)
        tpu.yield
      }) : () -> ()
    }
    %while3A_55 = arith.constant 1 : i32
    scf.for %while3A_56 = %while3A_53 to %while3A_49 step %while3A_55  : i32 {
      %mul3A_57 = arith.muli %while3A_56, %while3A_46 : i32
      %add3A_58 = arith.addi %arg1, %mul3A_57 : i32
      %mul3A_59 = arith.constant 80 : i32
      %mul3A_60 = arith.muli %add3A_58, %mul3A_59 : i32
      %multiple_of3A = tpu.assume_multiple %mul3A_60, 8 : i32
      %mul3A_61 = arith.constant 80 : i32
      %mul3A_62 = arith.muli %add3A_58, %mul3A_61 : i32
      %add3A_63 = arith.addi %mul3A_37, %mul3A_62 : i32
      %multiple_of3A_64 = tpu.assume_multiple %add3A_63, 8 : i32
      "tpu.region"() ({
        %run_scoped3A = tpu.sem_alloc : memref<!tpu.dma_semaphore, #tpu.memory_space<semaphore_mem>>
        %dma_start3A = arith.constant 0 : i32
        %dma_start3A_65 = tpu.memref_slice %arg11[%multiple_of3A, %dma_start3A] : memref<10000x128xf32, #tpu.memory_space<vmem_shared>> -> memref<80x128xf32, #tpu.memory_space<vmem_shared>>
        %dma_start3A_66 = arith.constant 0 : i32
        %dma_start3A_67 = tpu.memref_slice %arg11[%multiple_of3A, %dma_start3A_66] : memref<10000x128xf32, #tpu.memory_space<vmem_shared>> -> memref<80x128xf32, #tpu.memory_space<vmem_shared>>
        tpu.enqueue_dma source(%dma_start3A_67 : memref<80x128xf32, #tpu.memory_space<vmem_shared>>) target(%arg10 : memref<80x128xf32, #tpu.memory_space<vmem>>) target_semaphore(%run_scoped3A : memref<!tpu.dma_semaphore, #tpu.memory_space<semaphore_mem>>)
        %dma_wait3A_68 = arith.constant 0 : i32
        %dma_wait3A_69 = tpu.memref_slice %arg11[%multiple_of3A, %dma_wait3A_68] : memref<10000x128xf32, #tpu.memory_space<vmem_shared>> -> memref<80x128xf32, #tpu.memory_space<vmem_shared>>
        %dma_wait3A_70 = arith.constant 0 : i32
        %dma_wait3A_71 = tpu.memref_slice %arg11[%multiple_of3A, %dma_wait3A_70] : memref<10000x128xf32, #tpu.memory_space<vmem_shared>> -> memref<80x128xf32, #tpu.memory_space<vmem_shared>>
        tpu.wait_dma2 semaphore(%run_scoped3A : memref<!tpu.dma_semaphore, #tpu.memory_space<semaphore_mem>>) src(%dma_wait3A_71 : memref<80x128xf32, #tpu.memory_space<vmem_shared>>) dst(%arg10 : memref<80x128xf32, #tpu.memory_space<vmem>>)
        tpu.yield
      }) : () -> ()
      "tpu.region"() ({
        %run_scoped3A = tpu.sem_alloc : memref<!tpu.dma_semaphore, #tpu.memory_space<semaphore_mem>>
        %dma_start3A = arith.constant 0 : i32
        %dma_start3A_65 = tpu.memref_slice %arg5[%multiple_of3A_64, %dma_start3A] : memref<20000x128xf32, #tpu.memory_space<hbm>> -> memref<80x128xf32, #tpu.memory_space<hbm>>
        %dma_start3A_66 = arith.constant 0 : i32
        %dma_start3A_67 = tpu.memref_slice %arg5[%multiple_of3A_64, %dma_start3A_66] : memref<20000x128xf32, #tpu.memory_space<hbm>> -> memref<80x128xf32, #tpu.memory_space<hbm>>
        tpu.enqueue_dma source(%arg10 : memref<80x128xf32, #tpu.memory_space<vmem>>) target(%dma_start3A_67 : memref<80x128xf32, #tpu.memory_space<hbm>>) target_semaphore(%run_scoped3A : memref<!tpu.dma_semaphore, #tpu.memory_space<semaphore_mem>>)
        %dma_wait3A_68 = arith.constant 0 : i32
        %dma_wait3A_69 = tpu.memref_slice %arg5[%multiple_of3A_64, %dma_wait3A_68] : memref<20000x128xf32, #tpu.memory_space<hbm>> -> memref<80x128xf32, #tpu.memory_space<hbm>>
        %dma_wait3A_70 = arith.constant 0 : i32
        %dma_wait3A_71 = tpu.memref_slice %arg5[%multiple_of3A_64, %dma_wait3A_70] : memref<20000x128xf32, #tpu.memory_space<hbm>> -> memref<80x128xf32, #tpu.memory_space<hbm>>
        tpu.wait_dma2 semaphore(%run_scoped3A : memref<!tpu.dma_semaphore, #tpu.memory_space<semaphore_mem>>) src(%arg10 : memref<80x128xf32, #tpu.memory_space<vmem>>) dst(%dma_wait3A_71 : memref<80x128xf32, #tpu.memory_space<hbm>>)
        tpu.yield
      }) : () -> ()
    }
    return
  }
}

#map = affine_map<(d0, d1) -> (0, 0)>
#map1 = affine_map<(d0, d1) -> (0, 0, 0)>
module attributes {stable_mosaic.version = 14 : i64} {
  func.func @body(%arg0: i32, %arg1: i32, %arg2: memref<10000x128xf32, #tpu.memory_space<hbm>>, %arg3: memref<2560x2x125xi32, #tpu.memory_space<hbm>>, %arg4: memref<80x128xf32, #tpu.memory_space<hbm>>, %arg5: memref<20000x128xf32, #tpu.memory_space<hbm>>, %arg6: memref<2x125xi32, #tpu.memory_space<vmem>>, %arg7: memref<2x125xi32, #tpu.memory_space<vmem>>, %arg8: memref<125x128xf32, #tpu.memory_space<vmem>>, %arg9: memref<125x128xf32, #tpu.memory_space<vmem>>, %arg10: memref<80x128xf32, #tpu.memory_space<vmem>>, %arg11: memref<10000x128xf32, #tpu.memory_space<vmem_shared>>, %arg12: memref<!tpu.dma_semaphore, #tpu.memory_space<semaphore_mem>>, %arg13: memref<!tpu.dma_semaphore, #tpu.memory_space<semaphore_mem>>, %arg14: memref<!tpu.dma_semaphore, #tpu.memory_space<semaphore_mem>>, %arg15: memref<!tpu.dma_semaphore, #tpu.memory_space<semaphore_mem>>) attributes {dimension_semantics = [#tpu.dimension_semantics<core_parallel>, #tpu.dimension_semantics<subcore_parallel>], iteration_bounds = array<i64: 2, 16>, scalar_prefetch = 0 : i64, scratch_operands = 10 : i64, tpu.core_type = #tpu.core_type<sc_vector_subcore>, window_params = [{transform_indices = #map}, {transform_indices = #map1}, {transform_indices = #map}, {transform_indices = #map}]} {
    %mul3A = arith.constant 16 : i32
    %mul3A_0 = arith.muli %arg0, %mul3A : i32
    %add3A = arith.addi %mul3A_0, %arg1 : i32
    "tpu.region"() ({
      %run_scoped3A = tpu.sem_alloc : memref<!tpu.dma_semaphore, #tpu.memory_space<semaphore_mem>>
      tpu.enqueue_dma source(%arg4 : memref<80x128xf32, #tpu.memory_space<hbm>>) target(%arg10 : memref<80x128xf32, #tpu.memory_space<vmem>>) target_semaphore(%run_scoped3A : memref<!tpu.dma_semaphore, #tpu.memory_space<semaphore_mem>>)
      tpu.wait_dma2 semaphore(%run_scoped3A : memref<!tpu.dma_semaphore, #tpu.memory_space<semaphore_mem>>) src(%arg4 : memref<80x128xf32, #tpu.memory_space<hbm>>) dst(%arg10 : memref<80x128xf32, #tpu.memory_space<vmem>>)
      tpu.yield
    }) : () -> ()
    %sub3A = arith.constant 125 : i32
    %sub3A_1 = arith.subi %sub3A, %arg1 : i32
    %sub3A_2 = arith.constant 16 : i32
    %sub3A_3 = arith.constant 1 : i32
    %sub3A_4 = arith.subi %sub3A_2, %sub3A_3 : i32
    %add3A_5 = arith.addi %sub3A_1, %sub3A_4 : i32
    %div3A = arith.constant 16 : i32
    %div3A_6 = arith.divsi %add3A_5, %div3A : i32
    %while3A = arith.constant 16 : i32
    %while3A_7 = arith.constant 0 : i32
    %while3A_8 = arith.subi %div3A_6, %while3A_7 : i32
    %while3A_9 = arith.addi %while3A_7, %while3A_8 : i32
    %while3A_10 = arith.constant 1 : i32
    %while3A_11 = arith.divsi %while3A_8, %while3A_10 : i32
    %while3A_12 = arith.muli %while3A_11, %while3A_10 : i32
    %while3A_13 = arith.addi %while3A_7, %while3A_12 : i32
    %while3A_14 = arith.constant 1 : i32
    scf.for %while3A_56 = %while3A_7 to %while3A_13 step %while3A_14  : i32 {
      %mul3A_57 = arith.muli %while3A_56, %while3A : i32
      %add3A_58 = arith.addi %arg1, %mul3A_57 : i32
      %mul3A_59 = arith.constant 80 : i32
      %mul3A_60 = arith.muli %add3A_58, %mul3A_59 : i32
      %multiple_of3A = tpu.assume_multiple %mul3A_60, 8 : i32
      "tpu.region"() ({
        %run_scoped3A = tpu.sem_alloc : memref<!tpu.dma_semaphore, #tpu.memory_space<semaphore_mem>>
        %dma_start3A = arith.constant 0 : i32
        %dma_start3A_61 = tpu.memref_slice %arg11[%multiple_of3A, %dma_start3A] : memref<10000x128xf32, #tpu.memory_space<vmem_shared>> -> memref<80x128xf32, #tpu.memory_space<vmem_shared>>
        %dma_start3A_62 = arith.constant 0 : i32
        %dma_start3A_63 = tpu.memref_slice %arg11[%multiple_of3A, %dma_start3A_62] : memref<10000x128xf32, #tpu.memory_space<vmem_shared>> -> memref<80x128xf32, #tpu.memory_space<vmem_shared>>
        tpu.enqueue_dma source(%arg10 : memref<80x128xf32, #tpu.memory_space<vmem>>) target(%dma_start3A_63 : memref<80x128xf32, #tpu.memory_space<vmem_shared>>) target_semaphore(%run_scoped3A : memref<!tpu.dma_semaphore, #tpu.memory_space<semaphore_mem>>)
        %dma_wait3A_64 = arith.constant 0 : i32
        %dma_wait3A_65 = tpu.memref_slice %arg11[%multiple_of3A, %dma_wait3A_64] : memref<10000x128xf32, #tpu.memory_space<vmem_shared>> -> memref<80x128xf32, #tpu.memory_space<vmem_shared>>
        %dma_wait3A_66 = arith.constant 0 : i32
        %dma_wait3A_67 = tpu.memref_slice %arg11[%multiple_of3A, %dma_wait3A_66] : memref<10000x128xf32, #tpu.memory_space<vmem_shared>> -> memref<80x128xf32, #tpu.memory_space<vmem_shared>>
        tpu.wait_dma2 semaphore(%run_scoped3A : memref<!tpu.dma_semaphore, #tpu.memory_space<semaphore_mem>>) src(%arg10 : memref<80x128xf32, #tpu.memory_space<vmem>>) dst(%dma_wait3A_67 : memref<80x128xf32, #tpu.memory_space<vmem_shared>>)
        tpu.yield
      }) : () -> ()
    }
    %while3A_15 = arith.constant 1 : i32
    scf.for %while3A_56 = %while3A_13 to %while3A_9 step %while3A_15  : i32 {
      %mul3A_57 = arith.muli %while3A_56, %while3A : i32
      %add3A_58 = arith.addi %arg1, %mul3A_57 : i32
      %mul3A_59 = arith.constant 80 : i32
      %mul3A_60 = arith.muli %add3A_58, %mul3A_59 : i32
      %multiple_of3A = tpu.assume_multiple %mul3A_60, 8 : i32
      "tpu.region"() ({
        %run_scoped3A = tpu.sem_alloc : memref<!tpu.dma_semaphore, #tpu.memory_space<semaphore_mem>>
        %dma_start3A = arith.constant 0 : i32
        %dma_start3A_61 = tpu.memref_slice %arg11[%multiple_of3A, %dma_start3A] : memref<10000x128xf32, #tpu.memory_space<vmem_shared>> -> memref<80x128xf32, #tpu.memory_space<vmem_shared>>
        %dma_start3A_62 = arith.constant 0 : i32
        %dma_start3A_63 = tpu.memref_slice %arg11[%multiple_of3A, %dma_start3A_62] : memref<10000x128xf32, #tpu.memory_space<vmem_shared>> -> memref<80x128xf32, #tpu.memory_space<vmem_shared>>
        tpu.enqueue_dma source(%arg10 : memref<80x128xf32, #tpu.memory_space<vmem>>) target(%dma_start3A_63 : memref<80x128xf32, #tpu.memory_space<vmem_shared>>) target_semaphore(%run_scoped3A : memref<!tpu.dma_semaphore, #tpu.memory_space<semaphore_mem>>)
        %dma_wait3A_64 = arith.constant 0 : i32
        %dma_wait3A_65 = tpu.memref_slice %arg11[%multiple_of3A, %dma_wait3A_64] : memref<10000x128xf32, #tpu.memory_space<vmem_shared>> -> memref<80x128xf32, #tpu.memory_space<vmem_shared>>
        %dma_wait3A_66 = arith.constant 0 : i32
        %dma_wait3A_67 = tpu.memref_slice %arg11[%multiple_of3A, %dma_wait3A_66] : memref<10000x128xf32, #tpu.memory_space<vmem_shared>> -> memref<80x128xf32, #tpu.memory_space<vmem_shared>>
        tpu.wait_dma2 semaphore(%run_scoped3A : memref<!tpu.dma_semaphore, #tpu.memory_space<semaphore_mem>>) src(%arg10 : memref<80x128xf32, #tpu.memory_space<vmem>>) dst(%dma_wait3A_67 : memref<80x128xf32, #tpu.memory_space<vmem_shared>>)
        tpu.yield
      }) : () -> ()
    }
    %barrier3A = arith.constant 0 : index
    tpu.barrier barrier_id(%barrier3A)
    %mul3A_16 = arith.constant 80 : i32
    %mul3A_17 = arith.muli %add3A, %mul3A_16 : i32
    %scan3A = arith.constant 0 : i32
    %scan3A_18 = arith.constant 40 : i32
    %scan3A_19 = arith.addi %scan3A, %scan3A_18 : i32
    %scan3A_20 = arith.constant 1 : i32
    scf.for %scan3A_56 = %scan3A to %scan3A_19 step %scan3A_20  : i32 {
      %mul3A_57 = arith.constant 1 : i32
      %mul3A_58 = arith.muli %scan3A_56, %mul3A_57 : i32
      %add3A_59 = arith.constant 0 : i32
      %add3A_60 = arith.addi %add3A_59, %mul3A_58 : i32
      %mul3A_61 = arith.constant 2 : i32
      %mul3A_62 = arith.muli %mul3A_61, %add3A_60 : i32
      %add3A_63 = arith.addi %mul3A_17, %mul3A_62 : i32
      %gt3A = arith.constant 0 : i32
      %gt3A_64 = arith.cmpi sgt, %add3A_60, %gt3A : i32
      %convert_element_type3A = arith.extui %gt3A_64 : i1 to i32
      %cond3A = arith.constant 0 : i32
      %cond3A_65 = arith.cmpi ne, %convert_element_type3A, %cond3A : i32
      scf.if %cond3A_65 {
        %dma_wait3A_146 = arith.constant 1 : i32
        %dma_wait3A_147 = arith.constant 0 : i32
        %dma_wait3A_148 = tpu.memref_slice %arg6[%dma_wait3A_146, %dma_wait3A_147] : memref<2x125xi32, #tpu.memory_space<vmem>> -> memref<1x125xi32, #tpu.memory_space<vmem>>
        %dma_wait3A_149 = tpu.memref_squeeze %dma_wait3A_148 : memref<1x125xi32, #tpu.memory_space<vmem>> -> memref<125xi32, #tpu.memory_space<vmem>>
        %dma_wait3A_150 = arith.constant 0 : i32
        %dma_wait3A_151 = arith.constant 0 : i32
        %dma_wait3A_152 = tpu.memref_slice %arg11[%dma_wait3A_150, %dma_wait3A_151] : memref<10000x128xf32, #tpu.memory_space<vmem_shared>> -> memref<10000x128xf32, #tpu.memory_space<vmem_shared>>
        tpu.wait_indirect_dma semaphore(%arg14 : memref<!tpu.dma_semaphore, #tpu.memory_space<semaphore_mem>>) src(%arg8 : memref<125x128xf32, #tpu.memory_space<vmem>>) dst(%dma_wait3A_152 : memref<10000x128xf32, #tpu.memory_space<vmem_shared>>)
      } else {
      }
      %dma_start3A = arith.constant 0 : i32
      %dma_start3A_66 = arith.constant 0 : i32
      %dma_start3A_67 = tpu.memref_slice %arg3[%add3A_63, %dma_start3A, %dma_start3A_66] : memref<2560x2x125xi32, #tpu.memory_space<hbm>> -> memref<1x2x125xi32, #tpu.memory_space<hbm>>
      %dma_start3A_68 = tpu.memref_squeeze %dma_start3A_67 : memref<1x2x125xi32, #tpu.memory_space<hbm>> -> memref<2x125xi32, #tpu.memory_space<hbm>>
      %dma_start3A_69 = arith.constant 0 : i32
      %dma_start3A_70 = arith.constant 0 : i32
      %dma_start3A_71 = tpu.memref_slice %arg3[%add3A_63, %dma_start3A_69, %dma_start3A_70] : memref<2560x2x125xi32, #tpu.memory_space<hbm>> -> memref<1x2x125xi32, #tpu.memory_space<hbm>>
      %dma_start3A_72 = tpu.memref_squeeze %dma_start3A_71 : memref<1x2x125xi32, #tpu.memory_space<hbm>> -> memref<2x125xi32, #tpu.memory_space<hbm>>
      tpu.enqueue_dma source(%dma_start3A_72 : memref<2x125xi32, #tpu.memory_space<hbm>>) target(%arg6 : memref<2x125xi32, #tpu.memory_space<vmem>>) target_semaphore(%arg12 : memref<!tpu.dma_semaphore, #tpu.memory_space<semaphore_mem>>)
      %gt3A_73 = arith.constant 0 : i32
      %gt3A_74 = arith.cmpi sgt, %add3A_60, %gt3A_73 : i32
      %convert_element_type3A_75 = arith.extui %gt3A_74 : i1 to i32
      %cond3A_76 = arith.constant 0 : i32
      %cond3A_77 = arith.cmpi ne, %convert_element_type3A_75, %cond3A_76 : i32
      scf.if %cond3A_77 {
        %dma_wait3A_146 = arith.constant 1 : i32
        %dma_wait3A_147 = arith.constant 0 : i32
        %dma_wait3A_148 = tpu.memref_slice %arg7[%dma_wait3A_146, %dma_wait3A_147] : memref<2x125xi32, #tpu.memory_space<vmem>> -> memref<1x125xi32, #tpu.memory_space<vmem>>
        %dma_wait3A_149 = tpu.memref_squeeze %dma_wait3A_148 : memref<1x125xi32, #tpu.memory_space<vmem>> -> memref<125xi32, #tpu.memory_space<vmem>>
        %dma_wait3A_150 = arith.constant 0 : i32
        %dma_wait3A_151 = arith.constant 0 : i32
        %dma_wait3A_152 = tpu.memref_slice %arg11[%dma_wait3A_150, %dma_wait3A_151] : memref<10000x128xf32, #tpu.memory_space<vmem_shared>> -> memref<10000x128xf32, #tpu.memory_space<vmem_shared>>
        tpu.wait_indirect_dma semaphore(%arg15 : memref<!tpu.dma_semaphore, #tpu.memory_space<semaphore_mem>>) src(%arg9 : memref<125x128xf32, #tpu.memory_space<vmem>>) dst(%dma_wait3A_152 : memref<10000x128xf32, #tpu.memory_space<vmem_shared>>)
      } else {
      }
      %add3A_78 = arith.constant 1 : i32
      %add3A_79 = arith.addi %add3A_63, %add3A_78 : i32
      %dma_start3A_80 = arith.constant 0 : i32
      %dma_start3A_81 = arith.constant 0 : i32
      %dma_start3A_82 = tpu.memref_slice %arg3[%add3A_79, %dma_start3A_80, %dma_start3A_81] : memref<2560x2x125xi32, #tpu.memory_space<hbm>> -> memref<1x2x125xi32, #tpu.memory_space<hbm>>
      %dma_start3A_83 = tpu.memref_squeeze %dma_start3A_82 : memref<1x2x125xi32, #tpu.memory_space<hbm>> -> memref<2x125xi32, #tpu.memory_space<hbm>>
      %dma_start3A_84 = arith.constant 0 : i32
      %dma_start3A_85 = arith.constant 0 : i32
      %dma_start3A_86 = tpu.memref_slice %arg3[%add3A_79, %dma_start3A_84, %dma_start3A_85] : memref<2560x2x125xi32, #tpu.memory_space<hbm>> -> memref<1x2x125xi32, #tpu.memory_space<hbm>>
      %dma_start3A_87 = tpu.memref_squeeze %dma_start3A_86 : memref<1x2x125xi32, #tpu.memory_space<hbm>> -> memref<2x125xi32, #tpu.memory_space<hbm>>
      tpu.enqueue_dma source(%dma_start3A_87 : memref<2x125xi32, #tpu.memory_space<hbm>>) target(%arg7 : memref<2x125xi32, #tpu.memory_space<vmem>>) target_semaphore(%arg13 : memref<!tpu.dma_semaphore, #tpu.memory_space<semaphore_mem>>)
      %dma_wait3A_88 = arith.constant 0 : i32
      %dma_wait3A_89 = arith.constant 0 : i32
      %dma_wait3A_90 = tpu.memref_slice %arg3[%add3A_63, %dma_wait3A_88, %dma_wait3A_89] : memref<2560x2x125xi32, #tpu.memory_space<hbm>> -> memref<1x2x125xi32, #tpu.memory_space<hbm>>
      %dma_wait3A_91 = tpu.memref_squeeze %dma_wait3A_90 : memref<1x2x125xi32, #tpu.memory_space<hbm>> -> memref<2x125xi32, #tpu.memory_space<hbm>>
      %dma_wait3A_92 = arith.constant 0 : i32
      %dma_wait3A_93 = arith.constant 0 : i32
      %dma_wait3A_94 = tpu.memref_slice %arg3[%add3A_63, %dma_wait3A_92, %dma_wait3A_93] : memref<2560x2x125xi32, #tpu.memory_space<hbm>> -> memref<1x2x125xi32, #tpu.memory_space<hbm>>
      %dma_wait3A_95 = tpu.memref_squeeze %dma_wait3A_94 : memref<1x2x125xi32, #tpu.memory_space<hbm>> -> memref<2x125xi32, #tpu.memory_space<hbm>>
      tpu.wait_dma2 semaphore(%arg12 : memref<!tpu.dma_semaphore, #tpu.memory_space<semaphore_mem>>) src(%dma_wait3A_95 : memref<2x125xi32, #tpu.memory_space<hbm>>) dst(%arg6 : memref<2x125xi32, #tpu.memory_space<vmem>>)
      %dma_start3A_96 = arith.constant 0 : i32
      %dma_start3A_97 = arith.constant 0 : i32
      %dma_start3A_98 = tpu.memref_slice %arg6[%dma_start3A_96, %dma_start3A_97] : memref<2x125xi32, #tpu.memory_space<vmem>> -> memref<1x125xi32, #tpu.memory_space<vmem>>
      %dma_start3A_99 = tpu.memref_squeeze %dma_start3A_98 : memref<1x125xi32, #tpu.memory_space<vmem>> -> memref<125xi32, #tpu.memory_space<vmem>>
      %dma_start3A_100 = arith.constant 0 : i32
      %dma_start3A_101 = arith.constant 0 : i32
      %dma_start3A_102 = tpu.memref_slice %arg2[%dma_start3A_100, %dma_start3A_101] : memref<10000x128xf32, #tpu.memory_space<hbm>> -> memref<10000x128xf32, #tpu.memory_space<hbm>>
      tpu.enqueue_indirect_dma source(%dma_start3A_102 : memref<10000x128xf32, #tpu.memory_space<hbm>>) target(%arg8 : memref<125x128xf32, #tpu.memory_space<vmem>>) offsets(%dma_start3A_99 : memref<125xi32, #tpu.memory_space<vmem>>) semaphore(%arg12 : memref<!tpu.dma_semaphore, #tpu.memory_space<semaphore_mem>>)
      %dma_wait3A_103 = arith.constant 0 : i32
      %dma_wait3A_104 = arith.constant 0 : i32
      %dma_wait3A_105 = tpu.memref_slice %arg3[%add3A_79, %dma_wait3A_103, %dma_wait3A_104] : memref<2560x2x125xi32, #tpu.memory_space<hbm>> -> memref<1x2x125xi32, #tpu.memory_space<hbm>>
      %dma_wait3A_106 = tpu.memref_squeeze %dma_wait3A_105 : memref<1x2x125xi32, #tpu.memory_space<hbm>> -> memref<2x125xi32, #tpu.memory_space<hbm>>
      %dma_wait3A_107 = arith.constant 0 : i32
      %dma_wait3A_108 = arith.constant 0 : i32
      %dma_wait3A_109 = tpu.memref_slice %arg3[%add3A_79, %dma_wait3A_107, %dma_wait3A_108] : memref<2560x2x125xi32, #tpu.memory_space<hbm>> -> memref<1x2x125xi32, #tpu.memory_space<hbm>>
      %dma_wait3A_110 = tpu.memref_squeeze %dma_wait3A_109 : memref<1x2x125xi32, #tpu.memory_space<hbm>> -> memref<2x125xi32, #tpu.memory_space<hbm>>
      tpu.wait_dma2 semaphore(%arg13 : memref<!tpu.dma_semaphore, #tpu.memory_space<semaphore_mem>>) src(%dma_wait3A_110 : memref<2x125xi32, #tpu.memory_space<hbm>>) dst(%arg7 : memref<2x125xi32, #tpu.memory_space<vmem>>)
      %dma_start3A_111 = arith.constant 0 : i32
      %dma_start3A_112 = arith.constant 0 : i32
      %dma_start3A_113 = tpu.memref_slice %arg7[%dma_start3A_111, %dma_start3A_112] : memref<2x125xi32, #tpu.memory_space<vmem>> -> memref<1x125xi32, #tpu.memory_space<vmem>>
      %dma_start3A_114 = tpu.memref_squeeze %dma_start3A_113 : memref<1x125xi32, #tpu.memory_space<vmem>> -> memref<125xi32, #tpu.memory_space<vmem>>
      %dma_start3A_115 = arith.constant 0 : i32
      %dma_start3A_116 = arith.constant 0 : i32
      %dma_start3A_117 = tpu.memref_slice %arg2[%dma_start3A_115, %dma_start3A_116] : memref<10000x128xf32, #tpu.memory_space<hbm>> -> memref<10000x128xf32, #tpu.memory_space<hbm>>
      tpu.enqueue_indirect_dma source(%dma_start3A_117 : memref<10000x128xf32, #tpu.memory_space<hbm>>) target(%arg9 : memref<125x128xf32, #tpu.memory_space<vmem>>) offsets(%dma_start3A_114 : memref<125xi32, #tpu.memory_space<vmem>>) semaphore(%arg13 : memref<!tpu.dma_semaphore, #tpu.memory_space<semaphore_mem>>)
      %dma_wait3A_118 = arith.constant 0 : i32
      %dma_wait3A_119 = arith.constant 0 : i32
      %dma_wait3A_120 = tpu.memref_slice %arg6[%dma_wait3A_118, %dma_wait3A_119] : memref<2x125xi32, #tpu.memory_space<vmem>> -> memref<1x125xi32, #tpu.memory_space<vmem>>
      %dma_wait3A_121 = tpu.memref_squeeze %dma_wait3A_120 : memref<1x125xi32, #tpu.memory_space<vmem>> -> memref<125xi32, #tpu.memory_space<vmem>>
      %dma_wait3A_122 = arith.constant 0 : i32
      %dma_wait3A_123 = arith.constant 0 : i32
      %dma_wait3A_124 = tpu.memref_slice %arg2[%dma_wait3A_122, %dma_wait3A_123] : memref<10000x128xf32, #tpu.memory_space<hbm>> -> memref<10000x128xf32, #tpu.memory_space<hbm>>
      tpu.wait_indirect_dma semaphore(%arg12 : memref<!tpu.dma_semaphore, #tpu.memory_space<semaphore_mem>>) src(%dma_wait3A_124 : memref<10000x128xf32, #tpu.memory_space<hbm>>) dst(%arg8 : memref<125x128xf32, #tpu.memory_space<vmem>>)
      %dma_start3A_125 = arith.constant 1 : i32
      %dma_start3A_126 = arith.constant 0 : i32
      %dma_start3A_127 = tpu.memref_slice %arg6[%dma_start3A_125, %dma_start3A_126] : memref<2x125xi32, #tpu.memory_space<vmem>> -> memref<1x125xi32, #tpu.memory_space<vmem>>
      %dma_start3A_128 = tpu.memref_squeeze %dma_start3A_127 : memref<1x125xi32, #tpu.memory_space<vmem>> -> memref<125xi32, #tpu.memory_space<vmem>>
      %dma_start3A_129 = arith.constant 0 : i32
      %dma_start3A_130 = arith.constant 0 : i32
      %dma_start3A_131 = tpu.memref_slice %arg11[%dma_start3A_129, %dma_start3A_130] : memref<10000x128xf32, #tpu.memory_space<vmem_shared>> -> memref<10000x128xf32, #tpu.memory_space<vmem_shared>>
      tpu.enqueue_indirect_dma source(%arg8 : memref<125x128xf32, #tpu.memory_space<vmem>>) target(%dma_start3A_131 : memref<10000x128xf32, #tpu.memory_space<vmem_shared>>) offsets(%dma_start3A_128 : memref<125xi32, #tpu.memory_space<vmem>>) semaphore(%arg14 : memref<!tpu.dma_semaphore, #tpu.memory_space<semaphore_mem>>) {add = true}
      %dma_wait3A_132 = arith.constant 0 : i32
      %dma_wait3A_133 = arith.constant 0 : i32
      %dma_wait3A_134 = tpu.memref_slice %arg7[%dma_wait3A_132, %dma_wait3A_133] : memref<2x125xi32, #tpu.memory_space<vmem>> -> memref<1x125xi32, #tpu.memory_space<vmem>>
      %dma_wait3A_135 = tpu.memref_squeeze %dma_wait3A_134 : memref<1x125xi32, #tpu.memory_space<vmem>> -> memref<125xi32, #tpu.memory_space<vmem>>
      %dma_wait3A_136 = arith.constant 0 : i32
      %dma_wait3A_137 = arith.constant 0 : i32
      %dma_wait3A_138 = tpu.memref_slice %arg2[%dma_wait3A_136, %dma_wait3A_137] : memref<10000x128xf32, #tpu.memory_space<hbm>> -> memref<10000x128xf32, #tpu.memory_space<hbm>>
      tpu.wait_indirect_dma semaphore(%arg13 : memref<!tpu.dma_semaphore, #tpu.memory_space<semaphore_mem>>) src(%dma_wait3A_138 : memref<10000x128xf32, #tpu.memory_space<hbm>>) dst(%arg9 : memref<125x128xf32, #tpu.memory_space<vmem>>)
      %dma_start3A_139 = arith.constant 1 : i32
      %dma_start3A_140 = arith.constant 0 : i32
      %dma_start3A_141 = tpu.memref_slice %arg7[%dma_start3A_139, %dma_start3A_140] : memref<2x125xi32, #tpu.memory_space<vmem>> -> memref<1x125xi32, #tpu.memory_space<vmem>>
      %dma_start3A_142 = tpu.memref_squeeze %dma_start3A_141 : memref<1x125xi32, #tpu.memory_space<vmem>> -> memref<125xi32, #tpu.memory_space<vmem>>
      %dma_start3A_143 = arith.constant 0 : i32
      %dma_start3A_144 = arith.constant 0 : i32
      %dma_start3A_145 = tpu.memref_slice %arg11[%dma_start3A_143, %dma_start3A_144] : memref<10000x128xf32, #tpu.memory_space<vmem_shared>> -> memref<10000x128xf32, #tpu.memory_space<vmem_shared>>
      tpu.enqueue_indirect_dma source(%arg9 : memref<125x128xf32, #tpu.memory_space<vmem>>) target(%dma_start3A_145 : memref<10000x128xf32, #tpu.memory_space<vmem_shared>>) offsets(%dma_start3A_142 : memref<125xi32, #tpu.memory_space<vmem>>) semaphore(%arg15 : memref<!tpu.dma_semaphore, #tpu.memory_space<semaphore_mem>>) {add = true}
    }
    %scan3A_21 = arith.constant 40 : i32
    %dma_wait3A = arith.constant 1 : i32
    %dma_wait3A_22 = arith.constant 0 : i32
    %dma_wait3A_23 = tpu.memref_slice %arg6[%dma_wait3A, %dma_wait3A_22] : memref<2x125xi32, #tpu.memory_space<vmem>> -> memref<1x125xi32, #tpu.memory_space<vmem>>
    %dma_wait3A_24 = tpu.memref_squeeze %dma_wait3A_23 : memref<1x125xi32, #tpu.memory_space<vmem>> -> memref<125xi32, #tpu.memory_space<vmem>>
    %dma_wait3A_25 = arith.constant 0 : i32
    %dma_wait3A_26 = arith.constant 0 : i32
    %dma_wait3A_27 = tpu.memref_slice %arg11[%dma_wait3A_25, %dma_wait3A_26] : memref<10000x128xf32, #tpu.memory_space<vmem_shared>> -> memref<10000x128xf32, #tpu.memory_space<vmem_shared>>
    tpu.wait_indirect_dma semaphore(%arg14 : memref<!tpu.dma_semaphore, #tpu.memory_space<semaphore_mem>>) src(%arg8 : memref<125x128xf32, #tpu.memory_space<vmem>>) dst(%dma_wait3A_27 : memref<10000x128xf32, #tpu.memory_space<vmem_shared>>)
    %dma_wait3A_28 = arith.constant 1 : i32
    %dma_wait3A_29 = arith.constant 0 : i32
    %dma_wait3A_30 = tpu.memref_slice %arg7[%dma_wait3A_28, %dma_wait3A_29] : memref<2x125xi32, #tpu.memory_space<vmem>> -> memref<1x125xi32, #tpu.memory_space<vmem>>
    %dma_wait3A_31 = tpu.memref_squeeze %dma_wait3A_30 : memref<1x125xi32, #tpu.memory_space<vmem>> -> memref<125xi32, #tpu.memory_space<vmem>>
    %dma_wait3A_32 = arith.constant 0 : i32
    %dma_wait3A_33 = arith.constant 0 : i32
    %dma_wait3A_34 = tpu.memref_slice %arg11[%dma_wait3A_32, %dma_wait3A_33] : memref<10000x128xf32, #tpu.memory_space<vmem_shared>> -> memref<10000x128xf32, #tpu.memory_space<vmem_shared>>
    tpu.wait_indirect_dma semaphore(%arg15 : memref<!tpu.dma_semaphore, #tpu.memory_space<semaphore_mem>>) src(%arg9 : memref<125x128xf32, #tpu.memory_space<vmem>>) dst(%dma_wait3A_34 : memref<10000x128xf32, #tpu.memory_space<vmem_shared>>)
    %barrier3A_35 = arith.constant 0 : index
    tpu.barrier barrier_id(%barrier3A_35)
    %mul3A_36 = arith.constant 10000 : i32
    %mul3A_37 = arith.muli %arg0, %mul3A_36 : i32
    %sub3A_38 = arith.constant 125 : i32
    %sub3A_39 = arith.subi %sub3A_38, %arg1 : i32
    %sub3A_40 = arith.constant 16 : i32
    %sub3A_41 = arith.constant 1 : i32
    %sub3A_42 = arith.subi %sub3A_40, %sub3A_41 : i32
    %add3A_43 = arith.addi %sub3A_39, %sub3A_42 : i32
    %div3A_44 = arith.constant 16 : i32
    %div3A_45 = arith.divsi %add3A_43, %div3A_44 : i32
    %while3A_46 = arith.constant 16 : i32
    %while3A_47 = arith.constant 0 : i32
    %while3A_48 = arith.subi %div3A_45, %while3A_47 : i32
    %while3A_49 = arith.addi %while3A_47, %while3A_48 : i32
    %while3A_50 = arith.constant 1 : i32
    %while3A_51 = arith.divsi %while3A_48, %while3A_50 : i32
    %while3A_52 = arith.muli %while3A_51, %while3A_50 : i32
    %while3A_53 = arith.addi %while3A_47, %while3A_52 : i32
    %while3A_54 = arith.constant 1 : i32
    scf.for %while3A_56 = %while3A_47 to %while3A_53 step %while3A_54  : i32 {
      %mul3A_57 = arith.muli %while3A_56, %while3A_46 : i32
      %add3A_58 = arith.addi %arg1, %mul3A_57 : i32
      %mul3A_59 = arith.constant 80 : i32
      %mul3A_60 = arith.muli %add3A_58, %mul3A_59 : i32
      %multiple_of3A = tpu.assume_multiple %mul3A_60, 8 : i32
      %mul3A_61 = arith.constant 80 : i32
      %mul3A_62 = arith.muli %add3A_58, %mul3A_61 : i32
      %add3A_63 = arith.addi %mul3A_37, %mul3A_62 : i32
      %multiple_of3A_64 = tpu.assume_multiple %add3A_63, 8 : i32
      "tpu.region"() ({
        %run_scoped3A = tpu.sem_alloc : memref<!tpu.dma_semaphore, #tpu.memory_space<semaphore_mem>>
        %dma_start3A = arith.constant 0 : i32
        %dma_start3A_65 = tpu.memref_slice %arg11[%multiple_of3A, %dma_start3A] : memref<10000x128xf32, #tpu.memory_space<vmem_shared>> -> memref<80x128xf32, #tpu.memory_space<vmem_shared>>
        %dma_start3A_66 = arith.constant 0 : i32
        %dma_start3A_67 = tpu.memref_slice %arg11[%multiple_of3A, %dma_start3A_66] : memref<10000x128xf32, #tpu.memory_space<vmem_shared>> -> memref<80x128xf32, #tpu.memory_space<vmem_shared>>
        tpu.enqueue_dma source(%dma_start3A_67 : memref<80x128xf32, #tpu.memory_space<vmem_shared>>) target(%arg10 : memref<80x128xf32, #tpu.memory_space<vmem>>) target_semaphore(%run_scoped3A : memref<!tpu.dma_semaphore, #tpu.memory_space<semaphore_mem>>)
        %dma_wait3A_68 = arith.constant 0 : i32
        %dma_wait3A_69 = tpu.memref_slice %arg11[%multiple_of3A, %dma_wait3A_68] : memref<10000x128xf32, #tpu.memory_space<vmem_shared>> -> memref<80x128xf32, #tpu.memory_space<vmem_shared>>
        %dma_wait3A_70 = arith.constant 0 : i32
        %dma_wait3A_71 = tpu.memref_slice %arg11[%multiple_of3A, %dma_wait3A_70] : memref<10000x128xf32, #tpu.memory_space<vmem_shared>> -> memref<80x128xf32, #tpu.memory_space<vmem_shared>>
        tpu.wait_dma2 semaphore(%run_scoped3A : memref<!tpu.dma_semaphore, #tpu.memory_space<semaphore_mem>>) src(%dma_wait3A_71 : memref<80x128xf32, #tpu.memory_space<vmem_shared>>) dst(%arg10 : memref<80x128xf32, #tpu.memory_space<vmem>>)
        tpu.yield
      }) : () -> ()
      "tpu.region"() ({
        %run_scoped3A = tpu.sem_alloc : memref<!tpu.dma_semaphore, #tpu.memory_space<semaphore_mem>>
        %dma_start3A = arith.constant 0 : i32
        %dma_start3A_65 = tpu.memref_slice %arg5[%multiple_of3A_64, %dma_start3A] : memref<20000x128xf32, #tpu.memory_space<hbm>> -> memref<80x128xf32, #tpu.memory_space<hbm>>
        %dma_start3A_66 = arith.constant 0 : i32
        %dma_start3A_67 = tpu.memref_slice %arg5[%multiple_of3A_64, %dma_start3A_66] : memref<20000x128xf32, #tpu.memory_space<hbm>> -> memref<80x128xf32, #tpu.memory_space<hbm>>
        tpu.enqueue_dma source(%arg10 : memref<80x128xf32, #tpu.memory_space<vmem>>) target(%dma_start3A_67 : memref<80x128xf32, #tpu.memory_space<hbm>>) target_semaphore(%run_scoped3A : memref<!tpu.dma_semaphore, #tpu.memory_space<semaphore_mem>>)
        %dma_wait3A_68 = arith.constant 0 : i32
        %dma_wait3A_69 = tpu.memref_slice %arg5[%multiple_of3A_64, %dma_wait3A_68] : memref<20000x128xf32, #tpu.memory_space<hbm>> -> memref<80x128xf32, #tpu.memory_space<hbm>>
        %dma_wait3A_70 = arith.constant 0 : i32
        %dma_wait3A_71 = tpu.memref_slice %arg5[%multiple_of3A_64, %dma_wait3A_70] : memref<20000x128xf32, #tpu.memory_space<hbm>> -> memref<80x128xf32, #tpu.memory_space<hbm>>
        tpu.wait_dma2 semaphore(%run_scoped3A : memref<!tpu.dma_semaphore, #tpu.memory_space<semaphore_mem>>) src(%arg10 : memref<80x128xf32, #tpu.memory_space<vmem>>) dst(%dma_wait3A_71 : memref<80x128xf32, #tpu.memory_space<hbm>>)
        tpu.yield
      }) : () -> ()
    }
    %while3A_55 = arith.constant 1 : i32
    scf.for %while3A_56 = %while3A_53 to %while3A_49 step %while3A_55  : i32 {
      %mul3A_57 = arith.muli %while3A_56, %while3A_46 : i32
      %add3A_58 = arith.addi %arg1, %mul3A_57 : i32
      %mul3A_59 = arith.constant 80 : i32
      %mul3A_60 = arith.muli %add3A_58, %mul3A_59 : i32
      %multiple_of3A = tpu.assume_multiple %mul3A_60, 8 : i32
      %mul3A_61 = arith.constant 80 : i32
      %mul3A_62 = arith.muli %add3A_58, %mul3A_61 : i32
      %add3A_63 = arith.addi %mul3A_37, %mul3A_62 : i32
      %multiple_of3A_64 = tpu.assume_multiple %add3A_63, 8 : i32
      "tpu.region"() ({
        %run_scoped3A = tpu.sem_alloc : memref<!tpu.dma_semaphore, #tpu.memory_space<semaphore_mem>>
        %dma_start3A = arith.constant 0 : i32
        %dma_start3A_65 = tpu.memref_slice %arg11[%multiple_of3A, %dma_start3A] : memref<10000x128xf32, #tpu.memory_space<vmem_shared>> -> memref<80x128xf32, #tpu.memory_space<vmem_shared>>
        %dma_start3A_66 = arith.constant 0 : i32
        %dma_start3A_67 = tpu.memref_slice %arg11[%multiple_of3A, %dma_start3A_66] : memref<10000x128xf32, #tpu.memory_space<vmem_shared>> -> memref<80x128xf32, #tpu.memory_space<vmem_shared>>
        tpu.enqueue_dma source(%dma_start3A_67 : memref<80x128xf32, #tpu.memory_space<vmem_shared>>) target(%arg10 : memref<80x128xf32, #tpu.memory_space<vmem>>) target_semaphore(%run_scoped3A : memref<!tpu.dma_semaphore, #tpu.memory_space<semaphore_mem>>)
        %dma_wait3A_68 = arith.constant 0 : i32
        %dma_wait3A_69 = tpu.memref_slice %arg11[%multiple_of3A, %dma_wait3A_68] : memref<10000x128xf32, #tpu.memory_space<vmem_shared>> -> memref<80x128xf32, #tpu.memory_space<vmem_shared>>
        %dma_wait3A_70 = arith.constant 0 : i32
        %dma_wait3A_71 = tpu.memref_slice %arg11[%multiple_of3A, %dma_wait3A_70] : memref<10000x128xf32, #tpu.memory_space<vmem_shared>> -> memref<80x128xf32, #tpu.memory_space<vmem_shared>>
        tpu.wait_dma2 semaphore(%run_scoped3A : memref<!tpu.dma_semaphore, #tpu.memory_space<semaphore_mem>>) src(%dma_wait3A_71 : memref<80x128xf32, #tpu.memory_space<vmem_shared>>) dst(%arg10 : memref<80x128xf32, #tpu.memory_space<vmem>>)
        tpu.yield
      }) : () -> ()
      "tpu.region"() ({
        %run_scoped3A = tpu.sem_alloc : memref<!tpu.dma_semaphore, #tpu.memory_space<semaphore_mem>>
        %dma_start3A = arith.constant 0 : i32
        %dma_start3A_65 = tpu.memref_slice %arg5[%multiple_of3A_64, %dma_start3A] : memref<20000x128xf32, #tpu.memory_space<hbm>> -> memref<80x128xf32, #tpu.memory_space<hbm>>
        %dma_start3A_66 = arith.constant 0 : i32
        %dma_start3A_67 = tpu.memref_slice %arg5[%multiple_of3A_64, %dma_start3A_66] : memref<20000x128xf32, #tpu.memory_space<hbm>> -> memref<80x128xf32, #tpu.memory_space<hbm>>
        tpu.enqueue_dma source(%arg10 : memref<80x128xf32, #tpu.memory_space<vmem>>) target(%dma_start3A_67 : memref<80x128xf32, #tpu.memory_space<hbm>>) target_semaphore(%run_scoped3A : memref<!tpu.dma_semaphore, #tpu.memory_space<semaphore_mem>>)
        %dma_wait3A_68 = arith.constant 0 : i32
        %dma_wait3A_69 = tpu.memref_slice %arg5[%multiple_of3A_64, %dma_wait3A_68] : memref<20000x128xf32, #tpu.memory_space<hbm>> -> memref<80x128xf32, #tpu.memory_space<hbm>>
        %dma_wait3A_70 = arith.constant 0 : i32
        %dma_wait3A_71 = tpu.memref_slice %arg5[%multiple_of3A_64, %dma_wait3A_70] : memref<20000x128xf32, #tpu.memory_space<hbm>> -> memref<80x128xf32, #tpu.memory_space<hbm>>
        tpu.wait_dma2 semaphore(%run_scoped3A : memref<!tpu.dma_semaphore, #tpu.memory_space<semaphore_mem>>) src(%arg10 : memref<80x128xf32, #tpu.memory_space<vmem>>) dst(%dma_wait3A_71 : memref<80x128xf32, #tpu.memory_space<hbm>>)
        tpu.yield
      }) : () -> ()
    }
    return
  }
}

#map = affine_map<(d0, d1) -> (0, 0)>
#map1 = affine_map<(d0, d1) -> (0, 0, 0)>
module attributes {stable_mosaic.version = 14 : i64} {
  func.func @body(%arg0: i32, %arg1: i32, %arg2: memref<125x128xf32, #tpu.memory_space<hbm>>, %arg3: memref<2560x2x125xi32, #tpu.memory_space<hbm>>, %arg4: memref<80x128xf32, #tpu.memory_space<hbm>>, %arg5: memref<20000x128xf32, #tpu.memory_space<hbm>>, %arg6: memref<2x125xi32, #tpu.memory_space<vmem>>, %arg7: memref<2x125xi32, #tpu.memory_space<vmem>>, %arg8: memref<125x128xf32, #tpu.memory_space<vmem>>, %arg9: memref<125x128xf32, #tpu.memory_space<vmem>>, %arg10: memref<80x128xf32, #tpu.memory_space<vmem>>, %arg11: memref<10000x128xf32, #tpu.memory_space<vmem_shared>>, %arg12: memref<!tpu.dma_semaphore, #tpu.memory_space<semaphore_mem>>, %arg13: memref<!tpu.dma_semaphore, #tpu.memory_space<semaphore_mem>>, %arg14: memref<!tpu.dma_semaphore, #tpu.memory_space<semaphore_mem>>, %arg15: memref<!tpu.dma_semaphore, #tpu.memory_space<semaphore_mem>>) attributes {dimension_semantics = [#tpu.dimension_semantics<core_parallel>, #tpu.dimension_semantics<subcore_parallel>], iteration_bounds = array<i64: 2, 16>, scalar_prefetch = 0 : i64, scratch_operands = 10 : i64, tpu.core_type = #tpu.core_type<sc_vector_subcore>, window_params = [{transform_indices = #map}, {transform_indices = #map1}, {transform_indices = #map}, {transform_indices = #map}]} {
    %mul3A = arith.constant 16 : i32
    %mul3A_0 = arith.muli %arg0, %mul3A : i32
    %add3A = arith.addi %mul3A_0, %arg1 : i32
    "tpu.region"() ({
      %run_scoped3A = tpu.sem_alloc : memref<!tpu.dma_semaphore, #tpu.memory_space<semaphore_mem>>
      tpu.enqueue_dma source(%arg4 : memref<80x128xf32, #tpu.memory_space<hbm>>) target(%arg10 : memref<80x128xf32, #tpu.memory_space<vmem>>) target_semaphore(%run_scoped3A : memref<!tpu.dma_semaphore, #tpu.memory_space<semaphore_mem>>)
      tpu.wait_dma2 semaphore(%run_scoped3A : memref<!tpu.dma_semaphore, #tpu.memory_space<semaphore_mem>>) src(%arg4 : memref<80x128xf32, #tpu.memory_space<hbm>>) dst(%arg10 : memref<80x128xf32, #tpu.memory_space<vmem>>)
      tpu.yield
    }) : () -> ()
    "tpu.region"() ({
      %run_scoped3A = tpu.sem_alloc : memref<!tpu.dma_semaphore, #tpu.memory_space<semaphore_mem>>
      %dma_start3A = arith.constant 0 : i32
      %dma_start3A_56 = arith.constant 0 : i32
      %dma_start3A_57 = tpu.memref_slice %arg2[%dma_start3A, %dma_start3A_56] : memref<125x128xf32, #tpu.memory_space<hbm>> -> memref<125x128xf32, #tpu.memory_space<hbm>>
      %dma_start3A_58 = arith.constant 0 : i32
      %dma_start3A_59 = arith.constant 0 : i32
      %dma_start3A_60 = tpu.memref_slice %arg2[%dma_start3A_58, %dma_start3A_59] : memref<125x128xf32, #tpu.memory_space<hbm>> -> memref<125x128xf32, #tpu.memory_space<hbm>>
      tpu.enqueue_dma source(%dma_start3A_60 : memref<125x128xf32, #tpu.memory_space<hbm>>) target(%arg8 : memref<125x128xf32, #tpu.memory_space<vmem>>) target_semaphore(%run_scoped3A : memref<!tpu.dma_semaphore, #tpu.memory_space<semaphore_mem>>)
      %dma_wait3A_61 = arith.constant 0 : i32
      %dma_wait3A_62 = arith.constant 0 : i32
      %dma_wait3A_63 = tpu.memref_slice %arg2[%dma_wait3A_61, %dma_wait3A_62] : memref<125x128xf32, #tpu.memory_space<hbm>> -> memref<125x128xf32, #tpu.memory_space<hbm>>
      %dma_wait3A_64 = arith.constant 0 : i32
      %dma_wait3A_65 = arith.constant 0 : i32
      %dma_wait3A_66 = tpu.memref_slice %arg2[%dma_wait3A_64, %dma_wait3A_65] : memref<125x128xf32, #tpu.memory_space<hbm>> -> memref<125x128xf32, #tpu.memory_space<hbm>>
      tpu.wait_dma2 semaphore(%run_scoped3A : memref<!tpu.dma_semaphore, #tpu.memory_space<semaphore_mem>>) src(%dma_wait3A_66 : memref<125x128xf32, #tpu.memory_space<hbm>>) dst(%arg8 : memref<125x128xf32, #tpu.memory_space<vmem>>)
      tpu.yield
    }) : () -> ()
    "tpu.region"() ({
      %run_scoped3A = tpu.sem_alloc : memref<!tpu.dma_semaphore, #tpu.memory_space<semaphore_mem>>
      %dma_start3A = arith.constant 0 : i32
      %dma_start3A_56 = arith.constant 0 : i32
      %dma_start3A_57 = tpu.memref_slice %arg2[%dma_start3A, %dma_start3A_56] : memref<125x128xf32, #tpu.memory_space<hbm>> -> memref<125x128xf32, #tpu.memory_space<hbm>>
      %dma_start3A_58 = arith.constant 0 : i32
      %dma_start3A_59 = arith.constant 0 : i32
      %dma_start3A_60 = tpu.memref_slice %arg2[%dma_start3A_58, %dma_start3A_59] : memref<125x128xf32, #tpu.memory_space<hbm>> -> memref<125x128xf32, #tpu.memory_space<hbm>>
      tpu.enqueue_dma source(%dma_start3A_60 : memref<125x128xf32, #tpu.memory_space<hbm>>) target(%arg9 : memref<125x128xf32, #tpu.memory_space<vmem>>) target_semaphore(%run_scoped3A : memref<!tpu.dma_semaphore, #tpu.memory_space<semaphore_mem>>)
      %dma_wait3A_61 = arith.constant 0 : i32
      %dma_wait3A_62 = arith.constant 0 : i32
      %dma_wait3A_63 = tpu.memref_slice %arg2[%dma_wait3A_61, %dma_wait3A_62] : memref<125x128xf32, #tpu.memory_space<hbm>> -> memref<125x128xf32, #tpu.memory_space<hbm>>
      %dma_wait3A_64 = arith.constant 0 : i32
      %dma_wait3A_65 = arith.constant 0 : i32
      %dma_wait3A_66 = tpu.memref_slice %arg2[%dma_wait3A_64, %dma_wait3A_65] : memref<125x128xf32, #tpu.memory_space<hbm>> -> memref<125x128xf32, #tpu.memory_space<hbm>>
      tpu.wait_dma2 semaphore(%run_scoped3A : memref<!tpu.dma_semaphore, #tpu.memory_space<semaphore_mem>>) src(%dma_wait3A_66 : memref<125x128xf32, #tpu.memory_space<hbm>>) dst(%arg9 : memref<125x128xf32, #tpu.memory_space<vmem>>)
      tpu.yield
    }) : () -> ()
    %sub3A = arith.constant 125 : i32
    %sub3A_1 = arith.subi %sub3A, %arg1 : i32
    %sub3A_2 = arith.constant 16 : i32
    %sub3A_3 = arith.constant 1 : i32
    %sub3A_4 = arith.subi %sub3A_2, %sub3A_3 : i32
    %add3A_5 = arith.addi %sub3A_1, %sub3A_4 : i32
    %div3A = arith.constant 16 : i32
    %div3A_6 = arith.divsi %add3A_5, %div3A : i32
    %while3A = arith.constant 16 : i32
    %while3A_7 = arith.constant 0 : i32
    %while3A_8 = arith.subi %div3A_6, %while3A_7 : i32
    %while3A_9 = arith.addi %while3A_7, %while3A_8 : i32
    %while3A_10 = arith.constant 1 : i32
    %while3A_11 = arith.divsi %while3A_8, %while3A_10 : i32
    %while3A_12 = arith.muli %while3A_11, %while3A_10 : i32
    %while3A_13 = arith.addi %while3A_7, %while3A_12 : i32
    %while3A_14 = arith.constant 1 : i32
    scf.for %while3A_56 = %while3A_7 to %while3A_13 step %while3A_14  : i32 {
      %mul3A_57 = arith.muli %while3A_56, %while3A : i32
      %add3A_58 = arith.addi %arg1, %mul3A_57 : i32
      %mul3A_59 = arith.constant 80 : i32
      %mul3A_60 = arith.muli %add3A_58, %mul3A_59 : i32
      %multiple_of3A = tpu.assume_multiple %mul3A_60, 8 : i32
      "tpu.region"() ({
        %run_scoped3A = tpu.sem_alloc : memref<!tpu.dma_semaphore, #tpu.memory_space<semaphore_mem>>
        %dma_start3A = arith.constant 0 : i32
        %dma_start3A_61 = tpu.memref_slice %arg11[%multiple_of3A, %dma_start3A] : memref<10000x128xf32, #tpu.memory_space<vmem_shared>> -> memref<80x128xf32, #tpu.memory_space<vmem_shared>>
        %dma_start3A_62 = arith.constant 0 : i32
        %dma_start3A_63 = tpu.memref_slice %arg11[%multiple_of3A, %dma_start3A_62] : memref<10000x128xf32, #tpu.memory_space<vmem_shared>> -> memref<80x128xf32, #tpu.memory_space<vmem_shared>>
        tpu.enqueue_dma source(%arg10 : memref<80x128xf32, #tpu.memory_space<vmem>>) target(%dma_start3A_63 : memref<80x128xf32, #tpu.memory_space<vmem_shared>>) target_semaphore(%run_scoped3A : memref<!tpu.dma_semaphore, #tpu.memory_space<semaphore_mem>>)
        %dma_wait3A_64 = arith.constant 0 : i32
        %dma_wait3A_65 = tpu.memref_slice %arg11[%multiple_of3A, %dma_wait3A_64] : memref<10000x128xf32, #tpu.memory_space<vmem_shared>> -> memref<80x128xf32, #tpu.memory_space<vmem_shared>>
        %dma_wait3A_66 = arith.constant 0 : i32
        %dma_wait3A_67 = tpu.memref_slice %arg11[%multiple_of3A, %dma_wait3A_66] : memref<10000x128xf32, #tpu.memory_space<vmem_shared>> -> memref<80x128xf32, #tpu.memory_space<vmem_shared>>
        tpu.wait_dma2 semaphore(%run_scoped3A : memref<!tpu.dma_semaphore, #tpu.memory_space<semaphore_mem>>) src(%arg10 : memref<80x128xf32, #tpu.memory_space<vmem>>) dst(%dma_wait3A_67 : memref<80x128xf32, #tpu.memory_space<vmem_shared>>)
        tpu.yield
      }) : () -> ()
    }
    %while3A_15 = arith.constant 1 : i32
    scf.for %while3A_56 = %while3A_13 to %while3A_9 step %while3A_15  : i32 {
      %mul3A_57 = arith.muli %while3A_56, %while3A : i32
      %add3A_58 = arith.addi %arg1, %mul3A_57 : i32
      %mul3A_59 = arith.constant 80 : i32
      %mul3A_60 = arith.muli %add3A_58, %mul3A_59 : i32
      %multiple_of3A = tpu.assume_multiple %mul3A_60, 8 : i32
      "tpu.region"() ({
        %run_scoped3A = tpu.sem_alloc : memref<!tpu.dma_semaphore, #tpu.memory_space<semaphore_mem>>
        %dma_start3A = arith.constant 0 : i32
        %dma_start3A_61 = tpu.memref_slice %arg11[%multiple_of3A, %dma_start3A] : memref<10000x128xf32, #tpu.memory_space<vmem_shared>> -> memref<80x128xf32, #tpu.memory_space<vmem_shared>>
        %dma_start3A_62 = arith.constant 0 : i32
        %dma_start3A_63 = tpu.memref_slice %arg11[%multiple_of3A, %dma_start3A_62] : memref<10000x128xf32, #tpu.memory_space<vmem_shared>> -> memref<80x128xf32, #tpu.memory_space<vmem_shared>>
        tpu.enqueue_dma source(%arg10 : memref<80x128xf32, #tpu.memory_space<vmem>>) target(%dma_start3A_63 : memref<80x128xf32, #tpu.memory_space<vmem_shared>>) target_semaphore(%run_scoped3A : memref<!tpu.dma_semaphore, #tpu.memory_space<semaphore_mem>>)
        %dma_wait3A_64 = arith.constant 0 : i32
        %dma_wait3A_65 = tpu.memref_slice %arg11[%multiple_of3A, %dma_wait3A_64] : memref<10000x128xf32, #tpu.memory_space<vmem_shared>> -> memref<80x128xf32, #tpu.memory_space<vmem_shared>>
        %dma_wait3A_66 = arith.constant 0 : i32
        %dma_wait3A_67 = tpu.memref_slice %arg11[%multiple_of3A, %dma_wait3A_66] : memref<10000x128xf32, #tpu.memory_space<vmem_shared>> -> memref<80x128xf32, #tpu.memory_space<vmem_shared>>
        tpu.wait_dma2 semaphore(%run_scoped3A : memref<!tpu.dma_semaphore, #tpu.memory_space<semaphore_mem>>) src(%arg10 : memref<80x128xf32, #tpu.memory_space<vmem>>) dst(%dma_wait3A_67 : memref<80x128xf32, #tpu.memory_space<vmem_shared>>)
        tpu.yield
      }) : () -> ()
    }
    %barrier3A = arith.constant 0 : index
    tpu.barrier barrier_id(%barrier3A)
    %mul3A_16 = arith.constant 80 : i32
    %mul3A_17 = arith.muli %add3A, %mul3A_16 : i32
    %scan3A = arith.constant 0 : i32
    %scan3A_18 = arith.constant 40 : i32
    %scan3A_19 = arith.addi %scan3A, %scan3A_18 : i32
    %scan3A_20 = arith.constant 1 : i32
    scf.for %scan3A_56 = %scan3A to %scan3A_19 step %scan3A_20  : i32 {
      %mul3A_57 = arith.constant 1 : i32
      %mul3A_58 = arith.muli %scan3A_56, %mul3A_57 : i32
      %add3A_59 = arith.constant 0 : i32
      %add3A_60 = arith.addi %add3A_59, %mul3A_58 : i32
      %mul3A_61 = arith.constant 2 : i32
      %mul3A_62 = arith.muli %mul3A_61, %add3A_60 : i32
      %add3A_63 = arith.addi %mul3A_17, %mul3A_62 : i32
      %gt3A = arith.constant 0 : i32
      %gt3A_64 = arith.cmpi sgt, %add3A_60, %gt3A : i32
      %convert_element_type3A = arith.extui %gt3A_64 : i1 to i32
      %cond3A = arith.constant 0 : i32
      %cond3A_65 = arith.cmpi ne, %convert_element_type3A, %cond3A : i32
      scf.if %cond3A_65 {
        %dma_wait3A_118 = arith.constant 1 : i32
        %dma_wait3A_119 = arith.constant 0 : i32
        %dma_wait3A_120 = tpu.memref_slice %arg6[%dma_wait3A_118, %dma_wait3A_119] : memref<2x125xi32, #tpu.memory_space<vmem>> -> memref<1x125xi32, #tpu.memory_space<vmem>>
        %dma_wait3A_121 = tpu.memref_squeeze %dma_wait3A_120 : memref<1x125xi32, #tpu.memory_space<vmem>> -> memref<125xi32, #tpu.memory_space<vmem>>
        %dma_wait3A_122 = arith.constant 0 : i32
        %dma_wait3A_123 = arith.constant 0 : i32
        %dma_wait3A_124 = tpu.memref_slice %arg11[%dma_wait3A_122, %dma_wait3A_123] : memref<10000x128xf32, #tpu.memory_space<vmem_shared>> -> memref<10000x128xf32, #tpu.memory_space<vmem_shared>>
        tpu.wait_indirect_dma semaphore(%arg14 : memref<!tpu.dma_semaphore, #tpu.memory_space<semaphore_mem>>) src(%arg8 : memref<125x128xf32, #tpu.memory_space<vmem>>) dst(%dma_wait3A_124 : memref<10000x128xf32, #tpu.memory_space<vmem_shared>>)
      } else {
      }
      %dma_start3A = arith.constant 0 : i32
      %dma_start3A_66 = arith.constant 0 : i32
      %dma_start3A_67 = tpu.memref_slice %arg3[%add3A_63, %dma_start3A, %dma_start3A_66] : memref<2560x2x125xi32, #tpu.memory_space<hbm>> -> memref<1x2x125xi32, #tpu.memory_space<hbm>>
      %dma_start3A_68 = tpu.memref_squeeze %dma_start3A_67 : memref<1x2x125xi32, #tpu.memory_space<hbm>> -> memref<2x125xi32, #tpu.memory_space<hbm>>
      %dma_start3A_69 = arith.constant 0 : i32
      %dma_start3A_70 = arith.constant 0 : i32
      %dma_start3A_71 = tpu.memref_slice %arg3[%add3A_63, %dma_start3A_69, %dma_start3A_70] : memref<2560x2x125xi32, #tpu.memory_space<hbm>> -> memref<1x2x125xi32, #tpu.memory_space<hbm>>
      %dma_start3A_72 = tpu.memref_squeeze %dma_start3A_71 : memref<1x2x125xi32, #tpu.memory_space<hbm>> -> memref<2x125xi32, #tpu.memory_space<hbm>>
      tpu.enqueue_dma source(%dma_start3A_72 : memref<2x125xi32, #tpu.memory_space<hbm>>) target(%arg6 : memref<2x125xi32, #tpu.memory_space<vmem>>) target_semaphore(%arg12 : memref<!tpu.dma_semaphore, #tpu.memory_space<semaphore_mem>>)
      %gt3A_73 = arith.constant 0 : i32
      %gt3A_74 = arith.cmpi sgt, %add3A_60, %gt3A_73 : i32
      %convert_element_type3A_75 = arith.extui %gt3A_74 : i1 to i32
      %cond3A_76 = arith.constant 0 : i32
      %cond3A_77 = arith.cmpi ne, %convert_element_type3A_75, %cond3A_76 : i32
      scf.if %cond3A_77 {
        %dma_wait3A_118 = arith.constant 1 : i32
        %dma_wait3A_119 = arith.constant 0 : i32
        %dma_wait3A_120 = tpu.memref_slice %arg7[%dma_wait3A_118, %dma_wait3A_119] : memref<2x125xi32, #tpu.memory_space<vmem>> -> memref<1x125xi32, #tpu.memory_space<vmem>>
        %dma_wait3A_121 = tpu.memref_squeeze %dma_wait3A_120 : memref<1x125xi32, #tpu.memory_space<vmem>> -> memref<125xi32, #tpu.memory_space<vmem>>
        %dma_wait3A_122 = arith.constant 0 : i32
        %dma_wait3A_123 = arith.constant 0 : i32
        %dma_wait3A_124 = tpu.memref_slice %arg11[%dma_wait3A_122, %dma_wait3A_123] : memref<10000x128xf32, #tpu.memory_space<vmem_shared>> -> memref<10000x128xf32, #tpu.memory_space<vmem_shared>>
        tpu.wait_indirect_dma semaphore(%arg15 : memref<!tpu.dma_semaphore, #tpu.memory_space<semaphore_mem>>) src(%arg9 : memref<125x128xf32, #tpu.memory_space<vmem>>) dst(%dma_wait3A_124 : memref<10000x128xf32, #tpu.memory_space<vmem_shared>>)
      } else {
      }
      %add3A_78 = arith.constant 1 : i32
      %add3A_79 = arith.addi %add3A_63, %add3A_78 : i32
      %dma_start3A_80 = arith.constant 0 : i32
      %dma_start3A_81 = arith.constant 0 : i32
      %dma_start3A_82 = tpu.memref_slice %arg3[%add3A_79, %dma_start3A_80, %dma_start3A_81] : memref<2560x2x125xi32, #tpu.memory_space<hbm>> -> memref<1x2x125xi32, #tpu.memory_space<hbm>>
      %dma_start3A_83 = tpu.memref_squeeze %dma_start3A_82 : memref<1x2x125xi32, #tpu.memory_space<hbm>> -> memref<2x125xi32, #tpu.memory_space<hbm>>
      %dma_start3A_84 = arith.constant 0 : i32
      %dma_start3A_85 = arith.constant 0 : i32
      %dma_start3A_86 = tpu.memref_slice %arg3[%add3A_79, %dma_start3A_84, %dma_start3A_85] : memref<2560x2x125xi32, #tpu.memory_space<hbm>> -> memref<1x2x125xi32, #tpu.memory_space<hbm>>
      %dma_start3A_87 = tpu.memref_squeeze %dma_start3A_86 : memref<1x2x125xi32, #tpu.memory_space<hbm>> -> memref<2x125xi32, #tpu.memory_space<hbm>>
      tpu.enqueue_dma source(%dma_start3A_87 : memref<2x125xi32, #tpu.memory_space<hbm>>) target(%arg7 : memref<2x125xi32, #tpu.memory_space<vmem>>) target_semaphore(%arg13 : memref<!tpu.dma_semaphore, #tpu.memory_space<semaphore_mem>>)
      %dma_wait3A_88 = arith.constant 0 : i32
      %dma_wait3A_89 = arith.constant 0 : i32
      %dma_wait3A_90 = tpu.memref_slice %arg3[%add3A_63, %dma_wait3A_88, %dma_wait3A_89] : memref<2560x2x125xi32, #tpu.memory_space<hbm>> -> memref<1x2x125xi32, #tpu.memory_space<hbm>>
      %dma_wait3A_91 = tpu.memref_squeeze %dma_wait3A_90 : memref<1x2x125xi32, #tpu.memory_space<hbm>> -> memref<2x125xi32, #tpu.memory_space<hbm>>
      %dma_wait3A_92 = arith.constant 0 : i32
      %dma_wait3A_93 = arith.constant 0 : i32
      %dma_wait3A_94 = tpu.memref_slice %arg3[%add3A_63, %dma_wait3A_92, %dma_wait3A_93] : memref<2560x2x125xi32, #tpu.memory_space<hbm>> -> memref<1x2x125xi32, #tpu.memory_space<hbm>>
      %dma_wait3A_95 = tpu.memref_squeeze %dma_wait3A_94 : memref<1x2x125xi32, #tpu.memory_space<hbm>> -> memref<2x125xi32, #tpu.memory_space<hbm>>
      tpu.wait_dma2 semaphore(%arg12 : memref<!tpu.dma_semaphore, #tpu.memory_space<semaphore_mem>>) src(%dma_wait3A_95 : memref<2x125xi32, #tpu.memory_space<hbm>>) dst(%arg6 : memref<2x125xi32, #tpu.memory_space<vmem>>)
      %dma_start3A_96 = arith.constant 1 : i32
      %dma_start3A_97 = arith.constant 0 : i32
      %dma_start3A_98 = tpu.memref_slice %arg6[%dma_start3A_96, %dma_start3A_97] : memref<2x125xi32, #tpu.memory_space<vmem>> -> memref<1x125xi32, #tpu.memory_space<vmem>>
      %dma_start3A_99 = tpu.memref_squeeze %dma_start3A_98 : memref<1x125xi32, #tpu.memory_space<vmem>> -> memref<125xi32, #tpu.memory_space<vmem>>
      %dma_start3A_100 = arith.constant 0 : i32
      %dma_start3A_101 = arith.constant 0 : i32
      %dma_start3A_102 = tpu.memref_slice %arg11[%dma_start3A_100, %dma_start3A_101] : memref<10000x128xf32, #tpu.memory_space<vmem_shared>> -> memref<10000x128xf32, #tpu.memory_space<vmem_shared>>
      tpu.enqueue_indirect_dma source(%arg8 : memref<125x128xf32, #tpu.memory_space<vmem>>) target(%dma_start3A_102 : memref<10000x128xf32, #tpu.memory_space<vmem_shared>>) offsets(%dma_start3A_99 : memref<125xi32, #tpu.memory_space<vmem>>) semaphore(%arg14 : memref<!tpu.dma_semaphore, #tpu.memory_space<semaphore_mem>>) {add = true}
      %dma_wait3A_103 = arith.constant 0 : i32
      %dma_wait3A_104 = arith.constant 0 : i32
      %dma_wait3A_105 = tpu.memref_slice %arg3[%add3A_79, %dma_wait3A_103, %dma_wait3A_104] : memref<2560x2x125xi32, #tpu.memory_space<hbm>> -> memref<1x2x125xi32, #tpu.memory_space<hbm>>
      %dma_wait3A_106 = tpu.memref_squeeze %dma_wait3A_105 : memref<1x2x125xi32, #tpu.memory_space<hbm>> -> memref<2x125xi32, #tpu.memory_space<hbm>>
      %dma_wait3A_107 = arith.constant 0 : i32
      %dma_wait3A_108 = arith.constant 0 : i32
      %dma_wait3A_109 = tpu.memref_slice %arg3[%add3A_79, %dma_wait3A_107, %dma_wait3A_108] : memref<2560x2x125xi32, #tpu.memory_space<hbm>> -> memref<1x2x125xi32, #tpu.memory_space<hbm>>
      %dma_wait3A_110 = tpu.memref_squeeze %dma_wait3A_109 : memref<1x2x125xi32, #tpu.memory_space<hbm>> -> memref<2x125xi32, #tpu.memory_space<hbm>>
      tpu.wait_dma2 semaphore(%arg13 : memref<!tpu.dma_semaphore, #tpu.memory_space<semaphore_mem>>) src(%dma_wait3A_110 : memref<2x125xi32, #tpu.memory_space<hbm>>) dst(%arg7 : memref<2x125xi32, #tpu.memory_space<vmem>>)
      %dma_start3A_111 = arith.constant 1 : i32
      %dma_start3A_112 = arith.constant 0 : i32
      %dma_start3A_113 = tpu.memref_slice %arg7[%dma_start3A_111, %dma_start3A_112] : memref<2x125xi32, #tpu.memory_space<vmem>> -> memref<1x125xi32, #tpu.memory_space<vmem>>
      %dma_start3A_114 = tpu.memref_squeeze %dma_start3A_113 : memref<1x125xi32, #tpu.memory_space<vmem>> -> memref<125xi32, #tpu.memory_space<vmem>>
      %dma_start3A_115 = arith.constant 0 : i32
      %dma_start3A_116 = arith.constant 0 : i32
      %dma_start3A_117 = tpu.memref_slice %arg11[%dma_start3A_115, %dma_start3A_116] : memref<10000x128xf32, #tpu.memory_space<vmem_shared>> -> memref<10000x128xf32, #tpu.memory_space<vmem_shared>>
      tpu.enqueue_indirect_dma source(%arg9 : memref<125x128xf32, #tpu.memory_space<vmem>>) target(%dma_start3A_117 : memref<10000x128xf32, #tpu.memory_space<vmem_shared>>) offsets(%dma_start3A_114 : memref<125xi32, #tpu.memory_space<vmem>>) semaphore(%arg15 : memref<!tpu.dma_semaphore, #tpu.memory_space<semaphore_mem>>) {add = true}
    }
    %scan3A_21 = arith.constant 40 : i32
    %dma_wait3A = arith.constant 1 : i32
    %dma_wait3A_22 = arith.constant 0 : i32
    %dma_wait3A_23 = tpu.memref_slice %arg6[%dma_wait3A, %dma_wait3A_22] : memref<2x125xi32, #tpu.memory_space<vmem>> -> memref<1x125xi32, #tpu.memory_space<vmem>>
    %dma_wait3A_24 = tpu.memref_squeeze %dma_wait3A_23 : memref<1x125xi32, #tpu.memory_space<vmem>> -> memref<125xi32, #tpu.memory_space<vmem>>
    %dma_wait3A_25 = arith.constant 0 : i32
    %dma_wait3A_26 = arith.constant 0 : i32
    %dma_wait3A_27 = tpu.memref_slice %arg11[%dma_wait3A_25, %dma_wait3A_26] : memref<10000x128xf32, #tpu.memory_space<vmem_shared>> -> memref<10000x128xf32, #tpu.memory_space<vmem_shared>>
    tpu.wait_indirect_dma semaphore(%arg14 : memref<!tpu.dma_semaphore, #tpu.memory_space<semaphore_mem>>) src(%arg8 : memref<125x128xf32, #tpu.memory_space<vmem>>) dst(%dma_wait3A_27 : memref<10000x128xf32, #tpu.memory_space<vmem_shared>>)
    %dma_wait3A_28 = arith.constant 1 : i32
    %dma_wait3A_29 = arith.constant 0 : i32
    %dma_wait3A_30 = tpu.memref_slice %arg7[%dma_wait3A_28, %dma_wait3A_29] : memref<2x125xi32, #tpu.memory_space<vmem>> -> memref<1x125xi32, #tpu.memory_space<vmem>>
    %dma_wait3A_31 = tpu.memref_squeeze %dma_wait3A_30 : memref<1x125xi32, #tpu.memory_space<vmem>> -> memref<125xi32, #tpu.memory_space<vmem>>
    %dma_wait3A_32 = arith.constant 0 : i32
    %dma_wait3A_33 = arith.constant 0 : i32
    %dma_wait3A_34 = tpu.memref_slice %arg11[%dma_wait3A_32, %dma_wait3A_33] : memref<10000x128xf32, #tpu.memory_space<vmem_shared>> -> memref<10000x128xf32, #tpu.memory_space<vmem_shared>>
    tpu.wait_indirect_dma semaphore(%arg15 : memref<!tpu.dma_semaphore, #tpu.memory_space<semaphore_mem>>) src(%arg9 : memref<125x128xf32, #tpu.memory_space<vmem>>) dst(%dma_wait3A_34 : memref<10000x128xf32, #tpu.memory_space<vmem_shared>>)
    %barrier3A_35 = arith.constant 0 : index
    tpu.barrier barrier_id(%barrier3A_35)
    %mul3A_36 = arith.constant 10000 : i32
    %mul3A_37 = arith.muli %arg0, %mul3A_36 : i32
    %sub3A_38 = arith.constant 125 : i32
    %sub3A_39 = arith.subi %sub3A_38, %arg1 : i32
    %sub3A_40 = arith.constant 16 : i32
    %sub3A_41 = arith.constant 1 : i32
    %sub3A_42 = arith.subi %sub3A_40, %sub3A_41 : i32
    %add3A_43 = arith.addi %sub3A_39, %sub3A_42 : i32
    %div3A_44 = arith.constant 16 : i32
    %div3A_45 = arith.divsi %add3A_43, %div3A_44 : i32
    %while3A_46 = arith.constant 16 : i32
    %while3A_47 = arith.constant 0 : i32
    %while3A_48 = arith.subi %div3A_45, %while3A_47 : i32
    %while3A_49 = arith.addi %while3A_47, %while3A_48 : i32
    %while3A_50 = arith.constant 1 : i32
    %while3A_51 = arith.divsi %while3A_48, %while3A_50 : i32
    %while3A_52 = arith.muli %while3A_51, %while3A_50 : i32
    %while3A_53 = arith.addi %while3A_47, %while3A_52 : i32
    %while3A_54 = arith.constant 1 : i32
    scf.for %while3A_56 = %while3A_47 to %while3A_53 step %while3A_54  : i32 {
      %mul3A_57 = arith.muli %while3A_56, %while3A_46 : i32
      %add3A_58 = arith.addi %arg1, %mul3A_57 : i32
      %mul3A_59 = arith.constant 80 : i32
      %mul3A_60 = arith.muli %add3A_58, %mul3A_59 : i32
      %multiple_of3A = tpu.assume_multiple %mul3A_60, 8 : i32
      %mul3A_61 = arith.constant 80 : i32
      %mul3A_62 = arith.muli %add3A_58, %mul3A_61 : i32
      %add3A_63 = arith.addi %mul3A_37, %mul3A_62 : i32
      %multiple_of3A_64 = tpu.assume_multiple %add3A_63, 8 : i32
      "tpu.region"() ({
        %run_scoped3A = tpu.sem_alloc : memref<!tpu.dma_semaphore, #tpu.memory_space<semaphore_mem>>
        %dma_start3A = arith.constant 0 : i32
        %dma_start3A_65 = tpu.memref_slice %arg11[%multiple_of3A, %dma_start3A] : memref<10000x128xf32, #tpu.memory_space<vmem_shared>> -> memref<80x128xf32, #tpu.memory_space<vmem_shared>>
        %dma_start3A_66 = arith.constant 0 : i32
        %dma_start3A_67 = tpu.memref_slice %arg11[%multiple_of3A, %dma_start3A_66] : memref<10000x128xf32, #tpu.memory_space<vmem_shared>> -> memref<80x128xf32, #tpu.memory_space<vmem_shared>>
        tpu.enqueue_dma source(%dma_start3A_67 : memref<80x128xf32, #tpu.memory_space<vmem_shared>>) target(%arg10 : memref<80x128xf32, #tpu.memory_space<vmem>>) target_semaphore(%run_scoped3A : memref<!tpu.dma_semaphore, #tpu.memory_space<semaphore_mem>>)
        %dma_wait3A_68 = arith.constant 0 : i32
        %dma_wait3A_69 = tpu.memref_slice %arg11[%multiple_of3A, %dma_wait3A_68] : memref<10000x128xf32, #tpu.memory_space<vmem_shared>> -> memref<80x128xf32, #tpu.memory_space<vmem_shared>>
        %dma_wait3A_70 = arith.constant 0 : i32
        %dma_wait3A_71 = tpu.memref_slice %arg11[%multiple_of3A, %dma_wait3A_70] : memref<10000x128xf32, #tpu.memory_space<vmem_shared>> -> memref<80x128xf32, #tpu.memory_space<vmem_shared>>
        tpu.wait_dma2 semaphore(%run_scoped3A : memref<!tpu.dma_semaphore, #tpu.memory_space<semaphore_mem>>) src(%dma_wait3A_71 : memref<80x128xf32, #tpu.memory_space<vmem_shared>>) dst(%arg10 : memref<80x128xf32, #tpu.memory_space<vmem>>)
        tpu.yield
      }) : () -> ()
      "tpu.region"() ({
        %run_scoped3A = tpu.sem_alloc : memref<!tpu.dma_semaphore, #tpu.memory_space<semaphore_mem>>
        %dma_start3A = arith.constant 0 : i32
        %dma_start3A_65 = tpu.memref_slice %arg5[%multiple_of3A_64, %dma_start3A] : memref<20000x128xf32, #tpu.memory_space<hbm>> -> memref<80x128xf32, #tpu.memory_space<hbm>>
        %dma_start3A_66 = arith.constant 0 : i32
        %dma_start3A_67 = tpu.memref_slice %arg5[%multiple_of3A_64, %dma_start3A_66] : memref<20000x128xf32, #tpu.memory_space<hbm>> -> memref<80x128xf32, #tpu.memory_space<hbm>>
        tpu.enqueue_dma source(%arg10 : memref<80x128xf32, #tpu.memory_space<vmem>>) target(%dma_start3A_67 : memref<80x128xf32, #tpu.memory_space<hbm>>) target_semaphore(%run_scoped3A : memref<!tpu.dma_semaphore, #tpu.memory_space<semaphore_mem>>)
        %dma_wait3A_68 = arith.constant 0 : i32
        %dma_wait3A_69 = tpu.memref_slice %arg5[%multiple_of3A_64, %dma_wait3A_68] : memref<20000x128xf32, #tpu.memory_space<hbm>> -> memref<80x128xf32, #tpu.memory_space<hbm>>
        %dma_wait3A_70 = arith.constant 0 : i32
        %dma_wait3A_71 = tpu.memref_slice %arg5[%multiple_of3A_64, %dma_wait3A_70] : memref<20000x128xf32, #tpu.memory_space<hbm>> -> memref<80x128xf32, #tpu.memory_space<hbm>>
        tpu.wait_dma2 semaphore(%run_scoped3A : memref<!tpu.dma_semaphore, #tpu.memory_space<semaphore_mem>>) src(%arg10 : memref<80x128xf32, #tpu.memory_space<vmem>>) dst(%dma_wait3A_71 : memref<80x128xf32, #tpu.memory_space<hbm>>)
        tpu.yield
      }) : () -> ()
    }
    %while3A_55 = arith.constant 1 : i32
    scf.for %while3A_56 = %while3A_53 to %while3A_49 step %while3A_55  : i32 {
      %mul3A_57 = arith.muli %while3A_56, %while3A_46 : i32
      %add3A_58 = arith.addi %arg1, %mul3A_57 : i32
      %mul3A_59 = arith.constant 80 : i32
      %mul3A_60 = arith.muli %add3A_58, %mul3A_59 : i32
      %multiple_of3A = tpu.assume_multiple %mul3A_60, 8 : i32
      %mul3A_61 = arith.constant 80 : i32
      %mul3A_62 = arith.muli %add3A_58, %mul3A_61 : i32
      %add3A_63 = arith.addi %mul3A_37, %mul3A_62 : i32
      %multiple_of3A_64 = tpu.assume_multiple %add3A_63, 8 : i32
      "tpu.region"() ({
        %run_scoped3A = tpu.sem_alloc : memref<!tpu.dma_semaphore, #tpu.memory_space<semaphore_mem>>
        %dma_start3A = arith.constant 0 : i32
        %dma_start3A_65 = tpu.memref_slice %arg11[%multiple_of3A, %dma_start3A] : memref<10000x128xf32, #tpu.memory_space<vmem_shared>> -> memref<80x128xf32, #tpu.memory_space<vmem_shared>>
        %dma_start3A_66 = arith.constant 0 : i32
        %dma_start3A_67 = tpu.memref_slice %arg11[%multiple_of3A, %dma_start3A_66] : memref<10000x128xf32, #tpu.memory_space<vmem_shared>> -> memref<80x128xf32, #tpu.memory_space<vmem_shared>>
        tpu.enqueue_dma source(%dma_start3A_67 : memref<80x128xf32, #tpu.memory_space<vmem_shared>>) target(%arg10 : memref<80x128xf32, #tpu.memory_space<vmem>>) target_semaphore(%run_scoped3A : memref<!tpu.dma_semaphore, #tpu.memory_space<semaphore_mem>>)
        %dma_wait3A_68 = arith.constant 0 : i32
        %dma_wait3A_69 = tpu.memref_slice %arg11[%multiple_of3A, %dma_wait3A_68] : memref<10000x128xf32, #tpu.memory_space<vmem_shared>> -> memref<80x128xf32, #tpu.memory_space<vmem_shared>>
        %dma_wait3A_70 = arith.constant 0 : i32
        %dma_wait3A_71 = tpu.memref_slice %arg11[%multiple_of3A, %dma_wait3A_70] : memref<10000x128xf32, #tpu.memory_space<vmem_shared>> -> memref<80x128xf32, #tpu.memory_space<vmem_shared>>
        tpu.wait_dma2 semaphore(%run_scoped3A : memref<!tpu.dma_semaphore, #tpu.memory_space<semaphore_mem>>) src(%dma_wait3A_71 : memref<80x128xf32, #tpu.memory_space<vmem_shared>>) dst(%arg10 : memref<80x128xf32, #tpu.memory_space<vmem>>)
        tpu.yield
      }) : () -> ()
      "tpu.region"() ({
        %run_scoped3A = tpu.sem_alloc : memref<!tpu.dma_semaphore, #tpu.memory_space<semaphore_mem>>
        %dma_start3A = arith.constant 0 : i32
        %dma_start3A_65 = tpu.memref_slice %arg5[%multiple_of3A_64, %dma_start3A] : memref<20000x128xf32, #tpu.memory_space<hbm>> -> memref<80x128xf32, #tpu.memory_space<hbm>>
        %dma_start3A_66 = arith.constant 0 : i32
        %dma_start3A_67 = tpu.memref_slice %arg5[%multiple_of3A_64, %dma_start3A_66] : memref<20000x128xf32, #tpu.memory_space<hbm>> -> memref<80x128xf32, #tpu.memory_space<hbm>>
        tpu.enqueue_dma source(%arg10 : memref<80x128xf32, #tpu.memory_space<vmem>>) target(%dma_start3A_67 : memref<80x128xf32, #tpu.memory_space<hbm>>) target_semaphore(%run_scoped3A : memref<!tpu.dma_semaphore, #tpu.memory_space<semaphore_mem>>)
        %dma_wait3A_68 = arith.constant 0 : i32
        %dma_wait3A_69 = tpu.memref_slice %arg5[%multiple_of3A_64, %dma_wait3A_68] : memref<20000x128xf32, #tpu.memory_space<hbm>> -> memref<80x128xf32, #tpu.memory_space<hbm>>
        %dma_wait3A_70 = arith.constant 0 : i32
        %dma_wait3A_71 = tpu.memref_slice %arg5[%multiple_of3A_64, %dma_wait3A_70] : memref<20000x128xf32, #tpu.memory_space<hbm>> -> memref<80x128xf32, #tpu.memory_space<hbm>>
        tpu.wait_dma2 semaphore(%run_scoped3A : memref<!tpu.dma_semaphore, #tpu.memory_space<semaphore_mem>>) src(%arg10 : memref<80x128xf32, #tpu.memory_space<vmem>>) dst(%dma_wait3A_71 : memref<80x128xf32, #tpu.memory_space<hbm>>)
        tpu.yield
      }) : () -> ()
    }
    return
  }
}

#map = affine_map<(d0, d1) -> (0, 0)>
#map1 = affine_map<(d0, d1) -> (0, 0, 0)>
module attributes {stable_mosaic.version = 14 : i64} {
  func.func @body(%arg0: i32, %arg1: i32, %arg2: memref<10000x128xf32, #tpu.memory_space<hbm>>, %arg3: memref<2560x2x125xi32, #tpu.memory_space<hbm>>, %arg4: memref<80x128xf32, #tpu.memory_space<hbm>>, %arg5: memref<20000x128xf32, #tpu.memory_space<hbm>>, %arg6: memref<2x125xi32, #tpu.memory_space<vmem>>, %arg7: memref<2x125xi32, #tpu.memory_space<vmem>>, %arg8: memref<125x128xf32, #tpu.memory_space<vmem>>, %arg9: memref<125x128xf32, #tpu.memory_space<vmem>>, %arg10: memref<80x128xf32, #tpu.memory_space<vmem>>, %arg11: memref<10000x128xf32, #tpu.memory_space<vmem_shared>>, %arg12: memref<!tpu.dma_semaphore, #tpu.memory_space<semaphore_mem>>, %arg13: memref<!tpu.dma_semaphore, #tpu.memory_space<semaphore_mem>>, %arg14: memref<!tpu.dma_semaphore, #tpu.memory_space<semaphore_mem>>, %arg15: memref<!tpu.dma_semaphore, #tpu.memory_space<semaphore_mem>>) attributes {dimension_semantics = [#tpu.dimension_semantics<core_parallel>, #tpu.dimension_semantics<subcore_parallel>], iteration_bounds = array<i64: 2, 16>, scalar_prefetch = 0 : i64, scratch_operands = 10 : i64, tpu.core_type = #tpu.core_type<sc_vector_subcore>, window_params = [{transform_indices = #map}, {transform_indices = #map1}, {transform_indices = #map}, {transform_indices = #map}]} {
    %mul3A = arith.constant 16 : i32
    %mul3A_0 = arith.muli %arg0, %mul3A : i32
    %add3A = arith.addi %mul3A_0, %arg1 : i32
    "tpu.region"() ({
      %run_scoped3A = tpu.sem_alloc : memref<!tpu.dma_semaphore, #tpu.memory_space<semaphore_mem>>
      tpu.enqueue_dma source(%arg4 : memref<80x128xf32, #tpu.memory_space<hbm>>) target(%arg10 : memref<80x128xf32, #tpu.memory_space<vmem>>) target_semaphore(%run_scoped3A : memref<!tpu.dma_semaphore, #tpu.memory_space<semaphore_mem>>)
      tpu.wait_dma2 semaphore(%run_scoped3A : memref<!tpu.dma_semaphore, #tpu.memory_space<semaphore_mem>>) src(%arg4 : memref<80x128xf32, #tpu.memory_space<hbm>>) dst(%arg10 : memref<80x128xf32, #tpu.memory_space<vmem>>)
      tpu.yield
    }) : () -> ()
    %sub3A = arith.constant 125 : i32
    %sub3A_1 = arith.subi %sub3A, %arg1 : i32
    %sub3A_2 = arith.constant 16 : i32
    %sub3A_3 = arith.constant 1 : i32
    %sub3A_4 = arith.subi %sub3A_2, %sub3A_3 : i32
    %add3A_5 = arith.addi %sub3A_1, %sub3A_4 : i32
    %div3A = arith.constant 16 : i32
    %div3A_6 = arith.divsi %add3A_5, %div3A : i32
    %while3A = arith.constant 16 : i32
    %while3A_7 = arith.constant 0 : i32
    %while3A_8 = arith.subi %div3A_6, %while3A_7 : i32
    %while3A_9 = arith.addi %while3A_7, %while3A_8 : i32
    %while3A_10 = arith.constant 1 : i32
    %while3A_11 = arith.divsi %while3A_8, %while3A_10 : i32
    %while3A_12 = arith.muli %while3A_11, %while3A_10 : i32
    %while3A_13 = arith.addi %while3A_7, %while3A_12 : i32
    %while3A_14 = arith.constant 1 : i32
    scf.for %while3A_56 = %while3A_7 to %while3A_13 step %while3A_14  : i32 {
      %mul3A_57 = arith.muli %while3A_56, %while3A : i32
      %add3A_58 = arith.addi %arg1, %mul3A_57 : i32
      %mul3A_59 = arith.constant 80 : i32
      %mul3A_60 = arith.muli %add3A_58, %mul3A_59 : i32
      %multiple_of3A = tpu.assume_multiple %mul3A_60, 8 : i32
      "tpu.region"() ({
        %run_scoped3A = tpu.sem_alloc : memref<!tpu.dma_semaphore, #tpu.memory_space<semaphore_mem>>
        %dma_start3A = arith.constant 0 : i32
        %dma_start3A_61 = tpu.memref_slice %arg11[%multiple_of3A, %dma_start3A] : memref<10000x128xf32, #tpu.memory_space<vmem_shared>> -> memref<80x128xf32, #tpu.memory_space<vmem_shared>>
        %dma_start3A_62 = arith.constant 0 : i32
        %dma_start3A_63 = tpu.memref_slice %arg11[%multiple_of3A, %dma_start3A_62] : memref<10000x128xf32, #tpu.memory_space<vmem_shared>> -> memref<80x128xf32, #tpu.memory_space<vmem_shared>>
        tpu.enqueue_dma source(%arg10 : memref<80x128xf32, #tpu.memory_space<vmem>>) target(%dma_start3A_63 : memref<80x128xf32, #tpu.memory_space<vmem_shared>>) target_semaphore(%run_scoped3A : memref<!tpu.dma_semaphore, #tpu.memory_space<semaphore_mem>>)
        %dma_wait3A_64 = arith.constant 0 : i32
        %dma_wait3A_65 = tpu.memref_slice %arg11[%multiple_of3A, %dma_wait3A_64] : memref<10000x128xf32, #tpu.memory_space<vmem_shared>> -> memref<80x128xf32, #tpu.memory_space<vmem_shared>>
        %dma_wait3A_66 = arith.constant 0 : i32
        %dma_wait3A_67 = tpu.memref_slice %arg11[%multiple_of3A, %dma_wait3A_66] : memref<10000x128xf32, #tpu.memory_space<vmem_shared>> -> memref<80x128xf32, #tpu.memory_space<vmem_shared>>
        tpu.wait_dma2 semaphore(%run_scoped3A : memref<!tpu.dma_semaphore, #tpu.memory_space<semaphore_mem>>) src(%arg10 : memref<80x128xf32, #tpu.memory_space<vmem>>) dst(%dma_wait3A_67 : memref<80x128xf32, #tpu.memory_space<vmem_shared>>)
        tpu.yield
      }) : () -> ()
    }
    %while3A_15 = arith.constant 1 : i32
    scf.for %while3A_56 = %while3A_13 to %while3A_9 step %while3A_15  : i32 {
      %mul3A_57 = arith.muli %while3A_56, %while3A : i32
      %add3A_58 = arith.addi %arg1, %mul3A_57 : i32
      %mul3A_59 = arith.constant 80 : i32
      %mul3A_60 = arith.muli %add3A_58, %mul3A_59 : i32
      %multiple_of3A = tpu.assume_multiple %mul3A_60, 8 : i32
      "tpu.region"() ({
        %run_scoped3A = tpu.sem_alloc : memref<!tpu.dma_semaphore, #tpu.memory_space<semaphore_mem>>
        %dma_start3A = arith.constant 0 : i32
        %dma_start3A_61 = tpu.memref_slice %arg11[%multiple_of3A, %dma_start3A] : memref<10000x128xf32, #tpu.memory_space<vmem_shared>> -> memref<80x128xf32, #tpu.memory_space<vmem_shared>>
        %dma_start3A_62 = arith.constant 0 : i32
        %dma_start3A_63 = tpu.memref_slice %arg11[%multiple_of3A, %dma_start3A_62] : memref<10000x128xf32, #tpu.memory_space<vmem_shared>> -> memref<80x128xf32, #tpu.memory_space<vmem_shared>>
        tpu.enqueue_dma source(%arg10 : memref<80x128xf32, #tpu.memory_space<vmem>>) target(%dma_start3A_63 : memref<80x128xf32, #tpu.memory_space<vmem_shared>>) target_semaphore(%run_scoped3A : memref<!tpu.dma_semaphore, #tpu.memory_space<semaphore_mem>>)
        %dma_wait3A_64 = arith.constant 0 : i32
        %dma_wait3A_65 = tpu.memref_slice %arg11[%multiple_of3A, %dma_wait3A_64] : memref<10000x128xf32, #tpu.memory_space<vmem_shared>> -> memref<80x128xf32, #tpu.memory_space<vmem_shared>>
        %dma_wait3A_66 = arith.constant 0 : i32
        %dma_wait3A_67 = tpu.memref_slice %arg11[%multiple_of3A, %dma_wait3A_66] : memref<10000x128xf32, #tpu.memory_space<vmem_shared>> -> memref<80x128xf32, #tpu.memory_space<vmem_shared>>
        tpu.wait_dma2 semaphore(%run_scoped3A : memref<!tpu.dma_semaphore, #tpu.memory_space<semaphore_mem>>) src(%arg10 : memref<80x128xf32, #tpu.memory_space<vmem>>) dst(%dma_wait3A_67 : memref<80x128xf32, #tpu.memory_space<vmem_shared>>)
        tpu.yield
      }) : () -> ()
    }
    %barrier3A = arith.constant 0 : index
    tpu.barrier barrier_id(%barrier3A)
    %mul3A_16 = arith.constant 80 : i32
    %mul3A_17 = arith.muli %add3A, %mul3A_16 : i32
    %scan3A = arith.constant 0 : i32
    %scan3A_18 = arith.constant 40 : i32
    %scan3A_19 = arith.addi %scan3A, %scan3A_18 : i32
    %scan3A_20 = arith.constant 1 : i32
    scf.for %scan3A_56 = %scan3A to %scan3A_19 step %scan3A_20  : i32 {
      %mul3A_57 = arith.constant 1 : i32
      %mul3A_58 = arith.muli %scan3A_56, %mul3A_57 : i32
      %add3A_59 = arith.constant 0 : i32
      %add3A_60 = arith.addi %add3A_59, %mul3A_58 : i32
      %mul3A_61 = arith.constant 2 : i32
      %mul3A_62 = arith.muli %mul3A_61, %add3A_60 : i32
      %add3A_63 = arith.addi %mul3A_17, %mul3A_62 : i32
      %gt3A = arith.constant 0 : i32
      %gt3A_64 = arith.cmpi sgt, %add3A_60, %gt3A : i32
      %convert_element_type3A = arith.extui %gt3A_64 : i1 to i32
      %cond3A = arith.constant 0 : i32
      %cond3A_65 = arith.cmpi ne, %convert_element_type3A, %cond3A : i32
      scf.if %cond3A_65 {
        %dma_wait3A_146 = arith.constant 1 : i32
        %dma_wait3A_147 = arith.constant 0 : i32
        %dma_wait3A_148 = tpu.memref_slice %arg6[%dma_wait3A_146, %dma_wait3A_147] : memref<2x125xi32, #tpu.memory_space<vmem>> -> memref<1x125xi32, #tpu.memory_space<vmem>>
        %dma_wait3A_149 = tpu.memref_squeeze %dma_wait3A_148 : memref<1x125xi32, #tpu.memory_space<vmem>> -> memref<125xi32, #tpu.memory_space<vmem>>
        %dma_wait3A_150 = arith.constant 0 : i32
        %dma_wait3A_151 = arith.constant 0 : i32
        %dma_wait3A_152 = tpu.memref_slice %arg11[%dma_wait3A_150, %dma_wait3A_151] : memref<10000x128xf32, #tpu.memory_space<vmem_shared>> -> memref<10000x128xf32, #tpu.memory_space<vmem_shared>>
        tpu.wait_indirect_dma semaphore(%arg14 : memref<!tpu.dma_semaphore, #tpu.memory_space<semaphore_mem>>) src(%arg8 : memref<125x128xf32, #tpu.memory_space<vmem>>) dst(%dma_wait3A_152 : memref<10000x128xf32, #tpu.memory_space<vmem_shared>>)
      } else {
      }
      %dma_start3A = arith.constant 0 : i32
      %dma_start3A_66 = arith.constant 0 : i32
      %dma_start3A_67 = tpu.memref_slice %arg3[%add3A_63, %dma_start3A, %dma_start3A_66] : memref<2560x2x125xi32, #tpu.memory_space<hbm>> -> memref<1x2x125xi32, #tpu.memory_space<hbm>>
      %dma_start3A_68 = tpu.memref_squeeze %dma_start3A_67 : memref<1x2x125xi32, #tpu.memory_space<hbm>> -> memref<2x125xi32, #tpu.memory_space<hbm>>
      %dma_start3A_69 = arith.constant 0 : i32
      %dma_start3A_70 = arith.constant 0 : i32
      %dma_start3A_71 = tpu.memref_slice %arg3[%add3A_63, %dma_start3A_69, %dma_start3A_70] : memref<2560x2x125xi32, #tpu.memory_space<hbm>> -> memref<1x2x125xi32, #tpu.memory_space<hbm>>
      %dma_start3A_72 = tpu.memref_squeeze %dma_start3A_71 : memref<1x2x125xi32, #tpu.memory_space<hbm>> -> memref<2x125xi32, #tpu.memory_space<hbm>>
      tpu.enqueue_dma source(%dma_start3A_72 : memref<2x125xi32, #tpu.memory_space<hbm>>) target(%arg6 : memref<2x125xi32, #tpu.memory_space<vmem>>) target_semaphore(%arg12 : memref<!tpu.dma_semaphore, #tpu.memory_space<semaphore_mem>>)
      %gt3A_73 = arith.constant 0 : i32
      %gt3A_74 = arith.cmpi sgt, %add3A_60, %gt3A_73 : i32
      %convert_element_type3A_75 = arith.extui %gt3A_74 : i1 to i32
      %cond3A_76 = arith.constant 0 : i32
      %cond3A_77 = arith.cmpi ne, %convert_element_type3A_75, %cond3A_76 : i32
      scf.if %cond3A_77 {
        %dma_wait3A_146 = arith.constant 1 : i32
        %dma_wait3A_147 = arith.constant 0 : i32
        %dma_wait3A_148 = tpu.memref_slice %arg7[%dma_wait3A_146, %dma_wait3A_147] : memref<2x125xi32, #tpu.memory_space<vmem>> -> memref<1x125xi32, #tpu.memory_space<vmem>>
        %dma_wait3A_149 = tpu.memref_squeeze %dma_wait3A_148 : memref<1x125xi32, #tpu.memory_space<vmem>> -> memref<125xi32, #tpu.memory_space<vmem>>
        %dma_wait3A_150 = arith.constant 0 : i32
        %dma_wait3A_151 = arith.constant 0 : i32
        %dma_wait3A_152 = tpu.memref_slice %arg11[%dma_wait3A_150, %dma_wait3A_151] : memref<10000x128xf32, #tpu.memory_space<vmem_shared>> -> memref<10000x128xf32, #tpu.memory_space<vmem_shared>>
        tpu.wait_indirect_dma semaphore(%arg15 : memref<!tpu.dma_semaphore, #tpu.memory_space<semaphore_mem>>) src(%arg9 : memref<125x128xf32, #tpu.memory_space<vmem>>) dst(%dma_wait3A_152 : memref<10000x128xf32, #tpu.memory_space<vmem_shared>>)
      } else {
      }
      %add3A_78 = arith.constant 1 : i32
      %add3A_79 = arith.addi %add3A_63, %add3A_78 : i32
      %dma_start3A_80 = arith.constant 0 : i32
      %dma_start3A_81 = arith.constant 0 : i32
      %dma_start3A_82 = tpu.memref_slice %arg3[%add3A_79, %dma_start3A_80, %dma_start3A_81] : memref<2560x2x125xi32, #tpu.memory_space<hbm>> -> memref<1x2x125xi32, #tpu.memory_space<hbm>>
      %dma_start3A_83 = tpu.memref_squeeze %dma_start3A_82 : memref<1x2x125xi32, #tpu.memory_space<hbm>> -> memref<2x125xi32, #tpu.memory_space<hbm>>
      %dma_start3A_84 = arith.constant 0 : i32
      %dma_start3A_85 = arith.constant 0 : i32
      %dma_start3A_86 = tpu.memref_slice %arg3[%add3A_79, %dma_start3A_84, %dma_start3A_85] : memref<2560x2x125xi32, #tpu.memory_space<hbm>> -> memref<1x2x125xi32, #tpu.memory_space<hbm>>
      %dma_start3A_87 = tpu.memref_squeeze %dma_start3A_86 : memref<1x2x125xi32, #tpu.memory_space<hbm>> -> memref<2x125xi32, #tpu.memory_space<hbm>>
      tpu.enqueue_dma source(%dma_start3A_87 : memref<2x125xi32, #tpu.memory_space<hbm>>) target(%arg7 : memref<2x125xi32, #tpu.memory_space<vmem>>) target_semaphore(%arg13 : memref<!tpu.dma_semaphore, #tpu.memory_space<semaphore_mem>>)
      %dma_wait3A_88 = arith.constant 0 : i32
      %dma_wait3A_89 = arith.constant 0 : i32
      %dma_wait3A_90 = tpu.memref_slice %arg3[%add3A_63, %dma_wait3A_88, %dma_wait3A_89] : memref<2560x2x125xi32, #tpu.memory_space<hbm>> -> memref<1x2x125xi32, #tpu.memory_space<hbm>>
      %dma_wait3A_91 = tpu.memref_squeeze %dma_wait3A_90 : memref<1x2x125xi32, #tpu.memory_space<hbm>> -> memref<2x125xi32, #tpu.memory_space<hbm>>
      %dma_wait3A_92 = arith.constant 0 : i32
      %dma_wait3A_93 = arith.constant 0 : i32
      %dma_wait3A_94 = tpu.memref_slice %arg3[%add3A_63, %dma_wait3A_92, %dma_wait3A_93] : memref<2560x2x125xi32, #tpu.memory_space<hbm>> -> memref<1x2x125xi32, #tpu.memory_space<hbm>>
      %dma_wait3A_95 = tpu.memref_squeeze %dma_wait3A_94 : memref<1x2x125xi32, #tpu.memory_space<hbm>> -> memref<2x125xi32, #tpu.memory_space<hbm>>
      tpu.wait_dma2 semaphore(%arg12 : memref<!tpu.dma_semaphore, #tpu.memory_space<semaphore_mem>>) src(%dma_wait3A_95 : memref<2x125xi32, #tpu.memory_space<hbm>>) dst(%arg6 : memref<2x125xi32, #tpu.memory_space<vmem>>)
      %dma_start3A_96 = arith.constant 0 : i32
      %dma_start3A_97 = arith.constant 0 : i32
      %dma_start3A_98 = tpu.memref_slice %arg6[%dma_start3A_96, %dma_start3A_97] : memref<2x125xi32, #tpu.memory_space<vmem>> -> memref<1x125xi32, #tpu.memory_space<vmem>>
      %dma_start3A_99 = tpu.memref_squeeze %dma_start3A_98 : memref<1x125xi32, #tpu.memory_space<vmem>> -> memref<125xi32, #tpu.memory_space<vmem>>
      %dma_start3A_100 = arith.constant 0 : i32
      %dma_start3A_101 = arith.constant 0 : i32
      %dma_start3A_102 = tpu.memref_slice %arg2[%dma_start3A_100, %dma_start3A_101] : memref<10000x128xf32, #tpu.memory_space<hbm>> -> memref<10000x128xf32, #tpu.memory_space<hbm>>
      tpu.enqueue_indirect_dma source(%dma_start3A_102 : memref<10000x128xf32, #tpu.memory_space<hbm>>) target(%arg8 : memref<125x128xf32, #tpu.memory_space<vmem>>) offsets(%dma_start3A_99 : memref<125xi32, #tpu.memory_space<vmem>>) semaphore(%arg12 : memref<!tpu.dma_semaphore, #tpu.memory_space<semaphore_mem>>)
      %dma_wait3A_103 = arith.constant 0 : i32
      %dma_wait3A_104 = arith.constant 0 : i32
      %dma_wait3A_105 = tpu.memref_slice %arg3[%add3A_79, %dma_wait3A_103, %dma_wait3A_104] : memref<2560x2x125xi32, #tpu.memory_space<hbm>> -> memref<1x2x125xi32, #tpu.memory_space<hbm>>
      %dma_wait3A_106 = tpu.memref_squeeze %dma_wait3A_105 : memref<1x2x125xi32, #tpu.memory_space<hbm>> -> memref<2x125xi32, #tpu.memory_space<hbm>>
      %dma_wait3A_107 = arith.constant 0 : i32
      %dma_wait3A_108 = arith.constant 0 : i32
      %dma_wait3A_109 = tpu.memref_slice %arg3[%add3A_79, %dma_wait3A_107, %dma_wait3A_108] : memref<2560x2x125xi32, #tpu.memory_space<hbm>> -> memref<1x2x125xi32, #tpu.memory_space<hbm>>
      %dma_wait3A_110 = tpu.memref_squeeze %dma_wait3A_109 : memref<1x2x125xi32, #tpu.memory_space<hbm>> -> memref<2x125xi32, #tpu.memory_space<hbm>>
      tpu.wait_dma2 semaphore(%arg13 : memref<!tpu.dma_semaphore, #tpu.memory_space<semaphore_mem>>) src(%dma_wait3A_110 : memref<2x125xi32, #tpu.memory_space<hbm>>) dst(%arg7 : memref<2x125xi32, #tpu.memory_space<vmem>>)
      %dma_start3A_111 = arith.constant 0 : i32
      %dma_start3A_112 = arith.constant 0 : i32
      %dma_start3A_113 = tpu.memref_slice %arg7[%dma_start3A_111, %dma_start3A_112] : memref<2x125xi32, #tpu.memory_space<vmem>> -> memref<1x125xi32, #tpu.memory_space<vmem>>
      %dma_start3A_114 = tpu.memref_squeeze %dma_start3A_113 : memref<1x125xi32, #tpu.memory_space<vmem>> -> memref<125xi32, #tpu.memory_space<vmem>>
      %dma_start3A_115 = arith.constant 0 : i32
      %dma_start3A_116 = arith.constant 0 : i32
      %dma_start3A_117 = tpu.memref_slice %arg2[%dma_start3A_115, %dma_start3A_116] : memref<10000x128xf32, #tpu.memory_space<hbm>> -> memref<10000x128xf32, #tpu.memory_space<hbm>>
      tpu.enqueue_indirect_dma source(%dma_start3A_117 : memref<10000x128xf32, #tpu.memory_space<hbm>>) target(%arg9 : memref<125x128xf32, #tpu.memory_space<vmem>>) offsets(%dma_start3A_114 : memref<125xi32, #tpu.memory_space<vmem>>) semaphore(%arg13 : memref<!tpu.dma_semaphore, #tpu.memory_space<semaphore_mem>>)
      %dma_wait3A_118 = arith.constant 0 : i32
      %dma_wait3A_119 = arith.constant 0 : i32
      %dma_wait3A_120 = tpu.memref_slice %arg6[%dma_wait3A_118, %dma_wait3A_119] : memref<2x125xi32, #tpu.memory_space<vmem>> -> memref<1x125xi32, #tpu.memory_space<vmem>>
      %dma_wait3A_121 = tpu.memref_squeeze %dma_wait3A_120 : memref<1x125xi32, #tpu.memory_space<vmem>> -> memref<125xi32, #tpu.memory_space<vmem>>
      %dma_wait3A_122 = arith.constant 0 : i32
      %dma_wait3A_123 = arith.constant 0 : i32
      %dma_wait3A_124 = tpu.memref_slice %arg2[%dma_wait3A_122, %dma_wait3A_123] : memref<10000x128xf32, #tpu.memory_space<hbm>> -> memref<10000x128xf32, #tpu.memory_space<hbm>>
      tpu.wait_indirect_dma semaphore(%arg12 : memref<!tpu.dma_semaphore, #tpu.memory_space<semaphore_mem>>) src(%dma_wait3A_124 : memref<10000x128xf32, #tpu.memory_space<hbm>>) dst(%arg8 : memref<125x128xf32, #tpu.memory_space<vmem>>)
      %dma_start3A_125 = arith.constant 1 : i32
      %dma_start3A_126 = arith.constant 0 : i32
      %dma_start3A_127 = tpu.memref_slice %arg6[%dma_start3A_125, %dma_start3A_126] : memref<2x125xi32, #tpu.memory_space<vmem>> -> memref<1x125xi32, #tpu.memory_space<vmem>>
      %dma_start3A_128 = tpu.memref_squeeze %dma_start3A_127 : memref<1x125xi32, #tpu.memory_space<vmem>> -> memref<125xi32, #tpu.memory_space<vmem>>
      %dma_start3A_129 = arith.constant 0 : i32
      %dma_start3A_130 = arith.constant 0 : i32
      %dma_start3A_131 = tpu.memref_slice %arg11[%dma_start3A_129, %dma_start3A_130] : memref<10000x128xf32, #tpu.memory_space<vmem_shared>> -> memref<10000x128xf32, #tpu.memory_space<vmem_shared>>
      tpu.enqueue_indirect_dma source(%arg8 : memref<125x128xf32, #tpu.memory_space<vmem>>) target(%dma_start3A_131 : memref<10000x128xf32, #tpu.memory_space<vmem_shared>>) offsets(%dma_start3A_128 : memref<125xi32, #tpu.memory_space<vmem>>) semaphore(%arg14 : memref<!tpu.dma_semaphore, #tpu.memory_space<semaphore_mem>>) {add = true}
      %dma_wait3A_132 = arith.constant 0 : i32
      %dma_wait3A_133 = arith.constant 0 : i32
      %dma_wait3A_134 = tpu.memref_slice %arg7[%dma_wait3A_132, %dma_wait3A_133] : memref<2x125xi32, #tpu.memory_space<vmem>> -> memref<1x125xi32, #tpu.memory_space<vmem>>
      %dma_wait3A_135 = tpu.memref_squeeze %dma_wait3A_134 : memref<1x125xi32, #tpu.memory_space<vmem>> -> memref<125xi32, #tpu.memory_space<vmem>>
      %dma_wait3A_136 = arith.constant 0 : i32
      %dma_wait3A_137 = arith.constant 0 : i32
      %dma_wait3A_138 = tpu.memref_slice %arg2[%dma_wait3A_136, %dma_wait3A_137] : memref<10000x128xf32, #tpu.memory_space<hbm>> -> memref<10000x128xf32, #tpu.memory_space<hbm>>
      tpu.wait_indirect_dma semaphore(%arg13 : memref<!tpu.dma_semaphore, #tpu.memory_space<semaphore_mem>>) src(%dma_wait3A_138 : memref<10000x128xf32, #tpu.memory_space<hbm>>) dst(%arg9 : memref<125x128xf32, #tpu.memory_space<vmem>>)
      %dma_start3A_139 = arith.constant 1 : i32
      %dma_start3A_140 = arith.constant 0 : i32
      %dma_start3A_141 = tpu.memref_slice %arg7[%dma_start3A_139, %dma_start3A_140] : memref<2x125xi32, #tpu.memory_space<vmem>> -> memref<1x125xi32, #tpu.memory_space<vmem>>
      %dma_start3A_142 = tpu.memref_squeeze %dma_start3A_141 : memref<1x125xi32, #tpu.memory_space<vmem>> -> memref<125xi32, #tpu.memory_space<vmem>>
      %dma_start3A_143 = arith.constant 0 : i32
      %dma_start3A_144 = arith.constant 0 : i32
      %dma_start3A_145 = tpu.memref_slice %arg11[%dma_start3A_143, %dma_start3A_144] : memref<10000x128xf32, #tpu.memory_space<vmem_shared>> -> memref<10000x128xf32, #tpu.memory_space<vmem_shared>>
      tpu.enqueue_indirect_dma source(%arg9 : memref<125x128xf32, #tpu.memory_space<vmem>>) target(%dma_start3A_145 : memref<10000x128xf32, #tpu.memory_space<vmem_shared>>) offsets(%dma_start3A_142 : memref<125xi32, #tpu.memory_space<vmem>>) semaphore(%arg15 : memref<!tpu.dma_semaphore, #tpu.memory_space<semaphore_mem>>) {add = true}
    }
    %scan3A_21 = arith.constant 40 : i32
    %dma_wait3A = arith.constant 1 : i32
    %dma_wait3A_22 = arith.constant 0 : i32
    %dma_wait3A_23 = tpu.memref_slice %arg6[%dma_wait3A, %dma_wait3A_22] : memref<2x125xi32, #tpu.memory_space<vmem>> -> memref<1x125xi32, #tpu.memory_space<vmem>>
    %dma_wait3A_24 = tpu.memref_squeeze %dma_wait3A_23 : memref<1x125xi32, #tpu.memory_space<vmem>> -> memref<125xi32, #tpu.memory_space<vmem>>
    %dma_wait3A_25 = arith.constant 0 : i32
    %dma_wait3A_26 = arith.constant 0 : i32
    %dma_wait3A_27 = tpu.memref_slice %arg11[%dma_wait3A_25, %dma_wait3A_26] : memref<10000x128xf32, #tpu.memory_space<vmem_shared>> -> memref<10000x128xf32, #tpu.memory_space<vmem_shared>>
    tpu.wait_indirect_dma semaphore(%arg14 : memref<!tpu.dma_semaphore, #tpu.memory_space<semaphore_mem>>) src(%arg8 : memref<125x128xf32, #tpu.memory_space<vmem>>) dst(%dma_wait3A_27 : memref<10000x128xf32, #tpu.memory_space<vmem_shared>>)
    %dma_wait3A_28 = arith.constant 1 : i32
    %dma_wait3A_29 = arith.constant 0 : i32
    %dma_wait3A_30 = tpu.memref_slice %arg7[%dma_wait3A_28, %dma_wait3A_29] : memref<2x125xi32, #tpu.memory_space<vmem>> -> memref<1x125xi32, #tpu.memory_space<vmem>>
    %dma_wait3A_31 = tpu.memref_squeeze %dma_wait3A_30 : memref<1x125xi32, #tpu.memory_space<vmem>> -> memref<125xi32, #tpu.memory_space<vmem>>
    %dma_wait3A_32 = arith.constant 0 : i32
    %dma_wait3A_33 = arith.constant 0 : i32
    %dma_wait3A_34 = tpu.memref_slice %arg11[%dma_wait3A_32, %dma_wait3A_33] : memref<10000x128xf32, #tpu.memory_space<vmem_shared>> -> memref<10000x128xf32, #tpu.memory_space<vmem_shared>>
    tpu.wait_indirect_dma semaphore(%arg15 : memref<!tpu.dma_semaphore, #tpu.memory_space<semaphore_mem>>) src(%arg9 : memref<125x128xf32, #tpu.memory_space<vmem>>) dst(%dma_wait3A_34 : memref<10000x128xf32, #tpu.memory_space<vmem_shared>>)
    %barrier3A_35 = arith.constant 0 : index
    tpu.barrier barrier_id(%barrier3A_35)
    %mul3A_36 = arith.constant 10000 : i32
    %mul3A_37 = arith.muli %arg0, %mul3A_36 : i32
    %sub3A_38 = arith.constant 125 : i32
    %sub3A_39 = arith.subi %sub3A_38, %arg1 : i32
    %sub3A_40 = arith.constant 16 : i32
    %sub3A_41 = arith.constant 1 : i32
    %sub3A_42 = arith.subi %sub3A_40, %sub3A_41 : i32
    %add3A_43 = arith.addi %sub3A_39, %sub3A_42 : i32
    %div3A_44 = arith.constant 16 : i32
    %div3A_45 = arith.divsi %add3A_43, %div3A_44 : i32
    %while3A_46 = arith.constant 16 : i32
    %while3A_47 = arith.constant 0 : i32
    %while3A_48 = arith.subi %div3A_45, %while3A_47 : i32
    %while3A_49 = arith.addi %while3A_47, %while3A_48 : i32
    %while3A_50 = arith.constant 1 : i32
    %while3A_51 = arith.divsi %while3A_48, %while3A_50 : i32
    %while3A_52 = arith.muli %while3A_51, %while3A_50 : i32
    %while3A_53 = arith.addi %while3A_47, %while3A_52 : i32
    %while3A_54 = arith.constant 1 : i32
    scf.for %while3A_56 = %while3A_47 to %while3A_53 step %while3A_54  : i32 {
      %mul3A_57 = arith.muli %while3A_56, %while3A_46 : i32
      %add3A_58 = arith.addi %arg1, %mul3A_57 : i32
      %mul3A_59 = arith.constant 80 : i32
      %mul3A_60 = arith.muli %add3A_58, %mul3A_59 : i32
      %multiple_of3A = tpu.assume_multiple %mul3A_60, 8 : i32
      %mul3A_61 = arith.constant 80 : i32
      %mul3A_62 = arith.muli %add3A_58, %mul3A_61 : i32
      %add3A_63 = arith.addi %mul3A_37, %mul3A_62 : i32
      %multiple_of3A_64 = tpu.assume_multiple %add3A_63, 8 : i32
      "tpu.region"() ({
        %run_scoped3A = tpu.sem_alloc : memref<!tpu.dma_semaphore, #tpu.memory_space<semaphore_mem>>
        %dma_start3A = arith.constant 0 : i32
        %dma_start3A_65 = tpu.memref_slice %arg11[%multiple_of3A, %dma_start3A] : memref<10000x128xf32, #tpu.memory_space<vmem_shared>> -> memref<80x128xf32, #tpu.memory_space<vmem_shared>>
        %dma_start3A_66 = arith.constant 0 : i32
        %dma_start3A_67 = tpu.memref_slice %arg11[%multiple_of3A, %dma_start3A_66] : memref<10000x128xf32, #tpu.memory_space<vmem_shared>> -> memref<80x128xf32, #tpu.memory_space<vmem_shared>>
        tpu.enqueue_dma source(%dma_start3A_67 : memref<80x128xf32, #tpu.memory_space<vmem_shared>>) target(%arg10 : memref<80x128xf32, #tpu.memory_space<vmem>>) target_semaphore(%run_scoped3A : memref<!tpu.dma_semaphore, #tpu.memory_space<semaphore_mem>>)
        %dma_wait3A_68 = arith.constant 0 : i32
        %dma_wait3A_69 = tpu.memref_slice %arg11[%multiple_of3A, %dma_wait3A_68] : memref<10000x128xf32, #tpu.memory_space<vmem_shared>> -> memref<80x128xf32, #tpu.memory_space<vmem_shared>>
        %dma_wait3A_70 = arith.constant 0 : i32
        %dma_wait3A_71 = tpu.memref_slice %arg11[%multiple_of3A, %dma_wait3A_70] : memref<10000x128xf32, #tpu.memory_space<vmem_shared>> -> memref<80x128xf32, #tpu.memory_space<vmem_shared>>
        tpu.wait_dma2 semaphore(%run_scoped3A : memref<!tpu.dma_semaphore, #tpu.memory_space<semaphore_mem>>) src(%dma_wait3A_71 : memref<80x128xf32, #tpu.memory_space<vmem_shared>>) dst(%arg10 : memref<80x128xf32, #tpu.memory_space<vmem>>)
        tpu.yield
      }) : () -> ()
      "tpu.region"() ({
        %run_scoped3A = tpu.sem_alloc : memref<!tpu.dma_semaphore, #tpu.memory_space<semaphore_mem>>
        %dma_start3A = arith.constant 0 : i32
        %dma_start3A_65 = tpu.memref_slice %arg5[%multiple_of3A_64, %dma_start3A] : memref<20000x128xf32, #tpu.memory_space<hbm>> -> memref<80x128xf32, #tpu.memory_space<hbm>>
        %dma_start3A_66 = arith.constant 0 : i32
        %dma_start3A_67 = tpu.memref_slice %arg5[%multiple_of3A_64, %dma_start3A_66] : memref<20000x128xf32, #tpu.memory_space<hbm>> -> memref<80x128xf32, #tpu.memory_space<hbm>>
        tpu.enqueue_dma source(%arg10 : memref<80x128xf32, #tpu.memory_space<vmem>>) target(%dma_start3A_67 : memref<80x128xf32, #tpu.memory_space<hbm>>) target_semaphore(%run_scoped3A : memref<!tpu.dma_semaphore, #tpu.memory_space<semaphore_mem>>)
        %dma_wait3A_68 = arith.constant 0 : i32
        %dma_wait3A_69 = tpu.memref_slice %arg5[%multiple_of3A_64, %dma_wait3A_68] : memref<20000x128xf32, #tpu.memory_space<hbm>> -> memref<80x128xf32, #tpu.memory_space<hbm>>
        %dma_wait3A_70 = arith.constant 0 : i32
        %dma_wait3A_71 = tpu.memref_slice %arg5[%multiple_of3A_64, %dma_wait3A_70] : memref<20000x128xf32, #tpu.memory_space<hbm>> -> memref<80x128xf32, #tpu.memory_space<hbm>>
        tpu.wait_dma2 semaphore(%run_scoped3A : memref<!tpu.dma_semaphore, #tpu.memory_space<semaphore_mem>>) src(%arg10 : memref<80x128xf32, #tpu.memory_space<vmem>>) dst(%dma_wait3A_71 : memref<80x128xf32, #tpu.memory_space<hbm>>)
        tpu.yield
      }) : () -> ()
    }
    %while3A_55 = arith.constant 1 : i32
    scf.for %while3A_56 = %while3A_53 to %while3A_49 step %while3A_55  : i32 {
      %mul3A_57 = arith.muli %while3A_56, %while3A_46 : i32
      %add3A_58 = arith.addi %arg1, %mul3A_57 : i32
      %mul3A_59 = arith.constant 80 : i32
      %mul3A_60 = arith.muli %add3A_58, %mul3A_59 : i32
      %multiple_of3A = tpu.assume_multiple %mul3A_60, 8 : i32
      %mul3A_61 = arith.constant 80 : i32
      %mul3A_62 = arith.muli %add3A_58, %mul3A_61 : i32
      %add3A_63 = arith.addi %mul3A_37, %mul3A_62 : i32
      %multiple_of3A_64 = tpu.assume_multiple %add3A_63, 8 : i32
      "tpu.region"() ({
        %run_scoped3A = tpu.sem_alloc : memref<!tpu.dma_semaphore, #tpu.memory_space<semaphore_mem>>
        %dma_start3A = arith.constant 0 : i32
        %dma_start3A_65 = tpu.memref_slice %arg11[%multiple_of3A, %dma_start3A] : memref<10000x128xf32, #tpu.memory_space<vmem_shared>> -> memref<80x128xf32, #tpu.memory_space<vmem_shared>>
        %dma_start3A_66 = arith.constant 0 : i32
        %dma_start3A_67 = tpu.memref_slice %arg11[%multiple_of3A, %dma_start3A_66] : memref<10000x128xf32, #tpu.memory_space<vmem_shared>> -> memref<80x128xf32, #tpu.memory_space<vmem_shared>>
        tpu.enqueue_dma source(%dma_start3A_67 : memref<80x128xf32, #tpu.memory_space<vmem_shared>>) target(%arg10 : memref<80x128xf32, #tpu.memory_space<vmem>>) target_semaphore(%run_scoped3A : memref<!tpu.dma_semaphore, #tpu.memory_space<semaphore_mem>>)
        %dma_wait3A_68 = arith.constant 0 : i32
        %dma_wait3A_69 = tpu.memref_slice %arg11[%multiple_of3A, %dma_wait3A_68] : memref<10000x128xf32, #tpu.memory_space<vmem_shared>> -> memref<80x128xf32, #tpu.memory_space<vmem_shared>>
        %dma_wait3A_70 = arith.constant 0 : i32
        %dma_wait3A_71 = tpu.memref_slice %arg11[%multiple_of3A, %dma_wait3A_70] : memref<10000x128xf32, #tpu.memory_space<vmem_shared>> -> memref<80x128xf32, #tpu.memory_space<vmem_shared>>
        tpu.wait_dma2 semaphore(%run_scoped3A : memref<!tpu.dma_semaphore, #tpu.memory_space<semaphore_mem>>) src(%dma_wait3A_71 : memref<80x128xf32, #tpu.memory_space<vmem_shared>>) dst(%arg10 : memref<80x128xf32, #tpu.memory_space<vmem>>)
        tpu.yield
      }) : () -> ()
      "tpu.region"() ({
        %run_scoped3A = tpu.sem_alloc : memref<!tpu.dma_semaphore, #tpu.memory_space<semaphore_mem>>
        %dma_start3A = arith.constant 0 : i32
        %dma_start3A_65 = tpu.memref_slice %arg5[%multiple_of3A_64, %dma_start3A] : memref<20000x128xf32, #tpu.memory_space<hbm>> -> memref<80x128xf32, #tpu.memory_space<hbm>>
        %dma_start3A_66 = arith.constant 0 : i32
        %dma_start3A_67 = tpu.memref_slice %arg5[%multiple_of3A_64, %dma_start3A_66] : memref<20000x128xf32, #tpu.memory_space<hbm>> -> memref<80x128xf32, #tpu.memory_space<hbm>>
        tpu.enqueue_dma source(%arg10 : memref<80x128xf32, #tpu.memory_space<vmem>>) target(%dma_start3A_67 : memref<80x128xf32, #tpu.memory_space<hbm>>) target_semaphore(%run_scoped3A : memref<!tpu.dma_semaphore, #tpu.memory_space<semaphore_mem>>)
        %dma_wait3A_68 = arith.constant 0 : i32
        %dma_wait3A_69 = tpu.memref_slice %arg5[%multiple_of3A_64, %dma_wait3A_68] : memref<20000x128xf32, #tpu.memory_space<hbm>> -> memref<80x128xf32, #tpu.memory_space<hbm>>
        %dma_wait3A_70 = arith.constant 0 : i32
        %dma_wait3A_71 = tpu.memref_slice %arg5[%multiple_of3A_64, %dma_wait3A_70] : memref<20000x128xf32, #tpu.memory_space<hbm>> -> memref<80x128xf32, #tpu.memory_space<hbm>>
        tpu.wait_dma2 semaphore(%run_scoped3A : memref<!tpu.dma_semaphore, #tpu.memory_space<semaphore_mem>>) src(%arg10 : memref<80x128xf32, #tpu.memory_space<vmem>>) dst(%dma_wait3A_71 : memref<80x128xf32, #tpu.memory_space<hbm>>)
        tpu.yield
      }) : () -> ()
    }
    return
  }
}

module attributes {stable_mosaic.version = 14 : i64} {
  func.func @_tc_layer1(%arg0: memref<2x10000x128xf32, #tpu.memory_space<vmem>>, %arg1: memref<2x10000x128xf32, #tpu.memory_space<vmem>>, %arg2: memref<10000x128xf32, #tpu.memory_space<vmem>>, %arg3: memref<128x128xf32, #tpu.memory_space<vmem>>, %arg4: memref<128x128xf32, #tpu.memory_space<vmem>>, %arg5: memref<1x128xf32, #tpu.memory_space<vmem>>, %arg6: memref<10000x128xf32, #tpu.memory_space<vmem>>, %arg7: memref<10000x128xf32, #tpu.memory_space<vmem>>) attributes {dimension_semantics = [], scalar_prefetch = 0 : i64, scratch_operands = 0 : i64, tpu.core_type = #tpu.core_type<tc>} {
    %get3A = arith.constant 0 : index
    %get3A_0 = arith.constant 0 : index
    %get3A_1 = arith.constant 0 : index
    %get3A_2 = vector.load %arg1[%get3A, %get3A_0, %get3A_1] : memref<2x10000x128xf32, #tpu.memory_space<vmem>>, vector<1x10000x1xf32>
    %get3A_3 = vector.shape_cast %get3A_2 : vector<1x10000x1xf32> to vector<10000x1xf32>
    %get3A_4 = arith.constant 1 : index
    %get3A_5 = arith.constant 0 : index
    %get3A_6 = arith.constant 0 : index
    %get3A_7 = vector.load %arg1[%get3A_4, %get3A_5, %get3A_6] : memref<2x10000x128xf32, #tpu.memory_space<vmem>>, vector<1x10000x1xf32>
    %get3A_8 = vector.shape_cast %get3A_7 : vector<1x10000x1xf32> to vector<10000x1xf32>
    %add3A = arith.addf %get3A_3, %get3A_8 : vector<10000x1xf32>
    %max3A = arith.constant 1.000000e+00 : f32
    %max3A_9 = vector.broadcast %max3A : f32 to vector<10000x1xf32>
    %max3A_10 = arith.maximumf %add3A, %max3A_9 : vector<10000x1xf32>
    %div3A = arith.constant 1.000000e+00 : f32
    %div3A_11 = vector.broadcast %div3A : f32 to vector<10000x1xf32>
    %div3A_12 = arith.divf %div3A_11, %max3A_10 : vector<10000x1xf32>
    %broadcast_in_dim3A = vector.shape_cast %div3A_12 : vector<10000x1xf32> to vector<10000x1xf32>
    %broadcast_in_dim3A_13 = vector.broadcast %broadcast_in_dim3A : vector<10000x1xf32> to vector<10000x128xf32>
    %swap3A = arith.constant 0 : index
    %swap3A_14 = arith.constant 0 : index
    %swap3A_15 = vector.load %arg7[%swap3A, %swap3A_14] : memref<10000x128xf32, #tpu.memory_space<vmem>>, vector<10000x128xf32>
    tpu.vector_store %arg7[%swap3A, %swap3A_14], %broadcast_in_dim3A_13 {strides = array<i32>} : memref<10000x128xf32, #tpu.memory_space<vmem>>, vector<10000x128xf32>,
    %get3A_16 = arith.constant 0 : index
    %get3A_17 = arith.constant 0 : index
    %get3A_18 = arith.constant 0 : index
    %get3A_19 = vector.load %arg0[%get3A_16, %get3A_17, %get3A_18] : memref<2x10000x128xf32, #tpu.memory_space<vmem>>, vector<1x10000x128xf32>
    %get3A_20 = vector.shape_cast %get3A_19 : vector<1x10000x128xf32> to vector<10000x128xf32>
    %get3A_21 = arith.constant 1 : index
    %get3A_22 = arith.constant 0 : index
    %get3A_23 = arith.constant 0 : index
    %get3A_24 = vector.load %arg0[%get3A_21, %get3A_22, %get3A_23] : memref<2x10000x128xf32, #tpu.memory_space<vmem>>, vector<1x10000x128xf32>
    %get3A_25 = vector.shape_cast %get3A_24 : vector<1x10000x128xf32> to vector<10000x128xf32>
    %add3A_26 = arith.addf %get3A_20, %get3A_25 : vector<10000x128xf32>
    %mul3A = arith.mulf %add3A_26, %broadcast_in_dim3A_13 : vector<10000x128xf32>
    %get3A_27 = arith.constant 0 : index
    %get3A_28 = arith.constant 0 : index
    %get3A_29 = vector.load %arg3[%get3A_27, %get3A_28] : memref<128x128xf32, #tpu.memory_space<vmem>>, vector<128x128xf32>
    %dot_general3A = arith.constant dense<0.000000e+00> : vector<10000x128xf32>
    %dot_general3A_30 = tpu.matmul %mul3A, %get3A_29, %dot_general3A {dimension_numbers = #tpu.dot_dimension_numbers<[1], [0], [0], [1], [0, 0, 1, 1], [], []>, transpose_lhs_hint = false} : vector<10000x128xf32>, vector<128x128xf32>, vector<10000x128xf32> -> vector<10000x128xf32>
    %get3A_31 = arith.constant 0 : index
    %get3A_32 = arith.constant 0 : index
    %get3A_33 = vector.load %arg2[%get3A_31, %get3A_32] : memref<10000x128xf32, #tpu.memory_space<vmem>>, vector<10000x128xf32>
    %get3A_34 = arith.constant 0 : index
    %get3A_35 = arith.constant 0 : index
    %get3A_36 = vector.load %arg4[%get3A_34, %get3A_35] : memref<128x128xf32, #tpu.memory_space<vmem>>, vector<128x128xf32>
    %dot_general3A_37 = arith.constant dense<0.000000e+00> : vector<10000x128xf32>
    %dot_general3A_38 = tpu.matmul %get3A_33, %get3A_36, %dot_general3A_37 {dimension_numbers = #tpu.dot_dimension_numbers<[1], [0], [0], [1], [0, 0, 1, 1], [], []>, transpose_lhs_hint = false} : vector<10000x128xf32>, vector<128x128xf32>, vector<10000x128xf32> -> vector<10000x128xf32>
    %add3A_39 = arith.addf %dot_general3A_30, %dot_general3A_38 : vector<10000x128xf32>
    %get3A_40 = arith.constant 0 : index
    %get3A_41 = arith.constant 0 : index
    %get3A_42 = vector.load %arg5[%get3A_40, %get3A_41] : memref<1x128xf32, #tpu.memory_space<vmem>>, vector<1x128xf32>
    %add3A_43 = vector.broadcast %get3A_42 : vector<1x128xf32> to vector<10000x128xf32>
    %add3A_44 = arith.addf %add3A_39, %add3A_43 : vector<10000x128xf32>
    %max3A_45 = arith.constant 0.000000e+00 : f32
    %max3A_46 = vector.broadcast %max3A_45 : f32 to vector<10000x128xf32>
    %max3A_47 = arith.maximumf %add3A_44, %max3A_46 : vector<10000x128xf32>
    %swap3A_48 = arith.constant 0 : index
    %swap3A_49 = arith.constant 0 : index
    %swap3A_50 = vector.load %arg6[%swap3A_48, %swap3A_49] : memref<10000x128xf32, #tpu.memory_space<vmem>>, vector<10000x128xf32>
    tpu.vector_store %arg6[%swap3A_48, %swap3A_49], %max3A_47 {strides = array<i32>} : memref<10000x128xf32, #tpu.memory_space<vmem>>, vector<10000x128xf32>,
    return
  }
}

module attributes {stable_mosaic.version = 14 : i64} {
  func.func @_tc_layer(%arg0: memref<2x10000x128xf32, #tpu.memory_space<vmem>>, %arg1: memref<10000x128xf32, #tpu.memory_space<vmem>>, %arg2: memref<10000x128xf32, #tpu.memory_space<vmem>>, %arg3: memref<128x128xf32, #tpu.memory_space<vmem>>, %arg4: memref<128x128xf32, #tpu.memory_space<vmem>>, %arg5: memref<1x128xf32, #tpu.memory_space<vmem>>, %arg6: memref<10000x128xf32, #tpu.memory_space<vmem>>) attributes {dimension_semantics = [], scalar_prefetch = 0 : i64, scratch_operands = 0 : i64, tpu.core_type = #tpu.core_type<tc>} {
    %get3A = arith.constant 0 : index
    %get3A_0 = arith.constant 0 : index
    %get3A_1 = arith.constant 0 : index
    %get3A_2 = vector.load %arg0[%get3A, %get3A_0, %get3A_1] : memref<2x10000x128xf32, #tpu.memory_space<vmem>>, vector<1x10000x128xf32>
    %get3A_3 = vector.shape_cast %get3A_2 : vector<1x10000x128xf32> to vector<10000x128xf32>
    %get3A_4 = arith.constant 1 : index
    %get3A_5 = arith.constant 0 : index
    %get3A_6 = arith.constant 0 : index
    %get3A_7 = vector.load %arg0[%get3A_4, %get3A_5, %get3A_6] : memref<2x10000x128xf32, #tpu.memory_space<vmem>>, vector<1x10000x128xf32>
    %get3A_8 = vector.shape_cast %get3A_7 : vector<1x10000x128xf32> to vector<10000x128xf32>
    %add3A = arith.addf %get3A_3, %get3A_8 : vector<10000x128xf32>
    %get3A_9 = arith.constant 0 : index
    %get3A_10 = arith.constant 0 : index
    %get3A_11 = vector.load %arg1[%get3A_9, %get3A_10] : memref<10000x128xf32, #tpu.memory_space<vmem>>, vector<10000x128xf32>
    %mul3A = arith.mulf %add3A, %get3A_11 : vector<10000x128xf32>
    %get3A_12 = arith.constant 0 : index
    %get3A_13 = arith.constant 0 : index
    %get3A_14 = vector.load %arg3[%get3A_12, %get3A_13] : memref<128x128xf32, #tpu.memory_space<vmem>>, vector<128x128xf32>
    %dot_general3A = arith.constant dense<0.000000e+00> : vector<10000x128xf32>
    %dot_general3A_15 = tpu.matmul %mul3A, %get3A_14, %dot_general3A {dimension_numbers = #tpu.dot_dimension_numbers<[1], [0], [0], [1], [0, 0, 1, 1], [], []>, transpose_lhs_hint = false} : vector<10000x128xf32>, vector<128x128xf32>, vector<10000x128xf32> -> vector<10000x128xf32>
    %get3A_16 = arith.constant 0 : index
    %get3A_17 = arith.constant 0 : index
    %get3A_18 = vector.load %arg2[%get3A_16, %get3A_17] : memref<10000x128xf32, #tpu.memory_space<vmem>>, vector<10000x128xf32>
    %get3A_19 = arith.constant 0 : index
    %get3A_20 = arith.constant 0 : index
    %get3A_21 = vector.load %arg4[%get3A_19, %get3A_20] : memref<128x128xf32, #tpu.memory_space<vmem>>, vector<128x128xf32>
    %dot_general3A_22 = arith.constant dense<0.000000e+00> : vector<10000x128xf32>
    %dot_general3A_23 = tpu.matmul %get3A_18, %get3A_21, %dot_general3A_22 {dimension_numbers = #tpu.dot_dimension_numbers<[1], [0], [0], [1], [0, 0, 1, 1], [], []>, transpose_lhs_hint = false} : vector<10000x128xf32>, vector<128x128xf32>, vector<10000x128xf32> -> vector<10000x128xf32>
    %add3A_24 = arith.addf %dot_general3A_15, %dot_general3A_23 : vector<10000x128xf32>
    %get3A_25 = arith.constant 0 : index
    %get3A_26 = arith.constant 0 : index
    %get3A_27 = vector.load %arg5[%get3A_25, %get3A_26] : memref<1x128xf32, #tpu.memory_space<vmem>>, vector<1x128xf32>
    %add3A_28 = vector.broadcast %get3A_27 : vector<1x128xf32> to vector<10000x128xf32>
    %add3A_29 = arith.addf %add3A_24, %add3A_28 : vector<10000x128xf32>
    %max3A = arith.constant 0.000000e+00 : f32
    %max3A_30 = vector.broadcast %max3A : f32 to vector<10000x128xf32>
    %max3A_31 = arith.maximumf %add3A_29, %max3A_30 : vector<10000x128xf32>
    %swap3A = arith.constant 0 : index
    %swap3A_32 = arith.constant 0 : index
    %swap3A_33 = vector.load %arg6[%swap3A, %swap3A_32] : memref<10000x128xf32, #tpu.memory_space<vmem>>, vector<10000x128xf32>
    tpu.vector_store %arg6[%swap3A, %swap3A_32], %max3A_31 {strides = array<i32>} : memref<10000x128xf32, #tpu.memory_space<vmem>>, vector<10000x128xf32>,
    return
  }
}

module attributes {stable_mosaic.version = 14 : i64} {
  func.func @_tc_layer3(%arg0: memref<2x10000x128xf32, #tpu.memory_space<vmem>>, %arg1: memref<10000x128xf32, #tpu.memory_space<vmem>>, %arg2: memref<10000x128xf32, #tpu.memory_space<vmem>>, %arg3: memref<128x128xf32, #tpu.memory_space<vmem>>, %arg4: memref<128x128xf32, #tpu.memory_space<vmem>>, %arg5: memref<1x128xf32, #tpu.memory_space<vmem>>, %arg6: memref<128x32xf32, #tpu.memory_space<vmem>>, %arg7: memref<1x32xf32, #tpu.memory_space<vmem>>, %arg8: memref<1x32xf32, #tpu.memory_space<vmem>>) attributes {dimension_semantics = [], scalar_prefetch = 0 : i64, scratch_operands = 0 : i64, tpu.core_type = #tpu.core_type<tc>} {
    %get3A = arith.constant 0 : index
    %get3A_0 = arith.constant 0 : index
    %get3A_1 = arith.constant 0 : index
    %get3A_2 = vector.load %arg0[%get3A, %get3A_0, %get3A_1] : memref<2x10000x128xf32, #tpu.memory_space<vmem>>, vector<1x10000x128xf32>
    %get3A_3 = vector.shape_cast %get3A_2 : vector<1x10000x128xf32> to vector<10000x128xf32>
    %get3A_4 = arith.constant 1 : index
    %get3A_5 = arith.constant 0 : index
    %get3A_6 = arith.constant 0 : index
    %get3A_7 = vector.load %arg0[%get3A_4, %get3A_5, %get3A_6] : memref<2x10000x128xf32, #tpu.memory_space<vmem>>, vector<1x10000x128xf32>
    %get3A_8 = vector.shape_cast %get3A_7 : vector<1x10000x128xf32> to vector<10000x128xf32>
    %add3A = arith.addf %get3A_3, %get3A_8 : vector<10000x128xf32>
    %get3A_9 = arith.constant 0 : index
    %get3A_10 = arith.constant 0 : index
    %get3A_11 = vector.load %arg1[%get3A_9, %get3A_10] : memref<10000x128xf32, #tpu.memory_space<vmem>>, vector<10000x128xf32>
    %mul3A = arith.mulf %add3A, %get3A_11 : vector<10000x128xf32>
    %get3A_12 = arith.constant 0 : index
    %get3A_13 = arith.constant 0 : index
    %get3A_14 = vector.load %arg3[%get3A_12, %get3A_13] : memref<128x128xf32, #tpu.memory_space<vmem>>, vector<128x128xf32>
    %dot_general3A = arith.constant dense<0.000000e+00> : vector<10000x128xf32>
    %dot_general3A_15 = tpu.matmul %mul3A, %get3A_14, %dot_general3A {dimension_numbers = #tpu.dot_dimension_numbers<[1], [0], [0], [1], [0, 0, 1, 1], [], []>, transpose_lhs_hint = false} : vector<10000x128xf32>, vector<128x128xf32>, vector<10000x128xf32> -> vector<10000x128xf32>
    %get3A_16 = arith.constant 0 : index
    %get3A_17 = arith.constant 0 : index
    %get3A_18 = vector.load %arg2[%get3A_16, %get3A_17] : memref<10000x128xf32, #tpu.memory_space<vmem>>, vector<10000x128xf32>
    %get3A_19 = arith.constant 0 : index
    %get3A_20 = arith.constant 0 : index
    %get3A_21 = vector.load %arg4[%get3A_19, %get3A_20] : memref<128x128xf32, #tpu.memory_space<vmem>>, vector<128x128xf32>
    %dot_general3A_22 = arith.constant dense<0.000000e+00> : vector<10000x128xf32>
    %dot_general3A_23 = tpu.matmul %get3A_18, %get3A_21, %dot_general3A_22 {dimension_numbers = #tpu.dot_dimension_numbers<[1], [0], [0], [1], [0, 0, 1, 1], [], []>, transpose_lhs_hint = false} : vector<10000x128xf32>, vector<128x128xf32>, vector<10000x128xf32> -> vector<10000x128xf32>
    %add3A_24 = arith.addf %dot_general3A_15, %dot_general3A_23 : vector<10000x128xf32>
    %get3A_25 = arith.constant 0 : index
    %get3A_26 = arith.constant 0 : index
    %get3A_27 = vector.load %arg5[%get3A_25, %get3A_26] : memref<1x128xf32, #tpu.memory_space<vmem>>, vector<1x128xf32>
    %add3A_28 = vector.broadcast %get3A_27 : vector<1x128xf32> to vector<10000x128xf32>
    %add3A_29 = arith.addf %add3A_24, %add3A_28 : vector<10000x128xf32>
    %max3A = arith.constant 0.000000e+00 : f32
    %max3A_30 = vector.broadcast %max3A : f32 to vector<10000x128xf32>
    %max3A_31 = arith.maximumf %add3A_29, %max3A_30 : vector<10000x128xf32>
    %reduce_sum3A = arith.constant dense<0.000000e+00> : vector<128xf32>
    %reduce_sum3A_32 = vector.multi_reduction <add>, %max3A_31, %reduce_sum3A [0] : vector<10000x128xf32> to vector<128xf32>
    %broadcast_in_dim3A = vector.shape_cast %reduce_sum3A_32 : vector<128xf32> to vector<1x128xf32>
    %div3A = arith.constant 1.000000e+04 : f32
    %div3A_33 = vector.broadcast %div3A : f32 to vector<1x128xf32>
    %div3A_34 = arith.divf %broadcast_in_dim3A, %div3A_33 : vector<1x128xf32>
    %get3A_35 = arith.constant 0 : index
    %get3A_36 = arith.constant 0 : index
    %get3A_37 = vector.load %arg6[%get3A_35, %get3A_36] : memref<128x32xf32, #tpu.memory_space<vmem>>, vector<128x32xf32>
    %dot_general3A_38 = arith.constant dense<0.000000e+00> : vector<1x32xf32>
    %dot_general3A_39 = tpu.matmul %div3A_34, %get3A_37, %dot_general3A_38 {dimension_numbers = #tpu.dot_dimension_numbers<[1], [0], [0], [1], [0, 0, 1, 1], [], []>, transpose_lhs_hint = false} : vector<1x128xf32>, vector<128x32xf32>, vector<1x32xf32> -> vector<1x32xf32>
    %get3A_40 = arith.constant 0 : index
    %get3A_41 = arith.constant 0 : index
    %get3A_42 = vector.load %arg7[%get3A_40, %get3A_41] : memref<1x32xf32, #tpu.memory_space<vmem>>, vector<1x32xf32>
    %add3A_43 = arith.addf %dot_general3A_39, %get3A_42 : vector<1x32xf32>
    %neg3A = arith.constant 0.000000e+00 : f32
    %neg3A_44 = vector.broadcast %neg3A : f32 to vector<1x32xf32>
    %neg3A_45 = arith.subf %neg3A_44, %add3A_43 : vector<1x32xf32>
    %exp3A = math.exp %neg3A_45 : vector<1x32xf32>
    %add3A_46 = arith.constant 1.000000e+00 : f32
    %add3A_47 = vector.broadcast %add3A_46 : f32 to vector<1x32xf32>
    %add3A_48 = arith.addf %add3A_47, %exp3A : vector<1x32xf32>
    %div3A_49 = arith.constant 1.000000e+00 : f32
    %div3A_50 = vector.broadcast %div3A_49 : f32 to vector<1x32xf32>
    %div3A_51 = arith.divf %div3A_50, %add3A_48 : vector<1x32xf32>
    %swap3A = arith.constant 0 : index
    %swap3A_52 = arith.constant 0 : index
    %swap3A_53 = vector.load %arg8[%swap3A, %swap3A_52] : memref<1x32xf32, #tpu.memory_space<vmem>>, vector<1x32xf32>
    tpu.vector_store %arg8[%swap3A, %swap3A_52], %div3A_51 {strides = array<i32>} : memref<1x32xf32, #tpu.memory_space<vmem>>, vector<1x32xf32>,
    return
  }
}

</mosaic_0001>

<sc_bundles>
// kernel: kernel.12.cloned.1.call-start
scs
__scs_entry_jumppad:
0x0: {  	(pc) =	sbr.rel $0x88, $3  }
0x1: {  	(tag) =	ssettag $0x0;
	lr =	simm.s32 $0x1  }
0x2: {  	[smem:$0x3F94] =	sst lr;
	_ =	strace $0xD0000000  }
0x3: {  	_ = 	snop  }
0x4: {  	_ = 	snop  }
0x5: {  	_ = 	snop  }
0x6: {  	_ = 	snop  }
0x7: {  	_ = 	snop  }
__scs_overlays_trampoline_lowered:
0x8: {  	[smem:$0x3FA3] =	sst s0  }
0x9: {  	[smem:$0x3FA4] =	sst s1  }
0xa: {  	[smem:$0x3FA5] =	sst s2  }
0xb: {  	[smem:$0x3FA6] =	sst s3  }
0xc: {  	[smem:$0x3FA7] =	sst s4  }
0xd: {  	[smem:$0x3FA8] =	sst s5  }
0xe: {  	[smem:$0x3FA9] =	sst s6  }
0xf: {  	[smem:$0x3FAA] =	sst s7  }
0x10: {  	[smem:$0x3FAB] =	sst s8  }
0x11: {  	[smem:$0x3FAC] =	sst s9;
	s0 =	simm.s32 @!p0 $0x0  }
0x12: {  	s1 =	sld [smem:$0x3F92];
	s0 =	simm.s32 @p0 $0x1  }
0x13: {  	[smem:$0x3FAD] =	sst s0;
	s0 =	simm.s32 @!p1 $0x0  }
0x14: {  	s2 =	sld [smem:$0x3F91];
	s0 =	simm.s32 @p1 $0x1  }
0x15: {  	[smem:$0x3FAE] =	sst s0;
	s0 =	simm.s32 @!p2 $0x0  }
0x16: {  	s3 =	sld [smem:$0x3FDB];
	s0 =	simm.s32 @p2 $0x1  }
0x17: {  	s4 =	simm.s32 $0x1BF5;
	[smem:$0x3FB0] =	sst s0  }
0x18: {  	s0 =	sld [smem:$0x3F93];
	_ =	swait.ge [sflag:s4], $0x0  }
0x19: {  	s7 =	sld [smem:$0x3F94]  }
0x1a: {  	s8 =	sadd.s32 $0xFFFFE003, lr  }
0x1b: {  	s9 =	sadd.s32 $0xFFFFFEF7, lr;
	s5 =	simm.s32 $0xFFFFFFFF;
	p2 =	slt.u32 s8, $0xFFFFF086  }
0x1c: {  	p1 =	slt.u32 s9, $0xF7A;
	s5 =	simm.s32 @!p2 $0x0  }
0x1d: {  	s5 =	simm.s32 @p1 $0x1;
	p0 =	seq.s32 s7, s2  }
0x1e: {  	s7 =	smul.u32 @!p0 $0xF7A, s2;
	p2 =	seq.s32 @!p0 s5, $0x0  }
0x1f: {  	s9 =	smul.u32 $0xF7A, s1;
	s8 =	simm.s32 @!p0 $0x1BF5;
	p2 =	por !p2, p0  }
0x20: {  	[sflag:s8] =	ssyncset.s32 @!p0 $0xFFFFF086;
	s6 =	sadd.s32 @!p0 s3, s7;
	s7 =	simm.s32 @!p0 $0x108  }
0x21: {  	s3 =	sadd.s32 s3, s9;
	s6 =	sadd.s32 @!p0 $0x88, s6;
	s7 =	simm.s32 @p2 $0x1082  }
0x22: {  	[simem:s7], [sflag:s8] =	dma.local @!p0 [hbm:s6], $0xF7A  }
0x23: {  	s9 =	sor.u32 $0xD0000000, s2;
	s6 =	simm.s32 $0x108;
	_ =	swait.ge @!p0 [sflag:s8], $0x0  }
0x24: {  	s3 =	sadd.s32 $0x88, s3;
	s6 =	simm.s32 @!p1 $0x1082;
	[sflag:s4] =	ssyncset.s32 $0xFFFFF086  }
0x25: {  	[simem:s6], [sflag:s4] =	dma.local [hbm:s3], $0xF7A  }
0x26: {  	[smem:$0x3F94] =	sst s1;
	(tag) =	ssettag s2;
	_ =	strace s9  }
0x27: {  	s1 =	sld [smem:$0x3FA4]  }
0x28: {  	s2 =	sld [smem:$0x3FA5]  }
0x29: {  	s4 =	sld [smem:$0x3FA7]  }
0x2a: {  	p0 =	seq.s32 s5, $0x0;
	s5 =	sld [smem:$0x3FA8]  }
0x2b: {  	s6 =	sld [smem:$0x3FA9]  }
0x2c: {  	s7 =	sld [smem:$0x3FAA]  }
0x2d: {  	s3 =	simm.s32 $0x108;
	s8 =	sld [smem:$0x3FAB]  }
0x2e: {  	s3 =	simm.s32 @!p0 $0x1082;
	s9 =	sld [smem:$0x3FAC]  }
0x2f: {  	lr =	sadd.s32 s0, s3;
	s0 =	sld [smem:$0x3FA3]  }
0x30: {  	s3 =	sld [smem:$0x3FA6]  }
0x31: {  	[smem:$0x3FAF] =	sst s10  }
0x32: {  	s10 =	sld [smem:$0x3FAD];
	_ =	sdelay $0x3  }
0x33: {  	p0 =	seq.s32 s10, $0x1;
	s10 =	sld [smem:$0x3FAF];
	_ =	sdelay $0x3  }
0x34: {  	[smem:$0x3FAF] =	sst s10  }
0x35: {  	s10 =	sld [smem:$0x3FAE];
	_ =	sdelay $0x3  }
0x36: {  	p1 =	seq.s32 s10, $0x1;
	s10 =	sld [smem:$0x3FAF];
	_ =	sdelay $0x3  }
0x37: {  	[smem:$0x3FAF] =	sst s10  }
0x38: {  	s10 =	sld [smem:$0x3FB0]  }
0x39: {  	_ = 	snop;
	(pc) =	sbr.ind lr, $3  }
0x3a: {  	_ = 	snop  }
0x3b: {  	_ = 	snop  }
0x3c: {  	p2 =	seq.s32 s10, $0x1;
	s10 =	sld [smem:$0x3FAF]  }
0x3d: {  	_ =	shalt  }
0x3e: {  	_ =	shalt  }
0x3f: {  	_ =	shalt  }
0x40: {  	_ =	shalt  }
0x41: {  	_ =	shalt  }
0x42: {  	_ =	shalt  }
0x43: {  	_ =	shalt  }
0x44: {  	_ =	shalt  }
0x45: {  	_ =	shalt  }
0x46: {  	_ =	shalt  }
0x47: {  	_ =	shalt  }
0x48: {  	_ =	shalt  }
0x49: {  	_ =	shalt  }
0x4a: {  	_ =	shalt  }
0x4b: {  	_ =	shalt  }
0x4c: {  	_ =	shalt  }
0x4d: {  	_ =	shalt  }
0x4e: {  	_ =	shalt  }
0x4f: {  	_ =	shalt  }
0x50: {  	_ =	shalt  }
0x51: {  	_ =	shalt  }
0x52: {  	_ =	shalt  }
0x53: {  	_ =	shalt  }
0x54: {  	_ =	shalt  }
0x55: {  	_ =	shalt  }
0x56: {  	_ =	shalt  }
0x57: {  	_ =	shalt  }
0x58: {  	_ =	shalt  }
0x59: {  	_ =	shalt  }
0x5a: {  	_ =	shalt  }
0x5b: {  	_ =	shalt  }
0x5c: {  	_ =	shalt  }
0x5d: {  	_ =	shalt  }
0x5e: {  	_ =	shalt  }
0x5f: {  	_ =	shalt  }
0x60: {  	_ =	shalt  }
0x61: {  	_ =	shalt  }
0x62: {  	_ =	shalt  }
0x63: {  	_ =	shalt  }
0x64: {  	_ =	shalt  }
0x65: {  	_ =	shalt  }
0x66: {  	_ =	shalt  }
0x67: {  	_ =	shalt  }
0x68: {  	_ =	shalt  }
0x69: {  	_ =	shalt  }
0x6a: {  	_ =	shalt  }
0x6b: {  	_ =	shalt  }
0x6c: {  	_ =	shalt  }
0x6d: {  	_ =	shalt  }
0x6e: {  	_ =	shalt  }
0x6f: {  	_ =	shalt  }
0x70: {  	_ =	shalt  }
0x71: {  	_ =	shalt  }
0x72: {  	_ =	shalt  }
0x73: {  	_ =	shalt  }
0x74: {  	_ =	shalt  }
0x75: {  	_ =	shalt  }
0x76: {  	_ =	shalt  }
0x77: {  	_ =	shalt  }
0x78: {  	_ =	shalt  }
0x79: {  	_ =	shalt  }
0x7a: {  	_ =	shalt  }
0x7b: {  	_ =	shalt  }
0x7c: {  	_ =	shalt  }
0x7d: {  	_ =	shalt  }
0x7e: {  	_ =	shalt  }
0x7f: {  	_ =	shalt  }
0x80: {  	_ =	shalt  }
0x81: {  	_ =	shalt  }
0x82: {  	_ =	shalt  }
0x83: {  	_ =	shalt  }
0x84: {  	_ =	shalt  }
0x85: {  	_ =	shalt  }
0x86: {  	_ =	shalt  }
0x87: {  	_ =	shalt  }
.Lfunc_end0:
.L_simem_size_0:
called_computation.1_lowered:
.L_overlay_start_0:
0x88: {  	s2 =	sld [smem:$0x3FD9]  }
0x89: {  	s3 =	sld [smem:$0x3FFE];
	_ =	sdelay $0x1  }
0x8a: {  	s1 =	srdreg.scid  }
0x8b: {  	s0 =	sand.u32 $0x1, s1  }
0x8c: {  	s17 =	sshll.u32 s0, $0xA;
	s2 =	sadd.s32 s3, s2  }
0x8d: {  	s2 =	sadd.s32 s2, s17  }
0x8e: {  	[smem:$0x3FBB] =	sst s2  }
0x8f: {  	_ = 	snop  }
0x90: {  	s18 =	sld [smem:$0x3FC9];
	(tm) =	ssettm $0x1  }
0x91: {  	s19 =	sld [smem:$0x3FFB];
	_ =	sdelay $0x3  }
0x92: {  	_ =	strace s19  }
0x93: {  	s2 =	sld [smem:$0x3FFC];
	_ =	sdelay $0x3  }
0x94: {  	_ =	strace s2  }
0x95: {  	s2 =	sld [smem:$0x3FFD];
	_ =	sdelay $0x3  }
0x96: {  	_ =	strace s2  }
0x97: {  	_ =	strace $0x8FFFFFFF  }
0x98: {  	s20 =	sld [smem:$0x3FDB];
	_ =	sdelay $0x1  }
0x99: {  	s4 =	simm.s32 $_scs_section_size  }
0x9a: {  	s5 =	simm.s32 $_size__tile_overlayer_lowered;
	s6 =	simm.s32 $_tile_overlayer_lowered  }
0x9b: {  	s7 =	simm.s32 $0x1BFF;
	s21 =	sshll.u32 s6, $0x1;
	s4 =	sadd.s32 s4, s20  }
0x9c: {  	s22 =	simm.s32 $0x0;
	s5 =	sshll.u32 s5, $0x1;
	s6 =	sadd.s32 s21, s4  }
0x9d: {  	[timem:s22], [sflag:s7] =	dma.local [hbm:s6], s5  }
0x9e: {  	_ =	swait.ge [sflag:s7], s5  }
0x9f: {  	s5 =	ssub.s32 $0x0, s5;
	[sflag:s7] =	ssyncset.done $0x0  }
0xa0: {  	[sflag:s7] =	ssyncadd.s32 s5;
	_ =	sdelay $0x1  }
0xa1: {  	s23 =	simm.s32 $0x1B8B  }
0xa2: {  	_ =	swait.ge [sflag:s23], $0x1  }
0xa3: {  	[sflag:s23] =	ssyncset.done $0x0  }
0xa4: {  	[sflag:s23] =	ssyncadd.s32 $0xFFFFFFFF  }
0xa5: {  	s5 =	sld [smem:$0x0]  }
0xa6: {  	s6 =	sand.u32 $0xFFFFFFFE, s1  }
0xa7: {  	p0 =	sne.s32 s1, s6  }
0xa8: {  	s6 =	sshll.u32 @p0 s6, $0xE  }
0xa9: {  	s6 =	sadd.s32 @p0 $0x11B8D, s6;
	s7 =	sshll.u32 @p0 s5, $0x11  }
0xaa: {  	s6 =	sor.u32 @p0 s7, s6  }
0xab: {  	[sflag:s6] =	ssyncadd.remote.s32 @p0 $0x1;
	_ =	sdelay $0x1  }
0xac: {  	s6 =	simm.s32 @p0 $0x1B8D  }
0xad: {  	_ =	swait.eq @p0 [sflag:s6], $0x1  }
0xae: {  	[sflag:s6] =	ssyncadd.s32 @p0 $0xFFFFFFFF  }
0xaf: {  	s7 =	sshll.u32 @!p0 s1, $0xE  }
0xb0: {  	s7 =	sor.u32 @!p0 $0x4000, s7;
	s6 =	simm.s32 @!p0 $0x1B8D  }
0xb1: {  	s5 =	sshll.u32 @!p0 s5, $0x11;
	s7 =	sadd.s32 @!p0 $0x11B8D, s7;
	_ =	swait.eq @!p0 [sflag:s6], $0x1  }
0xb2: {  	s5 =	sor.u32 @!p0 s5, s7;
	[sflag:s6] =	ssyncadd.s32 @!p0 $0xFFFFFFFF  }
0xb3: {  	s25 =	simm.s32 $0x1B8E;
	s24 =	sld [smem:$0x3FFE];
	[sflag:s5] =	ssyncadd.remote.s32 @!p0 $0x1  }
0xb4: {  	s26 =	simm.s32 $execute0_lowered;
	[smem:$0x3FD2] =	sst s25  }
0xb5: {  	s6 =	sshll.u32 s26, $0x1;
	_ =	strace $0x80000049;
	[dreg:$0x1] =	wrdreg $0xFFFFFFFF  }
0xb6: {  	s28 =	simm.s32 $_size_execute0_lowered;
	s4 =	sadd.s32 s4, s6;
	[dreg:$0x0] =	wrdreg $0x0  }
0xb7: {  	s6 =	sshll.u32 s28, $0x1;
	[dreg:$0x2] =	wrdreg s4  }
0xb8: {  	[dreg:$0x3] =	wrdreg s6  }
0xb9: {  	[dreg:$0x4] =	wrdreg $0xC0  }
0xba: {  	_ =	task [dreg:s22], $0x5FFFF  }
0xbb: {  	[dreg:$0x1] =	wrdreg $0xFFFFFFFF  }
0xbc: {  	[dreg:$0x0] =	wrdreg $0x60  }
0xbd: {  	[dreg:$0x2] =	wrdreg s18  }
0xbe: {  	[dreg:$0x3] =	wrdreg s24  }
0xbf: {  	[dreg:$0x4] =	wrdreg $0xAA000  }
0xc0: {  	[dreg:$0x5] =	wrdreg $0xA  }
0xc1: {  	_ =	task.clear_ibuf [dreg:s22], $0x6FFFF;
	_ =	strace $0x90000049  }
0xc2: {  	s29 =	simm.s32 $0xA;
	_ =	strace $0x8000004B  }
0xc3: {  	_ =	swait.ge [sflag:s29], $0x1  }
0xc4: {  	[sflag:s29] =	ssyncadd.s32 $0xFFFFFFFF  }
0xc5: {  	_ =	strace $0x9000004B  }
0xc6: {  	_ =	sfence  }
0xc7: {  	s30 =	sld [smem:$0x0];
	_ =	sdelay $0x2  }
0xc8: {  	s31 =	sshll.u32 s1, $0xD;
	s1 =	sshrl.u32 s1, $0x2  }
0xc9: {  	s4 =	sand.u32 $0x4000, s31;
	s1 =	sadd.s32 s1, s30  }
0xca: {  	s0 =	sor.u32 s4, s0;
	s1 =	sshll.u32 s1, $0x11  }
0xcb: {  	s0 =	sor.u32 s1, s0  }
0xcc: {  	s0 =	sadd.s32 $0x8F2B, s0  }
0xcd: {  	[sflag:s0] =	ssyncadd.remote.s32 $0x1  }
0xce: {  	_ =	sfence.sel $0xFFFF  }
0xcf: {  	[dreg:$0x0] =	wrdreg $0xFFFFFFFF;
	(pc) =	sbr.abs _section_cstart, $3  }
0xd0: {  	[dreg:$0x1] =	wrdreg $0xFFFFFFFF  }
0xd1: {  	_ =	task.clear_ibuf [dreg:s22], $0x2FFFF;
	_ =	strace $0x9FFFFFFF  }
0xd2: {  	(tm) =	ssettm $0x7FFFFFFF  }
0xd3: {  	_ =	shalt  }
tec
execute0_lowered:
.L_overlay_start_1:
0x0: {  	(tag) =	ssettag $0x1  }
0x1: {  	s1 =	rddreg [dreg:$0x0]  }
0x2: {  	s6 =	rddreg [dreg:$0x1]  }
0x3: {  	s2 =	rddreg [dreg:$0x2]  }
0x4: {  	s0 =	rddreg [dreg:$0x3];
	s3 =	simm.s32 $0x0;
	s4 =	srdreg.scid  }
0x5: {  	s16 =	simm.s32 $0x1;
	s17 =	simm.s32 $0x7D;
	s18 =	simm.s32 $0x200  }
0x6: {  	s19 =	simm.s32 $0x2;
	s20 =	simm.s32 $0x4200;
	s21 =	simm.s32 $0x80  }
0x7: {  	s22 =	simm.s32 $0x180;
	s23 =	simm.s32 $0x3;
	s7 =	sand.u32 $0x1, s4  }
0x8: {  	s24 =	simm.s32 $0x4;
	s4 =	stileid.u32;
	s8 =	smul.u32 $0x27100, s7  }
0x9: {  	s25 =	simm.s32 $0x0;
	[smem:$0x7FF] =	sst s3;
	s13 =	smul.u32 $0xA000, s4  }
0xa: {  	s11 =	sadd.s32 $0x3800, s6;
	s5 =	sadd.s32 $0x17800, s6;
	s14 =	smul.u32 $0xA000, s7  }
0xb: {  	_ =	strace $0x8000004A;
	s9 =	sshll.u32 s7, $0x4;
	s15 =	smul.u32 $0x500, s4  }
0xc: {  	s26 =	ssub.s32 $0x2, s7;
	s10 =	ssub.s32 $0x8C, s4;
	s31 =	smul.u32 $0xA00, s4  }
0xd: {  	s9 =	sor.u32 s4, s9;
	s29 =	sshrl.u32 s26, $0x1;
	s12 =	sadd.s32 s8, s6  }
0xe: {  	s28 =	smul.u32 $0xA00, s9;
	s9 =	ssub.s32 s26, s29;
	s6 =	sshrl.u32 s10, $0x4  }
0xf: {  	s30 =	sshrl.u32 s13, $0x2;
	s13 =	simm.s32 $0x8200;
	s7 =	smax.u32 s9, $0x1  }
0x10: {  	s10 =	sadd.s32 s30, s2;
	s12 =	sadd.s32 s15, s12;
	s15 =	simm.s32 $0x100  }
0x11: {  	s8 =	sadd.s32 s11, s28;
	s11 =	sadd.s32 s14, s11;
	s12 =	sadd.s32 $0x66800, s12  }
0x12: {  	s14 =	simm.s32 $0x5;
	s9 =	sadd.s32 $0x20, s8;
	s11 =	sadd.s32 s31, s11  }
.LBB2_1:
0x13: {  	[tilespmem:s13], [sflag:$0x5] =	stream.linear.gather [hbm4b:s5+s3], $0x2800, $0x38;
	[tilespmem:$0x1E280] =	vst v63  }
0x14: {  	p0 =	sne.s32 s6, $0x1;
	_ =	swait.ge [sflag:s14], $0x2800  }
.Ltmp0:
0x15: {  	[sflag:s14] =	ssyncset.done $0x0;
	(pc) =	sbr.rel @!p0 .LBB2_3-.Ltmp0, $4  }
0x16: {  	[sflag:s14] =	ssyncadd.s32 $0xFFFFD800  }
0x17: {  	[spmem:s10] =	stream.linear.scatter [tilespmem:s13], [sflag:$0x5], $0x2800, $0x38;
	[tilespmem:$0x1E280] =	vst v63  }
0x18: {  	_ =	swait.ge [sflag:s14], $0x2800  }
0x19: {  	s26 =	sadd.s32 $0xFFFFFFFF, s6;
	s28 =	smov.u32 s10;
	[sflag:s14] =	ssyncset.done $0x0  }
.LBB2_2:
0x1a: {  	p1 =	sne.s32 s26, $0x1;
	[sflag:s14] =	ssyncadd.s32 $0xFFFFD800;
	s28 =	sadd.s32 $0x28000, s28  }
.Ltmp1:
0x1b: {  	s26 =	sadd.s32 $0xFFFFFFFF, s26;
	(pc) =	sbr.rel @p1 .LBB2_2-.Ltmp1, $4  }
0x1c: {  	_ = 	snop  }
0x1d: {  	[spmem:s28] =	stream.linear.scatter [tilespmem:s13], [sflag:$0x5], $0x2800, $0x38;
	[tilespmem:$0x1E280] =	vst v63  }
0x1e: {  	_ =	swait.ge [sflag:s14], $0x2800  }
0x1f: {  	[sflag:s14] =	ssyncset.done $0x0  }
.LBB2_3:
0x20: {  	[sflag:s14] =	ssyncadd.s32 $0xFFFFD800  }
0x21: {  	[bflag:$0x0] =	sbarrier.arrive $0xFFFF  }
0x22: {  	[tilespmem:s3], [sflag:$0x1] =	stream.linear.gather [hbm4b:s8+s3], $0x100, $0x38;
	[tilespmem:$0x1E280] =	vst v63  }
0x23: {  	_ = 	snop  }
0x24: {  	[tilespmem:s15], [sflag:$0x2] =	stream.linear.gather [hbm4b:s9+s3], $0x100, $0x38;
	[tilespmem:$0x1E280] =	vst v63  }
0x25: {  	_ =	swait.ge [sflag:s16], $0x100  }
0x26: {  	[sflag:s16] =	ssyncset.done $0x0  }
0x27: {  	[sflag:s16] =	ssyncadd.s32 $0xFFFFFF00  }
0x28: {  	[tilespmem:s18], [sflag:$0x1] =	stream.indirect.gather [hbm4b:s1+s17], $0x80, s3, s17, $0xb8;
	[tilespmem:$0x1E280] =	vst v63  }
0x29: {  	_ =	swait.ge [sflag:s19], $0x100  }
0x2a: {  	[sflag:s19] =	ssyncset.done $0x0  }
0x2b: {  	[sflag:s19] =	ssyncadd.s32 $0xFFFFFF00  }
0x2c: {  	[tilespmem:s20], [sflag:$0x2] =	stream.indirect.gather [hbm4b:s1+s17], $0x80, s15, s17, $0xb8;
	[tilespmem:$0x1E280] =	vst v63  }
0x2d: {  	_ =	swait.ge [sflag:s16], $0x3E80  }
0x2e: {  	[sflag:s16] =	ssyncset.done $0x0  }
0x2f: {  	[sflag:s16] =	ssyncadd.s32 $0xFFFFC180  }
0x30: {  	[spmem:s2] =	stream.indirect.scatter.add.f32 [tilespmem:s18], [sflag:$0x3], $0x80, s21, s17, $0xb8;
	[tilespmem:$0x1E280] =	vst v63  }
0x31: {  	_ =	swait.ge [sflag:s19], $0x3E80  }
0x32: {  	[sflag:s19] =	ssyncset.done $0x0  }
0x33: {  	[sflag:s19] =	ssyncadd.s32 $0xFFFFC180  }
0x34: {  	[spmem:s2] =	stream.indirect.scatter.add.f32 [tilespmem:s20], [sflag:$0x4], $0x80, s22, s17, $0xb8;
	[tilespmem:$0x1E280] =	vst v63  }
0x35: {  	_ =	swait.ge [sflag:s23], $0x3E80  }
0x36: {  	s26 =	sadd.s32 $0xFFFFF640, s11;
	[sflag:s23] =	ssyncset.done $0x0  }
0x37: {  	s28 =	sadd.s32 $0xA00, s26;
	[sflag:s23] =	ssyncadd.s32 $0xFFFFC180  }
0x38: {  	[tilespmem:s3], [sflag:$0x1] =	stream.linear.gather [hbm4b:s28+s3], $0x100, $0x38;
	[tilespmem:$0x1E280] =	vst v63  }
0x39: {  	_ =	swait.ge [sflag:s24], $0x3E80  }
0x3a: {  	[sflag:s24] =	ssyncset.done $0x0  }
0x3b: {  	s26 =	sadd.s32 $0xA20, s26;
	[sflag:s24] =	ssyncadd.s32 $0xFFFFC180  }
0x3c: {  	[tilespmem:s15], [sflag:$0x2] =	stream.linear.gather [hbm4b:s26+s3], $0x100, $0x38;
	[tilespmem:$0x1E280] =	vst v63  }
0x3d: {  	_ =	swait.ge [sflag:s16], $0x100  }
0x3e: {  	[sflag:s16] =	ssyncset.done $0x0  }
0x3f: {  	[sflag:s16] =	ssyncadd.s32 $0xFFFFFF00  }
0x40: {  	[tilespmem:s18], [sflag:$0x1] =	stream.indirect.gather [hbm4b:s1+s17], $0x80, s3, s17, $0xb8;
	[tilespmem:$0x1E280] =	vst v63  }
0x41: {  	_ =	swait.ge [sflag:s19], $0x100  }
0x42: {  	[sflag:s19] =	ssyncset.done $0x0  }
0x43: {  	[sflag:s19] =	ssyncadd.s32 $0xFFFFFF00  }
0x44: {  	[tilespmem:s20], [sflag:$0x2] =	stream.indirect.gather [hbm4b:s1+s17], $0x80, s15, s17, $0xb8;
	[tilespmem:$0x1E280] =	vst v63  }
0x45: {  	_ =	swait.ge [sflag:s16], $0x3E80  }
0x46: {  	[sflag:s16] =	ssyncset.done $0x0  }
0x47: {  	[sflag:s16] =	ssyncadd.s32 $0xFFFFC180  }
0x48: {  	[spmem:s2] =	stream.indirect.scatter.add.f32 [tilespmem:s18], [sflag:$0x3], $0x80, s21, s17, $0xb8;
	[tilespmem:$0x1E280] =	vst v63  }
0x49: {  	_ =	swait.ge [sflag:s19], $0x3E80  }
0x4a: {  	[sflag:s19] =	ssyncset.done $0x0  }
0x4b: {  	s26 =	simm.s32 $0xFFFFF680;
	[sflag:s19] =	ssyncadd.s32 $0xFFFFC180  }
.LBB2_4:
0x4c: {  	[spmem:s2] =	stream.indirect.scatter.add.f32 [tilespmem:s20], [sflag:$0x4], $0x80, s22, s17, $0xb8;
	[tilespmem:$0x1E280] =	vst v63  }
0x4d: {  	s28 =	smov.u32 s26  }
0x4e: {  	p1 =	sne.s32 s26, $0xFFFFFFC0;
	s26 =	sadd.s32 $0x40, s26;
	_ =	swait.ge [sflag:s23], $0x3E80  }
0x4f: {  	s28 =	sadd.s32 s28, s11;
	[sflag:s23] =	ssyncset.done $0x0  }
0x50: {  	s29 =	sadd.s32 $0xA00, s28;
	[sflag:s23] =	ssyncadd.s32 $0xFFFFC180  }
0x51: {  	[tilespmem:s3], [sflag:$0x1] =	stream.linear.gather [hbm4b:s29+s3], $0x100, $0x38;
	[tilespmem:$0x1E280] =	vst v63  }
0x52: {  	_ =	swait.ge [sflag:s24], $0x3E80  }
0x53: {  	[sflag:s24] =	ssyncset.done $0x0  }
0x54: {  	s28 =	sadd.s32 $0xA20, s28;
	[sflag:s24] =	ssyncadd.s32 $0xFFFFC180  }
0x55: {  	[tilespmem:s15], [sflag:$0x2] =	stream.linear.gather [hbm4b:s28+s3], $0x100, $0x38;
	[tilespmem:$0x1E280] =	vst v63  }
0x56: {  	_ =	swait.ge [sflag:s16], $0x100  }
0x57: {  	[sflag:s16] =	ssyncset.done $0x0  }
0x58: {  	[sflag:s16] =	ssyncadd.s32 $0xFFFFFF00  }
0x59: {  	[tilespmem:s18], [sflag:$0x1] =	stream.indirect.gather [hbm4b:s1+s17], $0x80, s3, s17, $0xb8;
	[tilespmem:$0x1E280] =	vst v63  }
0x5a: {  	_ =	swait.ge [sflag:s19], $0x100  }
0x5b: {  	[sflag:s19] =	ssyncset.done $0x0  }
0x5c: {  	[sflag:s19] =	ssyncadd.s32 $0xFFFFFF00  }
0x5d: {  	[tilespmem:s20], [sflag:$0x2] =	stream.indirect.gather [hbm4b:s1+s17], $0x80, s15, s17, $0xb8;
	[tilespmem:$0x1E280] =	vst v63  }
0x5e: {  	_ =	swait.ge [sflag:s16], $0x3E80  }
0x5f: {  	[sflag:s16] =	ssyncset.done $0x0  }
.Ltmp2:
0x60: {  	[sflag:s16] =	ssyncadd.s32 $0xFFFFC180;
	(pc) =	sbr.rel @p1 .LBB2_4-.Ltmp2, $4  }
0x61: {  	[spmem:s2] =	stream.indirect.scatter.add.f32 [tilespmem:s18], [sflag:$0x3], $0x80, s21, s17, $0xb8;
	[tilespmem:$0x1E280] =	vst v63  }
0x62: {  	_ =	swait.ge [sflag:s19], $0x3E80  }
0x63: {  	[sflag:s19] =	ssyncset.done $0x0  }
0x64: {  	[sflag:s19] =	ssyncadd.s32 $0xFFFFC180  }
0x65: {  	[spmem:s2] =	stream.indirect.scatter.add.f32 [tilespmem:s20], [sflag:$0x4], $0x80, s22, s17, $0xb8;
	[tilespmem:$0x1E280] =	vst v63  }
0x66: {  	_ =	swait.ge [sflag:s23], $0x3E80  }
0x67: {  	[sflag:s23] =	ssyncset.done $0x0  }
0x68: {  	[sflag:s23] =	ssyncadd.s32 $0xFFFFC180  }
0x69: {  	_ =	swait.ge [sflag:s24], $0x3E80  }
0x6a: {  	[sflag:s24] =	ssyncset.done $0x0  }
0x6b: {  	[sflag:s24] =	ssyncadd.s32 $0xFFFFC180  }
0x6c: {  	[bflag:$0x0] =	sbarrier.arrive $0xFFFF  }
0x6d: {  	[tilespmem:s13], [sflag:$0x5] =	stream.linear.gather [spmem:s10], $0x2800, $0x38;
	[tilespmem:$0x1E280] =	vst v63  }
0x6e: {  	_ =	swait.ge [sflag:s14], $0x2800  }
.Ltmp3:
0x6f: {  	[sflag:s14] =	ssyncset.done $0x0;
	(pc) =	sbr.rel @!p0 .LBB2_7-.Ltmp3, $4  }
0x70: {  	[sflag:s14] =	ssyncadd.s32 $0xFFFFD800  }
0x71: {  	[hbm4b:s12+s3] =	stream.linear.scatter [tilespmem:s13], [sflag:$0x5], $0x2800, $0x38;
	[tilespmem:$0x1E280] =	vst v63  }
0x72: {  	s26 =	sadd.s32 $0xFFFFFFFF, s6;
	_ =	swait.ge [sflag:s14], $0x2800  }
0x73: {  	s28 =	smov.u32 s12;
	s29 =	smov.u32 s10;
	[sflag:s14] =	ssyncset.done $0x0  }
.LBB2_6:
0x74: {  	[sflag:s14] =	ssyncadd.s32 $0xFFFFD800;
	s28 =	sadd.s32 $0x5000, s28;
	s29 =	sadd.s32 $0x28000, s29  }
0x75: {  	[tilespmem:s13], [sflag:$0x5] =	stream.linear.gather [spmem:s29], $0x2800, $0x38;
	[tilespmem:$0x1E280] =	vst v63  }
0x76: {  	p0 =	sne.s32 s26, $0x1;
	s26 =	sadd.s32 $0xFFFFFFFF, s26;
	_ =	swait.ge [sflag:s14], $0x2800  }
.Ltmp4:
0x77: {  	[sflag:s14] =	ssyncset.done $0x0;
	(pc) =	sbr.rel @p0 .LBB2_6-.Ltmp4, $4  }
0x78: {  	[sflag:s14] =	ssyncadd.s32 $0xFFFFD800  }
0x79: {  	[hbm4b:s28+s3] =	stream.linear.scatter [tilespmem:s13], [sflag:$0x5], $0x2800, $0x38;
	[tilespmem:$0x1E280] =	vst v63  }
0x7a: {  	_ =	swait.ge [sflag:s14], $0x2800  }
0x7b: {  	[sflag:s14] =	ssyncset.done $0x0  }
.LBB2_7:
0x7c: {  	s25 =	sadd.s32 $0x1, s25  }
0x7d: {  	p0 =	sne.s32 s25, s7  }
.Ltmp5:
0x7e: {  	_ = 	snop;
	(pc) =	sbr.rel @p0 .LBB2_1-.Ltmp5, $2  }
0x7f: {  	_ =	sdelay $0x2  }
0x80: {  	[sflag:s14] =	ssyncadd.s32 $0xFFFFD800  }
0x81: {  	_ =	sfence.sel $0x180000  }
0x82: {  	[bflag:$0x0] =	sbarrier.arrive $0xFFFF  }
0x83: {  	p0 =	sne.s32 s4, $0x0;
	_ =	strace $0x9000004A  }
0x84: {  	s0 =	sadd.s32 @!p0 $0x100000, s0;
	[bflag:$0x2] =	sbarrier.arrive $0xFFFF  }
0x85: {  	[sflag:s0] =	ssyncadd.tile.s32 @!p0 $0x1;
	_ =	shalt  }
.Lfunc_end2:
_tile_overlayer_lowered:
.L_overlay_start_2:
0x86: {  	(tag) =	ssettag $0x2  }
0x87: {  	s0 =	rddreg [dreg:$0x0];
	s2 =	stileid.u32  }
0x88: {  	s1 =	rddreg [dreg:$0x1];
	p0 =	sne.s32 s2, $0x0  }
0x89: {  	s3 =	rddreg [dreg:$0x2];
	[bflag:$0x3] =	sbarrier.arrive $0xFFFF;
	s2 =	simm.s32 @!p0 $0x1C05  }
0x8a: {  	[timem:s3], [sflag:s2] =	dma.local @!p0 [hbm:s0], s1  }
0x8b: {  	s0 =	simm.s32 @!p0 $0x5  }
0x8c: {  	_ =	swait.ge @!p0 [sflag:s0], s1  }
0x8d: {  	s1 =	ssub.s32 @!p0 $0x0, s1;
	[sflag:s0] =	ssyncset.done @!p0 $0x0  }
0x8e: {  	[sflag:s0] =	ssyncadd.s32 @!p0 s1  }
0x8f: {  	[bflag:$0x3] =	sbarrier.arrive $0xFFFF  }
0x90: {  	_ =	shalt  }

// kernel: kernel.15.cloned.1.call-start
scs
__scs_entry_jumppad:
0x0: {  	(pc) =	sbr.rel $0x88, $3  }
0x1: {  	(tag) =	ssettag $0x0;
	lr =	simm.s32 $0x1  }
0x2: {  	[smem:$0x3F94] =	sst lr;
	_ =	strace $0xD0000000  }
0x3: {  	_ = 	snop  }
0x4: {  	_ = 	snop  }
0x5: {  	_ = 	snop  }
0x6: {  	_ = 	snop  }
0x7: {  	_ = 	snop  }
__scs_overlays_trampoline_lowered:
0x8: {  	[smem:$0x3FA3] =	sst s0  }
0x9: {  	[smem:$0x3FA4] =	sst s1  }
0xa: {  	[smem:$0x3FA5] =	sst s2  }
0xb: {  	[smem:$0x3FA6] =	sst s3  }
0xc: {  	[smem:$0x3FA7] =	sst s4  }
0xd: {  	[smem:$0x3FA8] =	sst s5  }
0xe: {  	[smem:$0x3FA9] =	sst s6  }
0xf: {  	[smem:$0x3FAA] =	sst s7  }
0x10: {  	[smem:$0x3FAB] =	sst s8  }
0x11: {  	[smem:$0x3FAC] =	sst s9;
	s0 =	simm.s32 @!p0 $0x0  }
0x12: {  	s1 =	sld [smem:$0x3F92];
	s0 =	simm.s32 @p0 $0x1  }
0x13: {  	[smem:$0x3FAD] =	sst s0;
	s0 =	simm.s32 @!p1 $0x0  }
0x14: {  	s2 =	sld [smem:$0x3F91];
	s0 =	simm.s32 @p1 $0x1  }
0x15: {  	[smem:$0x3FAE] =	sst s0;
	s0 =	simm.s32 @!p2 $0x0  }
0x16: {  	s3 =	sld [smem:$0x3FDB];
	s0 =	simm.s32 @p2 $0x1  }
0x17: {  	s4 =	simm.s32 $0x1BF5;
	[smem:$0x3FB0] =	sst s0  }
0x18: {  	s0 =	sld [smem:$0x3F93];
	_ =	swait.ge [sflag:s4], $0x0  }
0x19: {  	s7 =	sld [smem:$0x3F94]  }
0x1a: {  	s8 =	sadd.s32 $0xFFFFE003, lr  }
0x1b: {  	s9 =	sadd.s32 $0xFFFFFEF7, lr;
	s5 =	simm.s32 $0xFFFFFFFF;
	p2 =	slt.u32 s8, $0xFFFFF086  }
0x1c: {  	p1 =	slt.u32 s9, $0xF7A;
	s5 =	simm.s32 @!p2 $0x0  }
0x1d: {  	s5 =	simm.s32 @p1 $0x1;
	p0 =	seq.s32 s7, s2  }
0x1e: {  	s7 =	smul.u32 @!p0 $0xF7A, s2;
	p2 =	seq.s32 @!p0 s5, $0x0  }
0x1f: {  	s9 =	smul.u32 $0xF7A, s1;
	s8 =	simm.s32 @!p0 $0x1BF5;
	p2 =	por !p2, p0  }
0x20: {  	[sflag:s8] =	ssyncset.s32 @!p0 $0xFFFFF086;
	s6 =	sadd.s32 @!p0 s3, s7;
	s7 =	simm.s32 @!p0 $0x108  }
0x21: {  	s3 =	sadd.s32 s3, s9;
	s6 =	sadd.s32 @!p0 $0x88, s6;
	s7 =	simm.s32 @p2 $0x1082  }
0x22: {  	[simem:s7], [sflag:s8] =	dma.local @!p0 [hbm:s6], $0xF7A  }
0x23: {  	s9 =	sor.u32 $0xD0000000, s2;
	s6 =	simm.s32 $0x108;
	_ =	swait.ge @!p0 [sflag:s8], $0x0  }
0x24: {  	s3 =	sadd.s32 $0x88, s3;
	s6 =	simm.s32 @!p1 $0x1082;
	[sflag:s4] =	ssyncset.s32 $0xFFFFF086  }
0x25: {  	[simem:s6], [sflag:s4] =	dma.local [hbm:s3], $0xF7A  }
0x26: {  	[smem:$0x3F94] =	sst s1;
	(tag) =	ssettag s2;
	_ =	strace s9  }
0x27: {  	s1 =	sld [smem:$0x3FA4]  }
0x28: {  	s2 =	sld [smem:$0x3FA5]  }
0x29: {  	s4 =	sld [smem:$0x3FA7]  }
0x2a: {  	p0 =	seq.s32 s5, $0x0;
	s5 =	sld [smem:$0x3FA8]  }
0x2b: {  	s6 =	sld [smem:$0x3FA9]  }
0x2c: {  	s7 =	sld [smem:$0x3FAA]  }
0x2d: {  	s3 =	simm.s32 $0x108;
	s8 =	sld [smem:$0x3FAB]  }
0x2e: {  	s3 =	simm.s32 @!p0 $0x1082;
	s9 =	sld [smem:$0x3FAC]  }
0x2f: {  	lr =	sadd.s32 s0, s3;
	s0 =	sld [smem:$0x3FA3]  }
0x30: {  	s3 =	sld [smem:$0x3FA6]  }
0x31: {  	[smem:$0x3FAF] =	sst s10  }
0x32: {  	s10 =	sld [smem:$0x3FAD];
	_ =	sdelay $0x3  }
0x33: {  	p0 =	seq.s32 s10, $0x1;
	s10 =	sld [smem:$0x3FAF];
	_ =	sdelay $0x3  }
0x34: {  	[smem:$0x3FAF] =	sst s10  }
0x35: {  	s10 =	sld [smem:$0x3FAE];
	_ =	sdelay $0x3  }
0x36: {  	p1 =	seq.s32 s10, $0x1;
	s10 =	sld [smem:$0x3FAF];
	_ =	sdelay $0x3  }
0x37: {  	[smem:$0x3FAF] =	sst s10  }
0x38: {  	s10 =	sld [smem:$0x3FB0]  }
0x39: {  	_ = 	snop;
	(pc) =	sbr.ind lr, $3  }
0x3a: {  	_ = 	snop  }
0x3b: {  	_ = 	snop  }
0x3c: {  	p2 =	seq.s32 s10, $0x1;
	s10 =	sld [smem:$0x3FAF]  }
0x3d: {  	_ =	shalt  }
0x3e: {  	_ =	shalt  }
0x3f: {  	_ =	shalt  }
0x40: {  	_ =	shalt  }
0x41: {  	_ =	shalt  }
0x42: {  	_ =	shalt  }
0x43: {  	_ =	shalt  }
0x44: {  	_ =	shalt  }
0x45: {  	_ =	shalt  }
0x46: {  	_ =	shalt  }
0x47: {  	_ =	shalt  }
0x48: {  	_ =	shalt  }
0x49: {  	_ =	shalt  }
0x4a: {  	_ =	shalt  }
0x4b: {  	_ =	shalt  }
0x4c: {  	_ =	shalt  }
0x4d: {  	_ =	shalt  }
0x4e: {  	_ =	shalt  }
0x4f: {  	_ =	shalt  }
0x50: {  	_ =	shalt  }
0x51: {  	_ =	shalt  }
0x52: {  	_ =	shalt  }
0x53: {  	_ =	shalt  }
0x54: {  	_ =	shalt  }
0x55: {  	_ =	shalt  }
0x56: {  	_ =	shalt  }
0x57: {  	_ =	shalt  }
0x58: {  	_ =	shalt  }
0x59: {  	_ =	shalt  }
0x5a: {  	_ =	shalt  }
0x5b: {  	_ =	shalt  }
0x5c: {  	_ =	shalt  }
0x5d: {  	_ =	shalt  }
0x5e: {  	_ =	shalt  }
0x5f: {  	_ =	shalt  }
0x60: {  	_ =	shalt  }
0x61: {  	_ =	shalt  }
0x62: {  	_ =	shalt  }
0x63: {  	_ =	shalt  }
0x64: {  	_ =	shalt  }
0x65: {  	_ =	shalt  }
0x66: {  	_ =	shalt  }
0x67: {  	_ =	shalt  }
0x68: {  	_ =	shalt  }
0x69: {  	_ =	shalt  }
0x6a: {  	_ =	shalt  }
0x6b: {  	_ =	shalt  }
0x6c: {  	_ =	shalt  }
0x6d: {  	_ =	shalt  }
0x6e: {  	_ =	shalt  }
0x6f: {  	_ =	shalt  }
0x70: {  	_ =	shalt  }
0x71: {  	_ =	shalt  }
0x72: {  	_ =	shalt  }
0x73: {  	_ =	shalt  }
0x74: {  	_ =	shalt  }
0x75: {  	_ =	shalt  }
0x76: {  	_ =	shalt  }
0x77: {  	_ =	shalt  }
0x78: {  	_ =	shalt  }
0x79: {  	_ =	shalt  }
0x7a: {  	_ =	shalt  }
0x7b: {  	_ =	shalt  }
0x7c: {  	_ =	shalt  }
0x7d: {  	_ =	shalt  }
0x7e: {  	_ =	shalt  }
0x7f: {  	_ =	shalt  }
0x80: {  	_ =	shalt  }
0x81: {  	_ =	shalt  }
0x82: {  	_ =	shalt  }
0x83: {  	_ =	shalt  }
0x84: {  	_ =	shalt  }
0x85: {  	_ =	shalt  }
0x86: {  	_ =	shalt  }
0x87: {  	_ =	shalt  }
.Lfunc_end0:
.L_simem_size_0:
called_computation.2_lowered:
.L_overlay_start_0:
0x88: {  	s2 =	sld [smem:$0x3FD9]  }
0x89: {  	s3 =	sld [smem:$0x3FFE];
	_ =	sdelay $0x1  }
0x8a: {  	s1 =	srdreg.scid  }
0x8b: {  	s0 =	sand.u32 $0x1, s1  }
0x8c: {  	s16 =	sshll.u32 s0, $0xA;
	s2 =	sadd.s32 s3, s2  }
0x8d: {  	s2 =	sadd.s32 s2, s16  }
0x8e: {  	[smem:$0x3FBB] =	sst s2  }
0x8f: {  	_ = 	snop  }
0x90: {  	(tm) =	ssettm $0x1  }
0x91: {  	s17 =	sld [smem:$0x3FFB];
	_ =	sdelay $0x3  }
0x92: {  	_ =	strace s17  }
0x93: {  	s2 =	sld [smem:$0x3FFC];
	_ =	sdelay $0x3  }
0x94: {  	_ =	strace s2  }
0x95: {  	s2 =	sld [smem:$0x3FFD];
	_ =	sdelay $0x3  }
0x96: {  	_ =	strace s2  }
0x97: {  	_ =	strace $0x8FFFFFFF  }
0x98: {  	s18 =	sld [smem:$0x3FDB];
	_ =	sdelay $0x1  }
0x99: {  	s19 =	simm.s32 $_scs_section_size  }
0x9a: {  	s4 =	simm.s32 $_size__tile_overlayer_lowered;
	s5 =	simm.s32 $_tile_overlayer_lowered  }
0x9b: {  	s22 =	simm.s32 $0x1BFF;
	s21 =	sshll.u32 s5, $0x1;
	s2 =	sadd.s32 s19, s18  }
0x9c: {  	s6 =	simm.s32 $0x0;
	s20 =	sshll.u32 s4, $0x1;
	s4 =	sadd.s32 s21, s2  }
0x9d: {  	[timem:s6], [sflag:s22] =	dma.local [hbm:s4], s20  }
0x9e: {  	_ =	swait.ge [sflag:s22], s20  }
0x9f: {  	s3 =	ssub.s32 $0x0, s20;
	[sflag:s22] =	ssyncset.done $0x0  }
0xa0: {  	[sflag:s22] =	ssyncadd.s32 s3;
	_ =	sdelay $0x1  }
0xa1: {  	s23 =	simm.s32 $0x1B8B  }
0xa2: {  	_ =	swait.ge [sflag:s23], $0x1  }
0xa3: {  	[sflag:s23] =	ssyncset.done $0x0  }
0xa4: {  	s25 =	simm.s32 $0x1B8E;
	s24 =	sld [smem:$0x3FFE];
	[sflag:s23] =	ssyncadd.s32 $0xFFFFFFFF  }
0xa5: {  	s26 =	simm.s32 $execute0_lowered;
	[smem:$0x3FD2] =	sst s25  }
0xa6: {  	s4 =	sshll.u32 s26, $0x1;
	_ =	strace $0x8000004C;
	[dreg:$0x1] =	wrdreg $0xFFFFFFFF  }
0xa7: {  	s28 =	simm.s32 $_size_execute0_lowered;
	s2 =	sadd.s32 s2, s4;
	[dreg:$0x0] =	wrdreg $0x0  }
0xa8: {  	s4 =	sshll.u32 s28, $0x1;
	[dreg:$0x2] =	wrdreg s2  }
0xa9: {  	[dreg:$0x3] =	wrdreg s4  }
0xaa: {  	[dreg:$0x4] =	wrdreg $0xC0  }
0xab: {  	_ =	task [dreg:s6], $0x5FFFF  }
0xac: {  	[dreg:$0x1] =	wrdreg $0xFFFFFFFF  }
0xad: {  	[dreg:$0x0] =	wrdreg $0x60  }
0xae: {  	[dreg:$0x2] =	wrdreg s24  }
0xaf: {  	[dreg:$0x3] =	wrdreg $0xAA000  }
0xb0: {  	[dreg:$0x4] =	wrdreg $0x9  }
0xb1: {  	_ =	task.clear_ibuf [dreg:s6], $0x5FFFF;
	_ =	strace $0x9000004C  }
0xb2: {  	s29 =	simm.s32 $0x9;
	_ =	strace $0x8000004E  }
0xb3: {  	_ =	swait.ge [sflag:s29], $0x1  }
0xb4: {  	[sflag:s29] =	ssyncadd.s32 $0xFFFFFFFF  }
0xb5: {  	_ =	strace $0x9000004E  }
0xb6: {  	_ =	sfence  }
0xb7: {  	s30 =	sld [smem:$0x0];
	_ =	sdelay $0x2  }
0xb8: {  	s31 =	sshll.u32 s1, $0xD;
	s1 =	sshrl.u32 s1, $0x2  }
0xb9: {  	s3 =	sand.u32 $0x4000, s31;
	s1 =	sadd.s32 s1, s30  }
0xba: {  	s0 =	sor.u32 s3, s0;
	s1 =	sshll.u32 s1, $0x11  }
0xbb: {  	s0 =	sor.u32 s1, s0  }
0xbc: {  	s0 =	sadd.s32 $0x8F2B, s0  }
0xbd: {  	[sflag:s0] =	ssyncadd.remote.s32 $0x1  }
0xbe: {  	_ =	sfence.sel $0xFFFF  }
0xbf: {  	[dreg:$0x0] =	wrdreg $0xFFFFFFFF;
	(pc) =	sbr.abs _section_cstart, $3  }
0xc0: {  	[dreg:$0x1] =	wrdreg $0xFFFFFFFF  }
0xc1: {  	_ =	task.clear_ibuf [dreg:s6], $0x2FFFF;
	_ =	strace $0x9FFFFFFF  }
0xc2: {  	(tm) =	ssettm $0x7FFFFFFF  }
0xc3: {  	_ =	shalt  }
tec
execute0_lowered:
.L_overlay_start_1:
0x0: {  	(tag) =	ssettag $0x1  }
0x1: {  	s6 =	rddreg [dreg:$0x0]  }
0x2: {  	s1 =	rddreg [dreg:$0x1]  }
0x3: {  	s0 =	rddreg [dreg:$0x2]  }
0x4: {  	s2 =	simm.s32 $0x0;
	s3 =	srdreg.scid;
	s16 =	simm.s32 $0x1  }
0x5: {  	s17 =	simm.s32 $0x7D;
	s18 =	simm.s32 $0x200;
	s19 =	simm.s32 $0x2  }
0x6: {  	s20 =	simm.s32 $0x4200;
	s21 =	simm.s32 $0x80;
	s22 =	simm.s32 $0x180  }
0x7: {  	s23 =	simm.s32 $0x3;
	s24 =	simm.s32 $0x4;
	s7 =	sand.u32 $0x1, s3  }
0x8: {  	s25 =	simm.s32 $0x0;
	s3 =	stileid.u32;
	s8 =	smul.u32 $0x27100, s7  }
0x9: {  	[smem:$0x7FF] =	sst s2;
	s4 =	sadd.s32 $0x17E00, s6;
	s13 =	smul.u32 $0xA000, s3  }
0xa: {  	s11 =	sadd.s32 $0x3800, s6;
	s5 =	sadd.s32 $0x17800, s6;
	s14 =	smul.u32 $0xA000, s7  }
0xb: {  	_ =	strace $0x8000004D;
	s9 =	sshll.u32 s7, $0x4;
	s15 =	smul.u32 $0x500, s3  }
0xc: {  	s26 =	ssub.s32 $0x2, s7;
	s10 =	ssub.s32 $0x8C, s3;
	s31 =	smul.u32 $0xA00, s3  }
0xd: {  	s9 =	sor.u32 s3, s9;
	s29 =	sshrl.u32 s26, $0x1;
	s12 =	sadd.s32 s8, s6  }
0xe: {  	s28 =	smul.u32 $0xA00, s9;
	s9 =	ssub.s32 s26, s29;
	s6 =	sshrl.u32 s10, $0x4  }
0xf: {  	s30 =	sshrl.u32 s13, $0x2;
	s13 =	simm.s32 $0x8200;
	s7 =	smax.u32 s9, $0x1  }
0x10: {  	s10 =	sadd.s32 s30, s1;
	s12 =	sadd.s32 s15, s12;
	s15 =	simm.s32 $0x100  }
0x11: {  	s8 =	sadd.s32 s11, s28;
	s11 =	sadd.s32 s14, s11;
	s12 =	sadd.s32 $0x3F000, s12  }
0x12: {  	s14 =	simm.s32 $0x5;
	s9 =	sadd.s32 $0x20, s8;
	s11 =	sadd.s32 s31, s11  }
.LBB2_1:
0x13: {  	[tilespmem:s13], [sflag:$0x5] =	stream.linear.gather [hbm4b:s5+s2], $0x2800, $0x38;
	[tilespmem:$0x1E280] =	vst v63  }
0x14: {  	p0 =	sne.s32 s6, $0x1;
	_ =	swait.ge [sflag:s14], $0x2800  }
.Ltmp0:
0x15: {  	[sflag:s14] =	ssyncset.done $0x0;
	(pc) =	sbr.rel @!p0 .LBB2_3-.Ltmp0, $4  }
0x16: {  	[sflag:s14] =	ssyncadd.s32 $0xFFFFD800  }
0x17: {  	[spmem:s10] =	stream.linear.scatter [tilespmem:s13], [sflag:$0x5], $0x2800, $0x38;
	[tilespmem:$0x1E280] =	vst v63  }
0x18: {  	_ =	swait.ge [sflag:s14], $0x2800  }
0x19: {  	s26 =	sadd.s32 $0xFFFFFFFF, s6;
	s28 =	smov.u32 s10;
	[sflag:s14] =	ssyncset.done $0x0  }
.LBB2_2:
0x1a: {  	p1 =	sne.s32 s26, $0x1;
	[sflag:s14] =	ssyncadd.s32 $0xFFFFD800;
	s28 =	sadd.s32 $0x28000, s28  }
.Ltmp1:
0x1b: {  	s26 =	sadd.s32 $0xFFFFFFFF, s26;
	(pc) =	sbr.rel @p1 .LBB2_2-.Ltmp1, $4  }
0x1c: {  	_ = 	snop  }
0x1d: {  	[spmem:s28] =	stream.linear.scatter [tilespmem:s13], [sflag:$0x5], $0x2800, $0x38;
	[tilespmem:$0x1E280] =	vst v63  }
0x1e: {  	_ =	swait.ge [sflag:s14], $0x2800  }
0x1f: {  	[sflag:s14] =	ssyncset.done $0x0  }
.LBB2_3:
0x20: {  	[sflag:s14] =	ssyncadd.s32 $0xFFFFD800  }
0x21: {  	[bflag:$0x0] =	sbarrier.arrive $0xFFFF  }
0x22: {  	[tilespmem:s2], [sflag:$0x1] =	stream.linear.gather [hbm4b:s8+s2], $0x100, $0x38;
	[tilespmem:$0x1E280] =	vst v63  }
0x23: {  	_ = 	snop  }
0x24: {  	[tilespmem:s15], [sflag:$0x2] =	stream.linear.gather [hbm4b:s9+s2], $0x100, $0x38;
	[tilespmem:$0x1E280] =	vst v63  }
0x25: {  	_ =	swait.ge [sflag:s16], $0x100  }
0x26: {  	[sflag:s16] =	ssyncset.done $0x0  }
0x27: {  	[sflag:s16] =	ssyncadd.s32 $0xFFFFFF00  }
0x28: {  	[tilespmem:s18], [sflag:$0x1] =	stream.indirect.gather [hbm4b:s4+s17], $0x80, s2, s17, $0xb8;
	[tilespmem:$0x1E280] =	vst v63  }
0x29: {  	_ =	swait.ge [sflag:s19], $0x100  }
0x2a: {  	[sflag:s19] =	ssyncset.done $0x0  }
0x2b: {  	[sflag:s19] =	ssyncadd.s32 $0xFFFFFF00  }
0x2c: {  	[tilespmem:s20], [sflag:$0x2] =	stream.indirect.gather [hbm4b:s4+s17], $0x80, s15, s17, $0xb8;
	[tilespmem:$0x1E280] =	vst v63  }
0x2d: {  	_ =	swait.ge [sflag:s16], $0x3E80  }
0x2e: {  	[sflag:s16] =	ssyncset.done $0x0  }
0x2f: {  	[sflag:s16] =	ssyncadd.s32 $0xFFFFC180  }
0x30: {  	[spmem:s1] =	stream.indirect.scatter.add.f32 [tilespmem:s18], [sflag:$0x3], $0x80, s21, s17, $0xb8;
	[tilespmem:$0x1E280] =	vst v63  }
0x31: {  	_ =	swait.ge [sflag:s19], $0x3E80  }
0x32: {  	[sflag:s19] =	ssyncset.done $0x0  }
0x33: {  	[sflag:s19] =	ssyncadd.s32 $0xFFFFC180  }
0x34: {  	[spmem:s1] =	stream.indirect.scatter.add.f32 [tilespmem:s20], [sflag:$0x4], $0x80, s22, s17, $0xb8;
	[tilespmem:$0x1E280] =	vst v63  }
0x35: {  	_ =	swait.ge [sflag:s23], $0x3E80  }
0x36: {  	s26 =	sadd.s32 $0xFFFFF640, s11;
	[sflag:s23] =	ssyncset.done $0x0  }
0x37: {  	s28 =	sadd.s32 $0xA00, s26;
	[sflag:s23] =	ssyncadd.s32 $0xFFFFC180  }
0x38: {  	[tilespmem:s2], [sflag:$0x1] =	stream.linear.gather [hbm4b:s28+s2], $0x100, $0x38;
	[tilespmem:$0x1E280] =	vst v63  }
0x39: {  	_ =	swait.ge [sflag:s24], $0x3E80  }
0x3a: {  	[sflag:s24] =	ssyncset.done $0x0  }
0x3b: {  	s26 =	sadd.s32 $0xA20, s26;
	[sflag:s24] =	ssyncadd.s32 $0xFFFFC180  }
0x3c: {  	[tilespmem:s15], [sflag:$0x2] =	stream.linear.gather [hbm4b:s26+s2], $0x100, $0x38;
	[tilespmem:$0x1E280] =	vst v63  }
0x3d: {  	_ =	swait.ge [sflag:s16], $0x100  }
0x3e: {  	[sflag:s16] =	ssyncset.done $0x0  }
0x3f: {  	[sflag:s16] =	ssyncadd.s32 $0xFFFFFF00  }
0x40: {  	[tilespmem:s18], [sflag:$0x1] =	stream.indirect.gather [hbm4b:s4+s17], $0x80, s2, s17, $0xb8;
	[tilespmem:$0x1E280] =	vst v63  }
0x41: {  	_ =	swait.ge [sflag:s19], $0x100  }
0x42: {  	[sflag:s19] =	ssyncset.done $0x0  }
0x43: {  	[sflag:s19] =	ssyncadd.s32 $0xFFFFFF00  }
0x44: {  	[tilespmem:s20], [sflag:$0x2] =	stream.indirect.gather [hbm4b:s4+s17], $0x80, s15, s17, $0xb8;
	[tilespmem:$0x1E280] =	vst v63  }
0x45: {  	_ =	swait.ge [sflag:s16], $0x3E80  }
0x46: {  	[sflag:s16] =	ssyncset.done $0x0  }
0x47: {  	[sflag:s16] =	ssyncadd.s32 $0xFFFFC180  }
0x48: {  	[spmem:s1] =	stream.indirect.scatter.add.f32 [tilespmem:s18], [sflag:$0x3], $0x80, s21, s17, $0xb8;
	[tilespmem:$0x1E280] =	vst v63  }
0x49: {  	_ =	swait.ge [sflag:s19], $0x3E80  }
0x4a: {  	[sflag:s19] =	ssyncset.done $0x0  }
0x4b: {  	s26 =	simm.s32 $0xFFFFF680;
	[sflag:s19] =	ssyncadd.s32 $0xFFFFC180  }
.LBB2_4:
0x4c: {  	[spmem:s1] =	stream.indirect.scatter.add.f32 [tilespmem:s20], [sflag:$0x4], $0x80, s22, s17, $0xb8;
	[tilespmem:$0x1E280] =	vst v63  }
0x4d: {  	s28 =	smov.u32 s26  }
0x4e: {  	p1 =	sne.s32 s26, $0xFFFFFFC0;
	s26 =	sadd.s32 $0x40, s26;
	_ =	swait.ge [sflag:s23], $0x3E80  }
0x4f: {  	s28 =	sadd.s32 s28, s11;
	[sflag:s23] =	ssyncset.done $0x0  }
0x50: {  	s29 =	sadd.s32 $0xA00, s28;
	[sflag:s23] =	ssyncadd.s32 $0xFFFFC180  }
0x51: {  	[tilespmem:s2], [sflag:$0x1] =	stream.linear.gather [hbm4b:s29+s2], $0x100, $0x38;
	[tilespmem:$0x1E280] =	vst v63  }
0x52: {  	_ =	swait.ge [sflag:s24], $0x3E80  }
0x53: {  	[sflag:s24] =	ssyncset.done $0x0  }
0x54: {  	s28 =	sadd.s32 $0xA20, s28;
	[sflag:s24] =	ssyncadd.s32 $0xFFFFC180  }
0x55: {  	[tilespmem:s15], [sflag:$0x2] =	stream.linear.gather [hbm4b:s28+s2], $0x100, $0x38;
	[tilespmem:$0x1E280] =	vst v63  }
0x56: {  	_ =	swait.ge [sflag:s16], $0x100  }
0x57: {  	[sflag:s16] =	ssyncset.done $0x0  }
0x58: {  	[sflag:s16] =	ssyncadd.s32 $0xFFFFFF00  }
0x59: {  	[tilespmem:s18], [sflag:$0x1] =	stream.indirect.gather [hbm4b:s4+s17], $0x80, s2, s17, $0xb8;
	[tilespmem:$0x1E280] =	vst v63  }
0x5a: {  	_ =	swait.ge [sflag:s19], $0x100  }
0x5b: {  	[sflag:s19] =	ssyncset.done $0x0  }
0x5c: {  	[sflag:s19] =	ssyncadd.s32 $0xFFFFFF00  }
0x5d: {  	[tilespmem:s20], [sflag:$0x2] =	stream.indirect.gather [hbm4b:s4+s17], $0x80, s15, s17, $0xb8;
	[tilespmem:$0x1E280] =	vst v63  }
0x5e: {  	_ =	swait.ge [sflag:s16], $0x3E80  }
0x5f: {  	[sflag:s16] =	ssyncset.done $0x0  }
.Ltmp2:
0x60: {  	[sflag:s16] =	ssyncadd.s32 $0xFFFFC180;
	(pc) =	sbr.rel @p1 .LBB2_4-.Ltmp2, $4  }
0x61: {  	[spmem:s1] =	stream.indirect.scatter.add.f32 [tilespmem:s18], [sflag:$0x3], $0x80, s21, s17, $0xb8;
	[tilespmem:$0x1E280] =	vst v63  }
0x62: {  	_ =	swait.ge [sflag:s19], $0x3E80  }
0x63: {  	[sflag:s19] =	ssyncset.done $0x0  }
0x64: {  	[sflag:s19] =	ssyncadd.s32 $0xFFFFC180  }
0x65: {  	[spmem:s1] =	stream.indirect.scatter.add.f32 [tilespmem:s20], [sflag:$0x4], $0x80, s22, s17, $0xb8;
	[tilespmem:$0x1E280] =	vst v63  }
0x66: {  	_ =	swait.ge [sflag:s23], $0x3E80  }
0x67: {  	[sflag:s23] =	ssyncset.done $0x0  }
0x68: {  	[sflag:s23] =	ssyncadd.s32 $0xFFFFC180  }
0x69: {  	_ =	swait.ge [sflag:s24], $0x3E80  }
0x6a: {  	[sflag:s24] =	ssyncset.done $0x0  }
0x6b: {  	[sflag:s24] =	ssyncadd.s32 $0xFFFFC180  }
0x6c: {  	[bflag:$0x0] =	sbarrier.arrive $0xFFFF  }
0x6d: {  	[tilespmem:s13], [sflag:$0x5] =	stream.linear.gather [spmem:s10], $0x2800, $0x38;
	[tilespmem:$0x1E280] =	vst v63  }
0x6e: {  	_ =	swait.ge [sflag:s14], $0x2800  }
.Ltmp3:
0x6f: {  	[sflag:s14] =	ssyncset.done $0x0;
	(pc) =	sbr.rel @!p0 .LBB2_7-.Ltmp3, $4  }
0x70: {  	[sflag:s14] =	ssyncadd.s32 $0xFFFFD800  }
0x71: {  	[hbm4b:s12+s2] =	stream.linear.scatter [tilespmem:s13], [sflag:$0x5], $0x2800, $0x38;
	[tilespmem:$0x1E280] =	vst v63  }
0x72: {  	s26 =	sadd.s32 $0xFFFFFFFF, s6;
	_ =	swait.ge [sflag:s14], $0x2800  }
0x73: {  	s28 =	smov.u32 s12;
	s29 =	smov.u32 s10;
	[sflag:s14] =	ssyncset.done $0x0  }
.LBB2_6:
0x74: {  	[sflag:s14] =	ssyncadd.s32 $0xFFFFD800;
	s28 =	sadd.s32 $0x5000, s28;
	s29 =	sadd.s32 $0x28000, s29  }
0x75: {  	[tilespmem:s13], [sflag:$0x5] =	stream.linear.gather [spmem:s29], $0x2800, $0x38;
	[tilespmem:$0x1E280] =	vst v63  }
0x76: {  	p0 =	sne.s32 s26, $0x1;
	s26 =	sadd.s32 $0xFFFFFFFF, s26;
	_ =	swait.ge [sflag:s14], $0x2800  }
.Ltmp4:
0x77: {  	[sflag:s14] =	ssyncset.done $0x0;
	(pc) =	sbr.rel @p0 .LBB2_6-.Ltmp4, $4  }
0x78: {  	[sflag:s14] =	ssyncadd.s32 $0xFFFFD800  }
0x79: {  	[hbm4b:s28+s2] =	stream.linear.scatter [tilespmem:s13], [sflag:$0x5], $0x2800, $0x38;
	[tilespmem:$0x1E280] =	vst v63  }
0x7a: {  	_ =	swait.ge [sflag:s14], $0x2800  }
0x7b: {  	[sflag:s14] =	ssyncset.done $0x0  }
.LBB2_7:
0x7c: {  	s25 =	sadd.s32 $0x1, s25  }
0x7d: {  	p0 =	sne.s32 s25, s7  }
.Ltmp5:
0x7e: {  	_ = 	snop;
	(pc) =	sbr.rel @p0 .LBB2_1-.Ltmp5, $2  }
0x7f: {  	_ =	sdelay $0x2  }
0x80: {  	[sflag:s14] =	ssyncadd.s32 $0xFFFFD800  }
0x81: {  	_ =	sfence.sel $0x180000  }
0x82: {  	[bflag:$0x0] =	sbarrier.arrive $0xFFFF  }
0x83: {  	p0 =	sne.s32 s3, $0x0;
	_ =	strace $0x9000004D  }
0x84: {  	s0 =	sadd.s32 @!p0 $0x100000, s0;
	[bflag:$0x2] =	sbarrier.arrive $0xFFFF  }
0x85: {  	[sflag:s0] =	ssyncadd.tile.s32 @!p0 $0x1;
	_ =	shalt  }
.Lfunc_end2:
_tile_overlayer_lowered:
.L_overlay_start_2:
0x86: {  	(tag) =	ssettag $0x2  }
0x87: {  	s0 =	rddreg [dreg:$0x0];
	s2 =	stileid.u32  }
0x88: {  	s1 =	rddreg [dreg:$0x1];
	p0 =	sne.s32 s2, $0x0  }
0x89: {  	s3 =	rddreg [dreg:$0x2];
	[bflag:$0x3] =	sbarrier.arrive $0xFFFF;
	s2 =	simm.s32 @!p0 $0x1C05  }
0x8a: {  	[timem:s3], [sflag:s2] =	dma.local @!p0 [hbm:s0], s1  }
0x8b: {  	s0 =	simm.s32 @!p0 $0x5  }
0x8c: {  	_ =	swait.ge @!p0 [sflag:s0], s1  }
0x8d: {  	s1 =	ssub.s32 @!p0 $0x0, s1;
	[sflag:s0] =	ssyncset.done @!p0 $0x0  }
0x8e: {  	[sflag:s0] =	ssyncadd.s32 @!p0 s1  }
0x8f: {  	[bflag:$0x3] =	sbarrier.arrive $0xFFFF  }
0x90: {  	_ =	shalt  }

// kernel: kernel.18.cloned.1.call-start
scs
__scs_entry_jumppad:
0x0: {  	(pc) =	sbr.rel $0x88, $3  }
0x1: {  	(tag) =	ssettag $0x0;
	lr =	simm.s32 $0x1  }
0x2: {  	[smem:$0x3F94] =	sst lr;
	_ =	strace $0xD0000000  }
0x3: {  	_ = 	snop  }
0x4: {  	_ = 	snop  }
0x5: {  	_ = 	snop  }
0x6: {  	_ = 	snop  }
0x7: {  	_ = 	snop  }
__scs_overlays_trampoline_lowered:
0x8: {  	[smem:$0x3FA3] =	sst s0  }
0x9: {  	[smem:$0x3FA4] =	sst s1  }
0xa: {  	[smem:$0x3FA5] =	sst s2  }
0xb: {  	[smem:$0x3FA6] =	sst s3  }
0xc: {  	[smem:$0x3FA7] =	sst s4  }
0xd: {  	[smem:$0x3FA8] =	sst s5  }
0xe: {  	[smem:$0x3FA9] =	sst s6  }
0xf: {  	[smem:$0x3FAA] =	sst s7  }
0x10: {  	[smem:$0x3FAB] =	sst s8  }
0x11: {  	[smem:$0x3FAC] =	sst s9;
	s0 =	simm.s32 @!p0 $0x0  }
0x12: {  	s1 =	sld [smem:$0x3F92];
	s0 =	simm.s32 @p0 $0x1  }
0x13: {  	[smem:$0x3FAD] =	sst s0;
	s0 =	simm.s32 @!p1 $0x0  }
0x14: {  	s2 =	sld [smem:$0x3F91];
	s0 =	simm.s32 @p1 $0x1  }
0x15: {  	[smem:$0x3FAE] =	sst s0;
	s0 =	simm.s32 @!p2 $0x0  }
0x16: {  	s3 =	sld [smem:$0x3FDB];
	s0 =	simm.s32 @p2 $0x1  }
0x17: {  	s4 =	simm.s32 $0x1BF5;
	[smem:$0x3FB0] =	sst s0  }
0x18: {  	s0 =	sld [smem:$0x3F93];
	_ =	swait.ge [sflag:s4], $0x0  }
0x19: {  	s7 =	sld [smem:$0x3F94]  }
0x1a: {  	s8 =	sadd.s32 $0xFFFFE003, lr  }
0x1b: {  	s9 =	sadd.s32 $0xFFFFFEF7, lr;
	s5 =	simm.s32 $0xFFFFFFFF;
	p2 =	slt.u32 s8, $0xFFFFF086  }
0x1c: {  	p1 =	slt.u32 s9, $0xF7A;
	s5 =	simm.s32 @!p2 $0x0  }
0x1d: {  	s5 =	simm.s32 @p1 $0x1;
	p0 =	seq.s32 s7, s2  }
0x1e: {  	s7 =	smul.u32 @!p0 $0xF7A, s2;
	p2 =	seq.s32 @!p0 s5, $0x0  }
0x1f: {  	s9 =	smul.u32 $0xF7A, s1;
	s8 =	simm.s32 @!p0 $0x1BF5;
	p2 =	por !p2, p0  }
0x20: {  	[sflag:s8] =	ssyncset.s32 @!p0 $0xFFFFF086;
	s6 =	sadd.s32 @!p0 s3, s7;
	s7 =	simm.s32 @!p0 $0x108  }
0x21: {  	s3 =	sadd.s32 s3, s9;
	s6 =	sadd.s32 @!p0 $0x88, s6;
	s7 =	simm.s32 @p2 $0x1082  }
0x22: {  	[simem:s7], [sflag:s8] =	dma.local @!p0 [hbm:s6], $0xF7A  }
0x23: {  	s9 =	sor.u32 $0xD0000000, s2;
	s6 =	simm.s32 $0x108;
	_ =	swait.ge @!p0 [sflag:s8], $0x0  }
0x24: {  	s3 =	sadd.s32 $0x88, s3;
	s6 =	simm.s32 @!p1 $0x1082;
	[sflag:s4] =	ssyncset.s32 $0xFFFFF086  }
0x25: {  	[simem:s6], [sflag:s4] =	dma.local [hbm:s3], $0xF7A  }
0x26: {  	[smem:$0x3F94] =	sst s1;
	(tag) =	ssettag s2;
	_ =	strace s9  }
0x27: {  	s1 =	sld [smem:$0x3FA4]  }
0x28: {  	s2 =	sld [smem:$0x3FA5]  }
0x29: {  	s4 =	sld [smem:$0x3FA7]  }
0x2a: {  	p0 =	seq.s32 s5, $0x0;
	s5 =	sld [smem:$0x3FA8]  }
0x2b: {  	s6 =	sld [smem:$0x3FA9]  }
0x2c: {  	s7 =	sld [smem:$0x3FAA]  }
0x2d: {  	s3 =	simm.s32 $0x108;
	s8 =	sld [smem:$0x3FAB]  }
0x2e: {  	s3 =	simm.s32 @!p0 $0x1082;
	s9 =	sld [smem:$0x3FAC]  }
0x2f: {  	lr =	sadd.s32 s0, s3;
	s0 =	sld [smem:$0x3FA3]  }
0x30: {  	s3 =	sld [smem:$0x3FA6]  }
0x31: {  	[smem:$0x3FAF] =	sst s10  }
0x32: {  	s10 =	sld [smem:$0x3FAD];
	_ =	sdelay $0x3  }
0x33: {  	p0 =	seq.s32 s10, $0x1;
	s10 =	sld [smem:$0x3FAF];
	_ =	sdelay $0x3  }
0x34: {  	[smem:$0x3FAF] =	sst s10  }
0x35: {  	s10 =	sld [smem:$0x3FAE];
	_ =	sdelay $0x3  }
0x36: {  	p1 =	seq.s32 s10, $0x1;
	s10 =	sld [smem:$0x3FAF];
	_ =	sdelay $0x3  }
0x37: {  	[smem:$0x3FAF] =	sst s10  }
0x38: {  	s10 =	sld [smem:$0x3FB0]  }
0x39: {  	_ = 	snop;
	(pc) =	sbr.ind lr, $3  }
0x3a: {  	_ = 	snop  }
0x3b: {  	_ = 	snop  }
0x3c: {  	p2 =	seq.s32 s10, $0x1;
	s10 =	sld [smem:$0x3FAF]  }
0x3d: {  	_ =	shalt  }
0x3e: {  	_ =	shalt  }
0x3f: {  	_ =	shalt  }
0x40: {  	_ =	shalt  }
0x41: {  	_ =	shalt  }
0x42: {  	_ =	shalt  }
0x43: {  	_ =	shalt  }
0x44: {  	_ =	shalt  }
0x45: {  	_ =	shalt  }
0x46: {  	_ =	shalt  }
0x47: {  	_ =	shalt  }
0x48: {  	_ =	shalt  }
0x49: {  	_ =	shalt  }
0x4a: {  	_ =	shalt  }
0x4b: {  	_ =	shalt  }
0x4c: {  	_ =	shalt  }
0x4d: {  	_ =	shalt  }
0x4e: {  	_ =	shalt  }
0x4f: {  	_ =	shalt  }
0x50: {  	_ =	shalt  }
0x51: {  	_ =	shalt  }
0x52: {  	_ =	shalt  }
0x53: {  	_ =	shalt  }
0x54: {  	_ =	shalt  }
0x55: {  	_ =	shalt  }
0x56: {  	_ =	shalt  }
0x57: {  	_ =	shalt  }
0x58: {  	_ =	shalt  }
0x59: {  	_ =	shalt  }
0x5a: {  	_ =	shalt  }
0x5b: {  	_ =	shalt  }
0x5c: {  	_ =	shalt  }
0x5d: {  	_ =	shalt  }
0x5e: {  	_ =	shalt  }
0x5f: {  	_ =	shalt  }
0x60: {  	_ =	shalt  }
0x61: {  	_ =	shalt  }
0x62: {  	_ =	shalt  }
0x63: {  	_ =	shalt  }
0x64: {  	_ =	shalt  }
0x65: {  	_ =	shalt  }
0x66: {  	_ =	shalt  }
0x67: {  	_ =	shalt  }
0x68: {  	_ =	shalt  }
0x69: {  	_ =	shalt  }
0x6a: {  	_ =	shalt  }
0x6b: {  	_ =	shalt  }
0x6c: {  	_ =	shalt  }
0x6d: {  	_ =	shalt  }
0x6e: {  	_ =	shalt  }
0x6f: {  	_ =	shalt  }
0x70: {  	_ =	shalt  }
0x71: {  	_ =	shalt  }
0x72: {  	_ =	shalt  }
0x73: {  	_ =	shalt  }
0x74: {  	_ =	shalt  }
0x75: {  	_ =	shalt  }
0x76: {  	_ =	shalt  }
0x77: {  	_ =	shalt  }
0x78: {  	_ =	shalt  }
0x79: {  	_ =	shalt  }
0x7a: {  	_ =	shalt  }
0x7b: {  	_ =	shalt  }
0x7c: {  	_ =	shalt  }
0x7d: {  	_ =	shalt  }
0x7e: {  	_ =	shalt  }
0x7f: {  	_ =	shalt  }
0x80: {  	_ =	shalt  }
0x81: {  	_ =	shalt  }
0x82: {  	_ =	shalt  }
0x83: {  	_ =	shalt  }
0x84: {  	_ =	shalt  }
0x85: {  	_ =	shalt  }
0x86: {  	_ =	shalt  }
0x87: {  	_ =	shalt  }
.Lfunc_end0:
.L_simem_size_0:
called_computation.3_lowered:
.L_overlay_start_0:
0x88: {  	s2 =	sld [smem:$0x3FD9]  }
0x89: {  	s3 =	sld [smem:$0x3FFE];
	_ =	sdelay $0x1  }
0x8a: {  	s1 =	srdreg.scid  }
0x8b: {  	s0 =	sand.u32 $0x1, s1  }
0x8c: {  	s16 =	sshll.u32 s0, $0xA;
	s2 =	sadd.s32 s3, s2  }
0x8d: {  	s2 =	sadd.s32 s2, s16  }
0x8e: {  	[smem:$0x3FBB] =	sst s2  }
0x8f: {  	_ = 	snop  }
0x90: {  	(tm) =	ssettm $0x1  }
0x91: {  	s17 =	sld [smem:$0x3FFB];
	_ =	sdelay $0x3  }
0x92: {  	_ =	strace s17  }
0x93: {  	s2 =	sld [smem:$0x3FFC];
	_ =	sdelay $0x3  }
0x94: {  	_ =	strace s2  }
0x95: {  	s2 =	sld [smem:$0x3FFD];
	_ =	sdelay $0x3  }
0x96: {  	_ =	strace s2  }
0x97: {  	_ =	strace $0x8FFFFFFF  }
0x98: {  	s18 =	sld [smem:$0x3FDB];
	_ =	sdelay $0x1  }
0x99: {  	s19 =	simm.s32 $_scs_section_size  }
0x9a: {  	s4 =	simm.s32 $_size__tile_overlayer_lowered;
	s5 =	simm.s32 $_tile_overlayer_lowered  }
0x9b: {  	s22 =	simm.s32 $0x1BFF;
	s21 =	sshll.u32 s5, $0x1;
	s2 =	sadd.s32 s19, s18  }
0x9c: {  	s6 =	simm.s32 $0x0;
	s20 =	sshll.u32 s4, $0x1;
	s4 =	sadd.s32 s21, s2  }
0x9d: {  	[timem:s6], [sflag:s22] =	dma.local [hbm:s4], s20  }
0x9e: {  	_ =	swait.ge [sflag:s22], s20  }
0x9f: {  	s3 =	ssub.s32 $0x0, s20;
	[sflag:s22] =	ssyncset.done $0x0  }
0xa0: {  	[sflag:s22] =	ssyncadd.s32 s3;
	_ =	sdelay $0x1  }
0xa1: {  	s23 =	simm.s32 $0x1B8B  }
0xa2: {  	_ =	swait.ge [sflag:s23], $0x1  }
0xa3: {  	[sflag:s23] =	ssyncset.done $0x0  }
0xa4: {  	s25 =	simm.s32 $0x1B8E;
	s24 =	sld [smem:$0x3FFE];
	[sflag:s23] =	ssyncadd.s32 $0xFFFFFFFF  }
0xa5: {  	s26 =	simm.s32 $execute0_lowered;
	[smem:$0x3FD2] =	sst s25  }
0xa6: {  	s4 =	sshll.u32 s26, $0x1;
	_ =	strace $0x8000004F;
	[dreg:$0x1] =	wrdreg $0xFFFFFFFF  }
0xa7: {  	s28 =	simm.s32 $_size_execute0_lowered;
	s2 =	sadd.s32 s2, s4;
	[dreg:$0x0] =	wrdreg $0x0  }
0xa8: {  	s4 =	sshll.u32 s28, $0x1;
	[dreg:$0x2] =	wrdreg s2  }
0xa9: {  	[dreg:$0x3] =	wrdreg s4  }
0xaa: {  	[dreg:$0x4] =	wrdreg $0xC0  }
0xab: {  	_ =	task [dreg:s6], $0x5FFFF  }
0xac: {  	[dreg:$0x1] =	wrdreg $0xFFFFFFFF  }
0xad: {  	[dreg:$0x0] =	wrdreg $0x60  }
0xae: {  	[dreg:$0x2] =	wrdreg s24  }
0xaf: {  	[dreg:$0x3] =	wrdreg $0xAA000  }
0xb0: {  	[dreg:$0x4] =	wrdreg $0x9  }
0xb1: {  	_ =	task.clear_ibuf [dreg:s6], $0x5FFFF;
	_ =	strace $0x9000004F  }
0xb2: {  	s29 =	simm.s32 $0x9;
	_ =	strace $0x80000051  }
0xb3: {  	_ =	swait.ge [sflag:s29], $0x1  }
0xb4: {  	[sflag:s29] =	ssyncadd.s32 $0xFFFFFFFF  }
0xb5: {  	_ =	strace $0x90000051  }
0xb6: {  	_ =	sfence  }
0xb7: {  	s30 =	sld [smem:$0x0];
	_ =	sdelay $0x2  }
0xb8: {  	s31 =	sshll.u32 s1, $0xD;
	s1 =	sshrl.u32 s1, $0x2  }
0xb9: {  	s3 =	sand.u32 $0x4000, s31;
	s1 =	sadd.s32 s1, s30  }
0xba: {  	s0 =	sor.u32 s3, s0;
	s1 =	sshll.u32 s1, $0x11  }
0xbb: {  	s0 =	sor.u32 s1, s0  }
0xbc: {  	s0 =	sadd.s32 $0x8F2B, s0  }
0xbd: {  	[sflag:s0] =	ssyncadd.remote.s32 $0x1  }
0xbe: {  	_ =	sfence.sel $0xFFFF  }
0xbf: {  	[dreg:$0x0] =	wrdreg $0xFFFFFFFF;
	(pc) =	sbr.abs _section_cstart, $3  }
0xc0: {  	[dreg:$0x1] =	wrdreg $0xFFFFFFFF  }
0xc1: {  	_ =	task.clear_ibuf [dreg:s6], $0x2FFFF;
	_ =	strace $0x9FFFFFFF  }
0xc2: {  	(tm) =	ssettm $0x7FFFFFFF  }
0xc3: {  	_ =	shalt  }
tec
execute0_lowered:
.L_overlay_start_1:
0x0: {  	(tag) =	ssettag $0x1  }
0x1: {  	s6 =	rddreg [dreg:$0x0]  }
0x2: {  	s1 =	rddreg [dreg:$0x1]  }
0x3: {  	s0 =	rddreg [dreg:$0x2]  }
0x4: {  	s2 =	simm.s32 $0x0;
	s3 =	srdreg.scid;
	s16 =	simm.s32 $0x1  }
0x5: {  	s17 =	simm.s32 $0x7D;
	s18 =	simm.s32 $0x200;
	s19 =	simm.s32 $0x2  }
0x6: {  	s20 =	simm.s32 $0x4200;
	s21 =	simm.s32 $0x80;
	s22 =	simm.s32 $0x180  }
0x7: {  	s23 =	simm.s32 $0x3;
	s24 =	simm.s32 $0x4;
	s7 =	sand.u32 $0x1, s3  }
0x8: {  	s25 =	simm.s32 $0x0;
	s3 =	stileid.u32;
	s8 =	smul.u32 $0x27100, s7  }
0x9: {  	[smem:$0x7FF] =	sst s2;
	s4 =	sadd.s32 $0x17E00, s6;
	s13 =	smul.u32 $0xA000, s3  }
0xa: {  	s11 =	sadd.s32 $0x3800, s6;
	s5 =	sadd.s32 $0x17800, s6;
	s14 =	smul.u32 $0xA000, s7  }
0xb: {  	_ =	strace $0x80000050;
	s9 =	sshll.u32 s7, $0x4;
	s15 =	smul.u32 $0x500, s3  }
0xc: {  	s26 =	ssub.s32 $0x2, s7;
	s10 =	ssub.s32 $0x8C, s3;
	s31 =	smul.u32 $0xA00, s3  }
0xd: {  	s9 =	sor.u32 s3, s9;
	s29 =	sshrl.u32 s26, $0x1;
	s12 =	sadd.s32 s8, s6  }
0xe: {  	s28 =	smul.u32 $0xA00, s9;
	s9 =	ssub.s32 s26, s29;
	s6 =	sshrl.u32 s10, $0x4  }
0xf: {  	s30 =	sshrl.u32 s13, $0x2;
	s13 =	simm.s32 $0x8200;
	s7 =	smax.u32 s9, $0x1  }
0x10: {  	s10 =	sadd.s32 s30, s1;
	s12 =	sadd.s32 s15, s12;
	s15 =	simm.s32 $0x100  }
0x11: {  	s8 =	sadd.s32 s11, s28;
	s11 =	sadd.s32 s14, s11;
	s12 =	sadd.s32 $0x3F000, s12  }
0x12: {  	s14 =	simm.s32 $0x5;
	s9 =	sadd.s32 $0x20, s8;
	s11 =	sadd.s32 s31, s11  }
.LBB2_1:
0x13: {  	[tilespmem:s13], [sflag:$0x5] =	stream.linear.gather [hbm4b:s5+s2], $0x2800, $0x38;
	[tilespmem:$0x1E280] =	vst v63  }
0x14: {  	p0 =	sne.s32 s6, $0x1;
	_ =	swait.ge [sflag:s14], $0x2800  }
.Ltmp0:
0x15: {  	[sflag:s14] =	ssyncset.done $0x0;
	(pc) =	sbr.rel @!p0 .LBB2_3-.Ltmp0, $4  }
0x16: {  	[sflag:s14] =	ssyncadd.s32 $0xFFFFD800  }
0x17: {  	[spmem:s10] =	stream.linear.scatter [tilespmem:s13], [sflag:$0x5], $0x2800, $0x38;
	[tilespmem:$0x1E280] =	vst v63  }
0x18: {  	_ =	swait.ge [sflag:s14], $0x2800  }
0x19: {  	s26 =	sadd.s32 $0xFFFFFFFF, s6;
	s28 =	smov.u32 s10;
	[sflag:s14] =	ssyncset.done $0x0  }
.LBB2_2:
0x1a: {  	p1 =	sne.s32 s26, $0x1;
	[sflag:s14] =	ssyncadd.s32 $0xFFFFD800;
	s28 =	sadd.s32 $0x28000, s28  }
.Ltmp1:
0x1b: {  	s26 =	sadd.s32 $0xFFFFFFFF, s26;
	(pc) =	sbr.rel @p1 .LBB2_2-.Ltmp1, $4  }
0x1c: {  	_ = 	snop  }
0x1d: {  	[spmem:s28] =	stream.linear.scatter [tilespmem:s13], [sflag:$0x5], $0x2800, $0x38;
	[tilespmem:$0x1E280] =	vst v63  }
0x1e: {  	_ =	swait.ge [sflag:s14], $0x2800  }
0x1f: {  	[sflag:s14] =	ssyncset.done $0x0  }
.LBB2_3:
0x20: {  	[sflag:s14] =	ssyncadd.s32 $0xFFFFD800  }
0x21: {  	[bflag:$0x0] =	sbarrier.arrive $0xFFFF  }
0x22: {  	[tilespmem:s2], [sflag:$0x1] =	stream.linear.gather [hbm4b:s8+s2], $0x100, $0x38;
	[tilespmem:$0x1E280] =	vst v63  }
0x23: {  	_ = 	snop  }
0x24: {  	[tilespmem:s15], [sflag:$0x2] =	stream.linear.gather [hbm4b:s9+s2], $0x100, $0x38;
	[tilespmem:$0x1E280] =	vst v63  }
0x25: {  	_ =	swait.ge [sflag:s16], $0x100  }
0x26: {  	[sflag:s16] =	ssyncset.done $0x0  }
0x27: {  	[sflag:s16] =	ssyncadd.s32 $0xFFFFFF00  }
0x28: {  	[tilespmem:s18], [sflag:$0x1] =	stream.indirect.gather [hbm4b:s4+s17], $0x80, s2, s17, $0xb8;
	[tilespmem:$0x1E280] =	vst v63  }
0x29: {  	_ =	swait.ge [sflag:s19], $0x100  }
0x2a: {  	[sflag:s19] =	ssyncset.done $0x0  }
0x2b: {  	[sflag:s19] =	ssyncadd.s32 $0xFFFFFF00  }
0x2c: {  	[tilespmem:s20], [sflag:$0x2] =	stream.indirect.gather [hbm4b:s4+s17], $0x80, s15, s17, $0xb8;
	[tilespmem:$0x1E280] =	vst v63  }
0x2d: {  	_ =	swait.ge [sflag:s16], $0x3E80  }
0x2e: {  	[sflag:s16] =	ssyncset.done $0x0  }
0x2f: {  	[sflag:s16] =	ssyncadd.s32 $0xFFFFC180  }
0x30: {  	[spmem:s1] =	stream.indirect.scatter.add.f32 [tilespmem:s18], [sflag:$0x3], $0x80, s21, s17, $0xb8;
	[tilespmem:$0x1E280] =	vst v63  }
0x31: {  	_ =	swait.ge [sflag:s19], $0x3E80  }
0x32: {  	[sflag:s19] =	ssyncset.done $0x0  }
0x33: {  	[sflag:s19] =	ssyncadd.s32 $0xFFFFC180  }
0x34: {  	[spmem:s1] =	stream.indirect.scatter.add.f32 [tilespmem:s20], [sflag:$0x4], $0x80, s22, s17, $0xb8;
	[tilespmem:$0x1E280] =	vst v63  }
0x35: {  	_ =	swait.ge [sflag:s23], $0x3E80  }
0x36: {  	s26 =	sadd.s32 $0xFFFFF640, s11;
	[sflag:s23] =	ssyncset.done $0x0  }
0x37: {  	s28 =	sadd.s32 $0xA00, s26;
	[sflag:s23] =	ssyncadd.s32 $0xFFFFC180  }
0x38: {  	[tilespmem:s2], [sflag:$0x1] =	stream.linear.gather [hbm4b:s28+s2], $0x100, $0x38;
	[tilespmem:$0x1E280] =	vst v63  }
0x39: {  	_ =	swait.ge [sflag:s24], $0x3E80  }
0x3a: {  	[sflag:s24] =	ssyncset.done $0x0  }
0x3b: {  	s26 =	sadd.s32 $0xA20, s26;
	[sflag:s24] =	ssyncadd.s32 $0xFFFFC180  }
0x3c: {  	[tilespmem:s15], [sflag:$0x2] =	stream.linear.gather [hbm4b:s26+s2], $0x100, $0x38;
	[tilespmem:$0x1E280] =	vst v63  }
0x3d: {  	_ =	swait.ge [sflag:s16], $0x100  }
0x3e: {  	[sflag:s16] =	ssyncset.done $0x0  }
0x3f: {  	[sflag:s16] =	ssyncadd.s32 $0xFFFFFF00  }
0x40: {  	[tilespmem:s18], [sflag:$0x1] =	stream.indirect.gather [hbm4b:s4+s17], $0x80, s2, s17, $0xb8;
	[tilespmem:$0x1E280] =	vst v63  }
0x41: {  	_ =	swait.ge [sflag:s19], $0x100  }
0x42: {  	[sflag:s19] =	ssyncset.done $0x0  }
0x43: {  	[sflag:s19] =	ssyncadd.s32 $0xFFFFFF00  }
0x44: {  	[tilespmem:s20], [sflag:$0x2] =	stream.indirect.gather [hbm4b:s4+s17], $0x80, s15, s17, $0xb8;
	[tilespmem:$0x1E280] =	vst v63  }
0x45: {  	_ =	swait.ge [sflag:s16], $0x3E80  }
0x46: {  	[sflag:s16] =	ssyncset.done $0x0  }
0x47: {  	[sflag:s16] =	ssyncadd.s32 $0xFFFFC180  }
0x48: {  	[spmem:s1] =	stream.indirect.scatter.add.f32 [tilespmem:s18], [sflag:$0x3], $0x80, s21, s17, $0xb8;
	[tilespmem:$0x1E280] =	vst v63  }
0x49: {  	_ =	swait.ge [sflag:s19], $0x3E80  }
0x4a: {  	[sflag:s19] =	ssyncset.done $0x0  }
0x4b: {  	s26 =	simm.s32 $0xFFFFF680;
	[sflag:s19] =	ssyncadd.s32 $0xFFFFC180  }
.LBB2_4:
0x4c: {  	[spmem:s1] =	stream.indirect.scatter.add.f32 [tilespmem:s20], [sflag:$0x4], $0x80, s22, s17, $0xb8;
	[tilespmem:$0x1E280] =	vst v63  }
0x4d: {  	s28 =	smov.u32 s26  }
0x4e: {  	p1 =	sne.s32 s26, $0xFFFFFFC0;
	s26 =	sadd.s32 $0x40, s26;
	_ =	swait.ge [sflag:s23], $0x3E80  }
0x4f: {  	s28 =	sadd.s32 s28, s11;
	[sflag:s23] =	ssyncset.done $0x0  }
0x50: {  	s29 =	sadd.s32 $0xA00, s28;
	[sflag:s23] =	ssyncadd.s32 $0xFFFFC180  }
0x51: {  	[tilespmem:s2], [sflag:$0x1] =	stream.linear.gather [hbm4b:s29+s2], $0x100, $0x38;
	[tilespmem:$0x1E280] =	vst v63  }
0x52: {  	_ =	swait.ge [sflag:s24], $0x3E80  }
0x53: {  	[sflag:s24] =	ssyncset.done $0x0  }
0x54: {  	s28 =	sadd.s32 $0xA20, s28;
	[sflag:s24] =	ssyncadd.s32 $0xFFFFC180  }
0x55: {  	[tilespmem:s15], [sflag:$0x2] =	stream.linear.gather [hbm4b:s28+s2], $0x100, $0x38;
	[tilespmem:$0x1E280] =	vst v63  }
0x56: {  	_ =	swait.ge [sflag:s16], $0x100  }
0x57: {  	[sflag:s16] =	ssyncset.done $0x0  }
0x58: {  	[sflag:s16] =	ssyncadd.s32 $0xFFFFFF00  }
0x59: {  	[tilespmem:s18], [sflag:$0x1] =	stream.indirect.gather [hbm4b:s4+s17], $0x80, s2, s17, $0xb8;
	[tilespmem:$0x1E280] =	vst v63  }
0x5a: {  	_ =	swait.ge [sflag:s19], $0x100  }
0x5b: {  	[sflag:s19] =	ssyncset.done $0x0  }
0x5c: {  	[sflag:s19] =	ssyncadd.s32 $0xFFFFFF00  }
0x5d: {  	[tilespmem:s20], [sflag:$0x2] =	stream.indirect.gather [hbm4b:s4+s17], $0x80, s15, s17, $0xb8;
	[tilespmem:$0x1E280] =	vst v63  }
0x5e: {  	_ =	swait.ge [sflag:s16], $0x3E80  }
0x5f: {  	[sflag:s16] =	ssyncset.done $0x0  }
.Ltmp2:
0x60: {  	[sflag:s16] =	ssyncadd.s32 $0xFFFFC180;
	(pc) =	sbr.rel @p1 .LBB2_4-.Ltmp2, $4  }
0x61: {  	[spmem:s1] =	stream.indirect.scatter.add.f32 [tilespmem:s18], [sflag:$0x3], $0x80, s21, s17, $0xb8;
	[tilespmem:$0x1E280] =	vst v63  }
0x62: {  	_ =	swait.ge [sflag:s19], $0x3E80  }
0x63: {  	[sflag:s19] =	ssyncset.done $0x0  }
0x64: {  	[sflag:s19] =	ssyncadd.s32 $0xFFFFC180  }
0x65: {  	[spmem:s1] =	stream.indirect.scatter.add.f32 [tilespmem:s20], [sflag:$0x4], $0x80, s22, s17, $0xb8;
	[tilespmem:$0x1E280] =	vst v63  }
0x66: {  	_ =	swait.ge [sflag:s23], $0x3E80  }
0x67: {  	[sflag:s23] =	ssyncset.done $0x0  }
0x68: {  	[sflag:s23] =	ssyncadd.s32 $0xFFFFC180  }
0x69: {  	_ =	swait.ge [sflag:s24], $0x3E80  }
0x6a: {  	[sflag:s24] =	ssyncset.done $0x0  }
0x6b: {  	[sflag:s24] =	ssyncadd.s32 $0xFFFFC180  }
0x6c: {  	[bflag:$0x0] =	sbarrier.arrive $0xFFFF  }
0x6d: {  	[tilespmem:s13], [sflag:$0x5] =	stream.linear.gather [spmem:s10], $0x2800, $0x38;
	[tilespmem:$0x1E280] =	vst v63  }
0x6e: {  	_ =	swait.ge [sflag:s14], $0x2800  }
.Ltmp3:
0x6f: {  	[sflag:s14] =	ssyncset.done $0x0;
	(pc) =	sbr.rel @!p0 .LBB2_7-.Ltmp3, $4  }
0x70: {  	[sflag:s14] =	ssyncadd.s32 $0xFFFFD800  }
0x71: {  	[hbm4b:s12+s2] =	stream.linear.scatter [tilespmem:s13], [sflag:$0x5], $0x2800, $0x38;
	[tilespmem:$0x1E280] =	vst v63  }
0x72: {  	s26 =	sadd.s32 $0xFFFFFFFF, s6;
	_ =	swait.ge [sflag:s14], $0x2800  }
0x73: {  	s28 =	smov.u32 s12;
	s29 =	smov.u32 s10;
	[sflag:s14] =	ssyncset.done $0x0  }
.LBB2_6:
0x74: {  	[sflag:s14] =	ssyncadd.s32 $0xFFFFD800;
	s28 =	sadd.s32 $0x5000, s28;
	s29 =	sadd.s32 $0x28000, s29  }
0x75: {  	[tilespmem:s13], [sflag:$0x5] =	stream.linear.gather [spmem:s29], $0x2800, $0x38;
	[tilespmem:$0x1E280] =	vst v63  }
0x76: {  	p0 =	sne.s32 s26, $0x1;
	s26 =	sadd.s32 $0xFFFFFFFF, s26;
	_ =	swait.ge [sflag:s14], $0x2800  }
.Ltmp4:
0x77: {  	[sflag:s14] =	ssyncset.done $0x0;
	(pc) =	sbr.rel @p0 .LBB2_6-.Ltmp4, $4  }
0x78: {  	[sflag:s14] =	ssyncadd.s32 $0xFFFFD800  }
0x79: {  	[hbm4b:s28+s2] =	stream.linear.scatter [tilespmem:s13], [sflag:$0x5], $0x2800, $0x38;
	[tilespmem:$0x1E280] =	vst v63  }
0x7a: {  	_ =	swait.ge [sflag:s14], $0x2800  }
0x7b: {  	[sflag:s14] =	ssyncset.done $0x0  }
.LBB2_7:
0x7c: {  	s25 =	sadd.s32 $0x1, s25  }
0x7d: {  	p0 =	sne.s32 s25, s7  }
.Ltmp5:
0x7e: {  	_ = 	snop;
	(pc) =	sbr.rel @p0 .LBB2_1-.Ltmp5, $2  }
0x7f: {  	_ =	sdelay $0x2  }
0x80: {  	[sflag:s14] =	ssyncadd.s32 $0xFFFFD800  }
0x81: {  	_ =	sfence.sel $0x180000  }
0x82: {  	[bflag:$0x0] =	sbarrier.arrive $0xFFFF  }
0x83: {  	p0 =	sne.s32 s3, $0x0;
	_ =	strace $0x90000050  }
0x84: {  	s0 =	sadd.s32 @!p0 $0x100000, s0;
	[bflag:$0x2] =	sbarrier.arrive $0xFFFF  }
0x85: {  	[sflag:s0] =	ssyncadd.tile.s32 @!p0 $0x1;
	_ =	shalt  }
.Lfunc_end2:
_tile_overlayer_lowered:
.L_overlay_start_2:
0x86: {  	(tag) =	ssettag $0x2  }
0x87: {  	s0 =	rddreg [dreg:$0x0];
	s2 =	stileid.u32  }
0x88: {  	s1 =	rddreg [dreg:$0x1];
	p0 =	sne.s32 s2, $0x0  }
0x89: {  	s3 =	rddreg [dreg:$0x2];
	[bflag:$0x3] =	sbarrier.arrive $0xFFFF;
	s2 =	simm.s32 @!p0 $0x1C05  }
0x8a: {  	[timem:s3], [sflag:s2] =	dma.local @!p0 [hbm:s0], s1  }
0x8b: {  	s0 =	simm.s32 @!p0 $0x5  }
0x8c: {  	_ =	swait.ge @!p0 [sflag:s0], s1  }
0x8d: {  	s1 =	ssub.s32 @!p0 $0x0, s1;
	[sflag:s0] =	ssyncset.done @!p0 $0x0  }
0x8e: {  	[sflag:s0] =	ssyncadd.s32 @!p0 s1  }
0x8f: {  	[bflag:$0x3] =	sbarrier.arrive $0xFFFF  }
0x90: {  	_ =	shalt  }

// kernel: kernel.9.cloned.1.call-start
scs
__scs_entry_jumppad:
0x0: {  	(pc) =	sbr.rel $0x88, $3  }
0x1: {  	(tag) =	ssettag $0x0;
	lr =	simm.s32 $0x1  }
0x2: {  	[smem:$0x3F94] =	sst lr;
	_ =	strace $0xD0000000  }
0x3: {  	_ = 	snop  }
0x4: {  	_ = 	snop  }
0x5: {  	_ = 	snop  }
0x6: {  	_ = 	snop  }
0x7: {  	_ = 	snop  }
__scs_overlays_trampoline_lowered:
0x8: {  	[smem:$0x3FA3] =	sst s0  }
0x9: {  	[smem:$0x3FA4] =	sst s1  }
0xa: {  	[smem:$0x3FA5] =	sst s2  }
0xb: {  	[smem:$0x3FA6] =	sst s3  }
0xc: {  	[smem:$0x3FA7] =	sst s4  }
0xd: {  	[smem:$0x3FA8] =	sst s5  }
0xe: {  	[smem:$0x3FA9] =	sst s6  }
0xf: {  	[smem:$0x3FAA] =	sst s7  }
0x10: {  	[smem:$0x3FAB] =	sst s8  }
0x11: {  	[smem:$0x3FAC] =	sst s9;
	s0 =	simm.s32 @!p0 $0x0  }
0x12: {  	s1 =	sld [smem:$0x3F92];
	s0 =	simm.s32 @p0 $0x1  }
0x13: {  	[smem:$0x3FAD] =	sst s0;
	s0 =	simm.s32 @!p1 $0x0  }
0x14: {  	s2 =	sld [smem:$0x3F91];
	s0 =	simm.s32 @p1 $0x1  }
0x15: {  	[smem:$0x3FAE] =	sst s0;
	s0 =	simm.s32 @!p2 $0x0  }
0x16: {  	s3 =	sld [smem:$0x3FDB];
	s0 =	simm.s32 @p2 $0x1  }
0x17: {  	s4 =	simm.s32 $0x1BF5;
	[smem:$0x3FB0] =	sst s0  }
0x18: {  	s0 =	sld [smem:$0x3F93];
	_ =	swait.ge [sflag:s4], $0x0  }
0x19: {  	s7 =	sld [smem:$0x3F94]  }
0x1a: {  	s8 =	sadd.s32 $0xFFFFE003, lr  }
0x1b: {  	s9 =	sadd.s32 $0xFFFFFEF7, lr;
	s5 =	simm.s32 $0xFFFFFFFF;
	p2 =	slt.u32 s8, $0xFFFFF086  }
0x1c: {  	p1 =	slt.u32 s9, $0xF7A;
	s5 =	simm.s32 @!p2 $0x0  }
0x1d: {  	s5 =	simm.s32 @p1 $0x1;
	p0 =	seq.s32 s7, s2  }
0x1e: {  	s7 =	smul.u32 @!p0 $0xF7A, s2;
	p2 =	seq.s32 @!p0 s5, $0x0  }
0x1f: {  	s9 =	smul.u32 $0xF7A, s1;
	s8 =	simm.s32 @!p0 $0x1BF5;
	p2 =	por !p2, p0  }
0x20: {  	[sflag:s8] =	ssyncset.s32 @!p0 $0xFFFFF086;
	s6 =	sadd.s32 @!p0 s3, s7;
	s7 =	simm.s32 @!p0 $0x108  }
0x21: {  	s3 =	sadd.s32 s3, s9;
	s6 =	sadd.s32 @!p0 $0x88, s6;
	s7 =	simm.s32 @p2 $0x1082  }
0x22: {  	[simem:s7], [sflag:s8] =	dma.local @!p0 [hbm:s6], $0xF7A  }
0x23: {  	s9 =	sor.u32 $0xD0000000, s2;
	s6 =	simm.s32 $0x108;
	_ =	swait.ge @!p0 [sflag:s8], $0x0  }
0x24: {  	s3 =	sadd.s32 $0x88, s3;
	s6 =	simm.s32 @!p1 $0x1082;
	[sflag:s4] =	ssyncset.s32 $0xFFFFF086  }
0x25: {  	[simem:s6], [sflag:s4] =	dma.local [hbm:s3], $0xF7A  }
0x26: {  	[smem:$0x3F94] =	sst s1;
	(tag) =	ssettag s2;
	_ =	strace s9  }
0x27: {  	s1 =	sld [smem:$0x3FA4]  }
0x28: {  	s2 =	sld [smem:$0x3FA5]  }
0x29: {  	s4 =	sld [smem:$0x3FA7]  }
0x2a: {  	p0 =	seq.s32 s5, $0x0;
	s5 =	sld [smem:$0x3FA8]  }
0x2b: {  	s6 =	sld [smem:$0x3FA9]  }
0x2c: {  	s7 =	sld [smem:$0x3FAA]  }
0x2d: {  	s3 =	simm.s32 $0x108;
	s8 =	sld [smem:$0x3FAB]  }
0x2e: {  	s3 =	simm.s32 @!p0 $0x1082;
	s9 =	sld [smem:$0x3FAC]  }
0x2f: {  	lr =	sadd.s32 s0, s3;
	s0 =	sld [smem:$0x3FA3]  }
0x30: {  	s3 =	sld [smem:$0x3FA6]  }
0x31: {  	[smem:$0x3FAF] =	sst s10  }
0x32: {  	s10 =	sld [smem:$0x3FAD];
	_ =	sdelay $0x3  }
0x33: {  	p0 =	seq.s32 s10, $0x1;
	s10 =	sld [smem:$0x3FAF];
	_ =	sdelay $0x3  }
0x34: {  	[smem:$0x3FAF] =	sst s10  }
0x35: {  	s10 =	sld [smem:$0x3FAE];
	_ =	sdelay $0x3  }
0x36: {  	p1 =	seq.s32 s10, $0x1;
	s10 =	sld [smem:$0x3FAF];
	_ =	sdelay $0x3  }
0x37: {  	[smem:$0x3FAF] =	sst s10  }
0x38: {  	s10 =	sld [smem:$0x3FB0]  }
0x39: {  	_ = 	snop;
	(pc) =	sbr.ind lr, $3  }
0x3a: {  	_ = 	snop  }
0x3b: {  	_ = 	snop  }
0x3c: {  	p2 =	seq.s32 s10, $0x1;
	s10 =	sld [smem:$0x3FAF]  }
0x3d: {  	_ =	shalt  }
0x3e: {  	_ =	shalt  }
0x3f: {  	_ =	shalt  }
0x40: {  	_ =	shalt  }
0x41: {  	_ =	shalt  }
0x42: {  	_ =	shalt  }
0x43: {  	_ =	shalt  }
0x44: {  	_ =	shalt  }
0x45: {  	_ =	shalt  }
0x46: {  	_ =	shalt  }
0x47: {  	_ =	shalt  }
0x48: {  	_ =	shalt  }
0x49: {  	_ =	shalt  }
0x4a: {  	_ =	shalt  }
0x4b: {  	_ =	shalt  }
0x4c: {  	_ =	shalt  }
0x4d: {  	_ =	shalt  }
0x4e: {  	_ =	shalt  }
0x4f: {  	_ =	shalt  }
0x50: {  	_ =	shalt  }
0x51: {  	_ =	shalt  }
0x52: {  	_ =	shalt  }
0x53: {  	_ =	shalt  }
0x54: {  	_ =	shalt  }
0x55: {  	_ =	shalt  }
0x56: {  	_ =	shalt  }
0x57: {  	_ =	shalt  }
0x58: {  	_ =	shalt  }
0x59: {  	_ =	shalt  }
0x5a: {  	_ =	shalt  }
0x5b: {  	_ =	shalt  }
0x5c: {  	_ =	shalt  }
0x5d: {  	_ =	shalt  }
0x5e: {  	_ =	shalt  }
0x5f: {  	_ =	shalt  }
0x60: {  	_ =	shalt  }
0x61: {  	_ =	shalt  }
0x62: {  	_ =	shalt  }
0x63: {  	_ =	shalt  }
0x64: {  	_ =	shalt  }
0x65: {  	_ =	shalt  }
0x66: {  	_ =	shalt  }
0x67: {  	_ =	shalt  }
0x68: {  	_ =	shalt  }
0x69: {  	_ =	shalt  }
0x6a: {  	_ =	shalt  }
0x6b: {  	_ =	shalt  }
0x6c: {  	_ =	shalt  }
0x6d: {  	_ =	shalt  }
0x6e: {  	_ =	shalt  }
0x6f: {  	_ =	shalt  }
0x70: {  	_ =	shalt  }
0x71: {  	_ =	shalt  }
0x72: {  	_ =	shalt  }
0x73: {  	_ =	shalt  }
0x74: {  	_ =	shalt  }
0x75: {  	_ =	shalt  }
0x76: {  	_ =	shalt  }
0x77: {  	_ =	shalt  }
0x78: {  	_ =	shalt  }
0x79: {  	_ =	shalt  }
0x7a: {  	_ =	shalt  }
0x7b: {  	_ =	shalt  }
0x7c: {  	_ =	shalt  }
0x7d: {  	_ =	shalt  }
0x7e: {  	_ =	shalt  }
0x7f: {  	_ =	shalt  }
0x80: {  	_ =	shalt  }
0x81: {  	_ =	shalt  }
0x82: {  	_ =	shalt  }
0x83: {  	_ =	shalt  }
0x84: {  	_ =	shalt  }
0x85: {  	_ =	shalt  }
0x86: {  	_ =	shalt  }
0x87: {  	_ =	shalt  }
.Lfunc_end0:
.L_simem_size_0:
called_computation_lowered:
.L_overlay_start_0:
0x88: {  	s2 =	sld [smem:$0x3FD9]  }
0x89: {  	s3 =	sld [smem:$0x3FFE];
	_ =	sdelay $0x1  }
0x8a: {  	s1 =	srdreg.scid  }
0x8b: {  	s0 =	sand.u32 $0x1, s1  }
0x8c: {  	s16 =	sshll.u32 s0, $0xA;
	s2 =	sadd.s32 s3, s2  }
0x8d: {  	s2 =	sadd.s32 s2, s16  }
0x8e: {  	[smem:$0x3FBB] =	sst s2  }
0x8f: {  	_ = 	snop  }
0x90: {  	(tm) =	ssettm $0x1  }
0x91: {  	s17 =	sld [smem:$0x3FFB];
	_ =	sdelay $0x3  }
0x92: {  	_ =	strace s17  }
0x93: {  	s2 =	sld [smem:$0x3FFC];
	_ =	sdelay $0x3  }
0x94: {  	_ =	strace s2  }
0x95: {  	s2 =	sld [smem:$0x3FFD];
	_ =	sdelay $0x3  }
0x96: {  	_ =	strace s2  }
0x97: {  	_ =	strace $0x8FFFFFFF  }
0x98: {  	s18 =	sld [smem:$0x3FDB];
	_ =	sdelay $0x1  }
0x99: {  	s19 =	simm.s32 $_scs_section_size  }
0x9a: {  	s4 =	simm.s32 $_size__tile_overlayer_lowered;
	s5 =	simm.s32 $_tile_overlayer_lowered  }
0x9b: {  	s22 =	simm.s32 $0x1BFF;
	s21 =	sshll.u32 s5, $0x1;
	s2 =	sadd.s32 s19, s18  }
0x9c: {  	s6 =	simm.s32 $0x0;
	s20 =	sshll.u32 s4, $0x1;
	s4 =	sadd.s32 s21, s2  }
0x9d: {  	[timem:s6], [sflag:s22] =	dma.local [hbm:s4], s20  }
0x9e: {  	_ =	swait.ge [sflag:s22], s20  }
0x9f: {  	s3 =	ssub.s32 $0x0, s20;
	[sflag:s22] =	ssyncset.done $0x0  }
0xa0: {  	[sflag:s22] =	ssyncadd.s32 s3;
	_ =	sdelay $0x1  }
0xa1: {  	s23 =	simm.s32 $0x1B8B  }
0xa2: {  	_ =	swait.ge [sflag:s23], $0x1  }
0xa3: {  	[sflag:s23] =	ssyncset.done $0x0  }
0xa4: {  	s25 =	simm.s32 $0x1B8E;
	s24 =	sld [smem:$0x3FFE];
	[sflag:s23] =	ssyncadd.s32 $0xFFFFFFFF  }
0xa5: {  	s26 =	simm.s32 $execute0_lowered;
	[smem:$0x3FD2] =	sst s25  }
0xa6: {  	s4 =	sshll.u32 s26, $0x1;
	_ =	strace $0x80000046;
	[dreg:$0x1] =	wrdreg $0xFFFFFFFF  }
0xa7: {  	s28 =	simm.s32 $_size_execute0_lowered;
	s2 =	sadd.s32 s2, s4;
	[dreg:$0x0] =	wrdreg $0x0  }
0xa8: {  	s4 =	sshll.u32 s28, $0x1;
	[dreg:$0x2] =	wrdreg s2  }
0xa9: {  	[dreg:$0x3] =	wrdreg s4  }
0xaa: {  	[dreg:$0x4] =	wrdreg $0xC0  }
0xab: {  	_ =	task [dreg:s6], $0x5FFFF  }
0xac: {  	[dreg:$0x1] =	wrdreg $0xFFFFFFFF  }
0xad: {  	[dreg:$0x0] =	wrdreg $0x60  }
0xae: {  	[dreg:$0x2] =	wrdreg s24  }
0xaf: {  	[dreg:$0x3] =	wrdreg $0xAA000  }
0xb0: {  	[dreg:$0x4] =	wrdreg $0x9  }
0xb1: {  	_ =	task.clear_ibuf [dreg:s6], $0x5FFFF;
	_ =	strace $0x90000046  }
0xb2: {  	s29 =	simm.s32 $0x9;
	_ =	strace $0x80000048  }
0xb3: {  	_ =	swait.ge [sflag:s29], $0x1  }
0xb4: {  	[sflag:s29] =	ssyncadd.s32 $0xFFFFFFFF  }
0xb5: {  	_ =	strace $0x90000048  }
0xb6: {  	_ =	sfence  }
0xb7: {  	s30 =	sld [smem:$0x0];
	_ =	sdelay $0x2  }
0xb8: {  	s31 =	sshll.u32 s1, $0xD;
	s1 =	sshrl.u32 s1, $0x2  }
0xb9: {  	s3 =	sand.u32 $0x4000, s31;
	s1 =	sadd.s32 s1, s30  }
0xba: {  	s0 =	sor.u32 s3, s0;
	s1 =	sshll.u32 s1, $0x11  }
0xbb: {  	s0 =	sor.u32 s1, s0  }
0xbc: {  	s0 =	sadd.s32 $0x8F2B, s0  }
0xbd: {  	[sflag:s0] =	ssyncadd.remote.s32 $0x1  }
0xbe: {  	_ =	sfence.sel $0xFFFF  }
0xbf: {  	[dreg:$0x0] =	wrdreg $0xFFFFFFFF;
	(pc) =	sbr.abs _section_cstart, $3  }
0xc0: {  	[dreg:$0x1] =	wrdreg $0xFFFFFFFF  }
0xc1: {  	_ =	task.clear_ibuf [dreg:s6], $0x2FFFF;
	_ =	strace $0x9FFFFFFF  }
0xc2: {  	(tm) =	ssettm $0x7FFFFFFF  }
0xc3: {  	_ =	shalt  }
tec
execute0_lowered:
.L_overlay_start_1:
0x0: {  	(tag) =	ssettag $0x1  }
0x1: {  	s6 =	rddreg [dreg:$0x0]  }
0x2: {  	s1 =	rddreg [dreg:$0x1]  }
0x3: {  	s0 =	rddreg [dreg:$0x2]  }
0x4: {  	s2 =	simm.s32 $0x0;
	s3 =	srdreg.scid;
	s16 =	simm.s32 $0x4200  }
0x5: {  	s17 =	simm.s32 $0x100;
	s18 =	simm.s32 $0x1;
	s19 =	simm.s32 $0x7D  }
0x6: {  	s20 =	simm.s32 $0x80;
	s21 =	simm.s32 $0x2;
	s22 =	simm.s32 $0x180  }
0x7: {  	s23 =	simm.s32 $0x3;
	s24 =	simm.s32 $0x4;
	s7 =	sand.u32 $0x1, s3  }
0x8: {  	s25 =	simm.s32 $0x0;
	s3 =	stileid.u32;
	s8 =	smul.u32 $0x27100, s7  }
0x9: {  	[smem:$0x7FF] =	sst s2;
	s4 =	sadd.s32 $0x17E00, s6;
	s13 =	smul.u32 $0xA000, s3  }
0xa: {  	s11 =	sadd.s32 $0x3800, s6;
	s5 =	sadd.s32 $0x17800, s6;
	s14 =	smul.u32 $0xA000, s7  }
0xb: {  	_ =	strace $0x80000047;
	s9 =	sshll.u32 s7, $0x4;
	s15 =	smul.u32 $0x500, s3  }
0xc: {  	s26 =	ssub.s32 $0x2, s7;
	s10 =	ssub.s32 $0x8C, s3;
	s31 =	smul.u32 $0xA00, s3  }
0xd: {  	s9 =	sor.u32 s3, s9;
	s29 =	sshrl.u32 s26, $0x1;
	s12 =	sadd.s32 s8, s6  }
0xe: {  	s28 =	smul.u32 $0xA00, s9;
	s9 =	ssub.s32 s26, s29;
	s6 =	sshrl.u32 s10, $0x4  }
0xf: {  	s30 =	sshrl.u32 s13, $0x2;
	s13 =	simm.s32 $0x8200;
	s7 =	smax.u32 s9, $0x1  }
0x10: {  	s10 =	sadd.s32 s30, s1;
	s12 =	sadd.s32 s15, s12;
	s15 =	simm.s32 $0x200  }
0x11: {  	s8 =	sadd.s32 s11, s28;
	s11 =	sadd.s32 s14, s11;
	s12 =	sadd.s32 $0x18600, s12  }
0x12: {  	s14 =	simm.s32 $0x5;
	s9 =	sadd.s32 $0x20, s8;
	s11 =	sadd.s32 s31, s11  }
.LBB2_1:
0x13: {  	[tilespmem:s13], [sflag:$0x5] =	stream.linear.gather [hbm4b:s5+s2], $0x2800, $0x38;
	[tilespmem:$0x1E280] =	vst v63  }
0x14: {  	_ =	swait.ge [sflag:s14], $0x2800  }
0x15: {  	[sflag:s14] =	ssyncset.done $0x0  }
0x16: {  	[sflag:s14] =	ssyncadd.s32 $0xFFFFD800  }
0x17: {  	[tilespmem:s15], [sflag:$0x5] =	stream.linear.gather [hbm4b:s4+s2], $0x3E80, $0x38;
	[tilespmem:$0x1E280] =	vst v63  }
0x18: {  	_ =	swait.ge [sflag:s14], $0x3E80  }
0x19: {  	[sflag:s14] =	ssyncset.done $0x0  }
0x1a: {  	[sflag:s14] =	ssyncadd.s32 $0xFFFFC180  }
0x1b: {  	[tilespmem:s16], [sflag:$0x5] =	stream.linear.gather [hbm4b:s4+s2], $0x3E80, $0x38;
	[tilespmem:$0x1E280] =	vst v63  }
0x1c: {  	p0 =	sne.s32 s6, $0x1;
	_ =	swait.ge [sflag:s14], $0x3E80  }
.Ltmp0:
0x1d: {  	[sflag:s14] =	ssyncset.done $0x0;
	(pc) =	sbr.rel @!p0 .LBB2_3-.Ltmp0, $4  }
0x1e: {  	[sflag:s14] =	ssyncadd.s32 $0xFFFFC180  }
0x1f: {  	[spmem:s10] =	stream.linear.scatter [tilespmem:s13], [sflag:$0x5], $0x2800, $0x38;
	[tilespmem:$0x1E280] =	vst v63  }
0x20: {  	_ =	swait.ge [sflag:s14], $0x2800  }
0x21: {  	s26 =	sadd.s32 $0xFFFFFFFF, s6;
	s28 =	smov.u32 s10;
	[sflag:s14] =	ssyncset.done $0x0  }
.LBB2_2:
0x22: {  	p1 =	sne.s32 s26, $0x1;
	[sflag:s14] =	ssyncadd.s32 $0xFFFFD800;
	s28 =	sadd.s32 $0x28000, s28  }
.Ltmp1:
0x23: {  	s26 =	sadd.s32 $0xFFFFFFFF, s26;
	(pc) =	sbr.rel @p1 .LBB2_2-.Ltmp1, $4  }
0x24: {  	_ = 	snop  }
0x25: {  	[spmem:s28] =	stream.linear.scatter [tilespmem:s13], [sflag:$0x5], $0x2800, $0x38;
	[tilespmem:$0x1E280] =	vst v63  }
0x26: {  	_ =	swait.ge [sflag:s14], $0x2800  }
0x27: {  	[sflag:s14] =	ssyncset.done $0x0  }
.LBB2_3:
0x28: {  	[sflag:s14] =	ssyncadd.s32 $0xFFFFD800  }
0x29: {  	[bflag:$0x0] =	sbarrier.arrive $0xFFFF  }
0x2a: {  	[tilespmem:s2], [sflag:$0x1] =	stream.linear.gather [hbm4b:s8+s2], $0x100, $0x38;
	[tilespmem:$0x1E280] =	vst v63  }
0x2b: {  	_ = 	snop  }
0x2c: {  	[tilespmem:s17], [sflag:$0x2] =	stream.linear.gather [hbm4b:s9+s2], $0x100, $0x38;
	[tilespmem:$0x1E280] =	vst v63  }
0x2d: {  	_ =	swait.ge [sflag:s18], $0x100  }
0x2e: {  	[sflag:s18] =	ssyncset.done $0x0  }
0x2f: {  	[sflag:s18] =	ssyncadd.s32 $0xFFFFFF00  }
0x30: {  	[spmem:s1] =	stream.indirect.scatter.add.f32 [tilespmem:s15], [sflag:$0x3], $0x80, s20, s19, $0xb8;
	[tilespmem:$0x1E280] =	vst v63  }
0x31: {  	_ =	swait.ge [sflag:s21], $0x100  }
0x32: {  	[sflag:s21] =	ssyncset.done $0x0  }
0x33: {  	[sflag:s21] =	ssyncadd.s32 $0xFFFFFF00  }
0x34: {  	[spmem:s1] =	stream.indirect.scatter.add.f32 [tilespmem:s16], [sflag:$0x4], $0x80, s22, s19, $0xb8;
	[tilespmem:$0x1E280] =	vst v63  }
0x35: {  	_ =	swait.ge [sflag:s23], $0x3E80  }
0x36: {  	s26 =	sadd.s32 $0xFFFFF640, s11;
	[sflag:s23] =	ssyncset.done $0x0  }
0x37: {  	s28 =	sadd.s32 $0xA00, s26;
	[sflag:s23] =	ssyncadd.s32 $0xFFFFC180  }
0x38: {  	[tilespmem:s2], [sflag:$0x1] =	stream.linear.gather [hbm4b:s28+s2], $0x100, $0x38;
	[tilespmem:$0x1E280] =	vst v63  }
0x39: {  	_ =	swait.ge [sflag:s24], $0x3E80  }
0x3a: {  	[sflag:s24] =	ssyncset.done $0x0  }
0x3b: {  	s26 =	sadd.s32 $0xA20, s26;
	[sflag:s24] =	ssyncadd.s32 $0xFFFFC180  }
0x3c: {  	[tilespmem:s17], [sflag:$0x2] =	stream.linear.gather [hbm4b:s26+s2], $0x100, $0x38;
	[tilespmem:$0x1E280] =	vst v63  }
0x3d: {  	_ =	swait.ge [sflag:s18], $0x100  }
0x3e: {  	[sflag:s18] =	ssyncset.done $0x0  }
0x3f: {  	[sflag:s18] =	ssyncadd.s32 $0xFFFFFF00  }
0x40: {  	[spmem:s1] =	stream.indirect.scatter.add.f32 [tilespmem:s15], [sflag:$0x3], $0x80, s20, s19, $0xb8;
	[tilespmem:$0x1E280] =	vst v63  }
0x41: {  	_ =	swait.ge [sflag:s21], $0x100  }
0x42: {  	[sflag:s21] =	ssyncset.done $0x0  }
0x43: {  	s26 =	simm.s32 $0xFFFFF680;
	[sflag:s21] =	ssyncadd.s32 $0xFFFFFF00  }
.LBB2_4:
0x44: {  	[spmem:s1] =	stream.indirect.scatter.add.f32 [tilespmem:s16], [sflag:$0x4], $0x80, s22, s19, $0xb8;
	[tilespmem:$0x1E280] =	vst v63  }
0x45: {  	s28 =	smov.u32 s26  }
0x46: {  	p1 =	sne.s32 s26, $0xFFFFFFC0;
	s26 =	sadd.s32 $0x40, s26;
	_ =	swait.ge [sflag:s23], $0x3E80  }
0x47: {  	s28 =	sadd.s32 s28, s11;
	[sflag:s23] =	ssyncset.done $0x0  }
0x48: {  	s29 =	sadd.s32 $0xA00, s28;
	[sflag:s23] =	ssyncadd.s32 $0xFFFFC180  }
0x49: {  	[tilespmem:s2], [sflag:$0x1] =	stream.linear.gather [hbm4b:s29+s2], $0x100, $0x38;
	[tilespmem:$0x1E280] =	vst v63  }
0x4a: {  	_ =	swait.ge [sflag:s24], $0x3E80  }
0x4b: {  	[sflag:s24] =	ssyncset.done $0x0  }
0x4c: {  	s28 =	sadd.s32 $0xA20, s28;
	[sflag:s24] =	ssyncadd.s32 $0xFFFFC180  }
0x4d: {  	[tilespmem:s17], [sflag:$0x2] =	stream.linear.gather [hbm4b:s28+s2], $0x100, $0x38;
	[tilespmem:$0x1E280] =	vst v63  }
0x4e: {  	_ =	swait.ge [sflag:s18], $0x100  }
0x4f: {  	[sflag:s18] =	ssyncset.done $0x0  }
.Ltmp2:
0x50: {  	[sflag:s18] =	ssyncadd.s32 $0xFFFFFF00;
	(pc) =	sbr.rel @p1 .LBB2_4-.Ltmp2, $4  }
0x51: {  	[spmem:s1] =	stream.indirect.scatter.add.f32 [tilespmem:s15], [sflag:$0x3], $0x80, s20, s19, $0xb8;
	[tilespmem:$0x1E280] =	vst v63  }
0x52: {  	_ =	swait.ge [sflag:s21], $0x100  }
0x53: {  	[sflag:s21] =	ssyncset.done $0x0  }
0x54: {  	[sflag:s21] =	ssyncadd.s32 $0xFFFFFF00  }
0x55: {  	[spmem:s1] =	stream.indirect.scatter.add.f32 [tilespmem:s16], [sflag:$0x4], $0x80, s22, s19, $0xb8;
	[tilespmem:$0x1E280] =	vst v63  }
0x56: {  	_ =	swait.ge [sflag:s23], $0x3E80  }
0x57: {  	[sflag:s23] =	ssyncset.done $0x0  }
0x58: {  	[sflag:s23] =	ssyncadd.s32 $0xFFFFC180  }
0x59: {  	_ =	swait.ge [sflag:s24], $0x3E80  }
0x5a: {  	[sflag:s24] =	ssyncset.done $0x0  }
0x5b: {  	[sflag:s24] =	ssyncadd.s32 $0xFFFFC180  }
0x5c: {  	[bflag:$0x0] =	sbarrier.arrive $0xFFFF  }
0x5d: {  	[tilespmem:s13], [sflag:$0x5] =	stream.linear.gather [spmem:s10], $0x2800, $0x38;
	[tilespmem:$0x1E280] =	vst v63  }
0x5e: {  	_ =	swait.ge [sflag:s14], $0x2800  }
.Ltmp3:
0x5f: {  	[sflag:s14] =	ssyncset.done $0x0;
	(pc) =	sbr.rel @!p0 .LBB2_7-.Ltmp3, $4  }
0x60: {  	[sflag:s14] =	ssyncadd.s32 $0xFFFFD800  }
0x61: {  	[hbm4b:s12+s2] =	stream.linear.scatter [tilespmem:s13], [sflag:$0x5], $0x2800, $0x38;
	[tilespmem:$0x1E280] =	vst v63  }
0x62: {  	s26 =	sadd.s32 $0xFFFFFFFF, s6;
	_ =	swait.ge [sflag:s14], $0x2800  }
0x63: {  	s28 =	smov.u32 s12;
	s29 =	smov.u32 s10;
	[sflag:s14] =	ssyncset.done $0x0  }
.LBB2_6:
0x64: {  	[sflag:s14] =	ssyncadd.s32 $0xFFFFD800;
	s28 =	sadd.s32 $0x5000, s28;
	s29 =	sadd.s32 $0x28000, s29  }
0x65: {  	[tilespmem:s13], [sflag:$0x5] =	stream.linear.gather [spmem:s29], $0x2800, $0x38;
	[tilespmem:$0x1E280] =	vst v63  }
0x66: {  	p0 =	sne.s32 s26, $0x1;
	s26 =	sadd.s32 $0xFFFFFFFF, s26;
	_ =	swait.ge [sflag:s14], $0x2800  }
.Ltmp4:
0x67: {  	[sflag:s14] =	ssyncset.done $0x0;
	(pc) =	sbr.rel @p0 .LBB2_6-.Ltmp4, $4  }
0x68: {  	[sflag:s14] =	ssyncadd.s32 $0xFFFFD800  }
0x69: {  	[hbm4b:s28+s2] =	stream.linear.scatter [tilespmem:s13], [sflag:$0x5], $0x2800, $0x38;
	[tilespmem:$0x1E280] =	vst v63  }
0x6a: {  	_ =	swait.ge [sflag:s14], $0x2800  }
0x6b: {  	[sflag:s14] =	ssyncset.done $0x0  }
.LBB2_7:
0x6c: {  	s25 =	sadd.s32 $0x1, s25  }
0x6d: {  	p0 =	sne.s32 s25, s7  }
.Ltmp5:
0x6e: {  	_ = 	snop;
	(pc) =	sbr.rel @p0 .LBB2_1-.Ltmp5, $2  }
0x6f: {  	_ =	sdelay $0x2  }
0x70: {  	[sflag:s14] =	ssyncadd.s32 $0xFFFFD800  }
0x71: {  	_ =	sfence.sel $0x180000  }
0x72: {  	[bflag:$0x0] =	sbarrier.arrive $0xFFFF  }
0x73: {  	p0 =	sne.s32 s3, $0x0;
	_ =	strace $0x90000047  }
0x74: {  	s0 =	sadd.s32 @!p0 $0x100000, s0;
	[bflag:$0x2] =	sbarrier.arrive $0xFFFF  }
0x75: {  	[sflag:s0] =	ssyncadd.tile.s32 @!p0 $0x1;
	_ =	shalt  }
.Lfunc_end2:
_tile_overlayer_lowered:
.L_overlay_start_2:
0x76: {  	(tag) =	ssettag $0x2  }
0x77: {  	s0 =	rddreg [dreg:$0x0];
	s2 =	stileid.u32  }
0x78: {  	s1 =	rddreg [dreg:$0x1];
	p0 =	sne.s32 s2, $0x0  }
0x79: {  	s3 =	rddreg [dreg:$0x2];
	[bflag:$0x3] =	sbarrier.arrive $0xFFFF;
	s2 =	simm.s32 @!p0 $0x1C05  }
0x7a: {  	[timem:s3], [sflag:s2] =	dma.local @!p0 [hbm:s0], s1  }
0x7b: {  	s0 =	simm.s32 @!p0 $0x5  }
0x7c: {  	_ =	swait.ge @!p0 [sflag:s0], s1  }
0x7d: {  	s1 =	ssub.s32 @!p0 $0x0, s1;
	[sflag:s0] =	ssyncset.done @!p0 $0x0  }
0x7e: {  	[sflag:s0] =	ssyncadd.s32 @!p0 s1  }
0x7f: {  	[bflag:$0x3] =	sbarrier.arrive $0xFFFF  }
0x80: {  	_ =	shalt  }

</sc_bundles>
